<compile_context>
chip_gen: v7x
topology: tpu7x:2x2x1
jax: 0.10.2.dev20260603
libtpu: 0.0.44.dev20260713+nightly
codegen_flags: <defaults>
</compile_context>

<pallas_src>
import functools

import jax
import jax.numpy as jnp
from jax import lax
from jax.experimental import pallas as pl
from jax.experimental.pallas import tpu as pltpu
from jax.experimental.pallas import tpu_sc as plsc

_N = 10000
_E = 320000
_D = 128
_CL = 16
_NC = 2
_NS = 16
_NW = _NC * _NS
_EPW = _E // _NW
_CH = 80
_NCHUNK = _EPW // _CH
_NP = 10240
_RPS = _NP // _NS
_HW = 16

_DH = _D // _NC
_EPS = _E // _NS
_NCHUNK2 = _EPS // _CH

_UNTILED = pltpu.CompilerParams(use_tc_tiling_on_sc=False)


def _mesh():
    return plsc.VectorSubcoreMesh(core_axis_name="c", subcore_axis_name="s")


@functools.partial(
    pl.kernel,
    out_type=jax.ShapeDtypeStruct((_NC, 2, _NP, _HW), jnp.float32),
    mesh=_mesh(),
    compiler_params=_UNTILED,
    scratch_types=[
        pltpu.VMEM((_NCHUNK, _CH), jnp.int32),
        pltpu.VMEM((_NCHUNK, _CH), jnp.int32),
        pltpu.VMEM((_CH, _HW), jnp.float32),
        pltpu.VMEM_SHARED((_NP, _HW), jnp.float32),
        pltpu.VMEM_SHARED((_NP, _HW), jnp.float32),
        pltpu.SemaphoreType.DMA,
    ],
)
def _hist_kernel(src_hbm, dst_hbm, ones_hbm, zeros_hbm, out_hbm,
                 srcb, dstb, onesb, h0, h1, sem):
    cid = lax.axis_index("c")
    sid = lax.axis_index("s")
    wid = cid * _NS + sid
    pltpu.sync_copy(src_hbm.at[wid], srcb)
    pltpu.sync_copy(dst_hbm.at[wid], dstb)
    pltpu.sync_copy(ones_hbm, onesb)
    r0 = sid * _RPS
    pltpu.sync_copy(zeros_hbm, h0.at[pl.ds(r0, _RPS)])
    pltpu.sync_copy(zeros_hbm, h1.at[pl.ds(r0, _RPS)])
    plsc.subcore_barrier()

    def fire(j, carry):
        pltpu.async_copy(onesb, h0.at[srcb.at[j]], sem, add=True)
        pltpu.async_copy(onesb, h1.at[dstb.at[j]], sem, add=True)
        return carry

    lax.fori_loop(0, _NCHUNK, fire, 0)

    def drain(j, carry):
        pltpu.make_async_copy(onesb, h0.at[srcb.at[j]], sem).wait()
        pltpu.make_async_copy(onesb, h1.at[dstb.at[j]], sem).wait()
        return carry

    lax.fori_loop(0, _NCHUNK, drain, 0)
    plsc.subcore_barrier()
    pltpu.sync_copy(h0.at[pl.ds(r0, _RPS)], out_hbm.at[cid, 0, pl.ds(r0, _RPS)])
    pltpu.sync_copy(h1.at[pl.ds(r0, _RPS)], out_hbm.at[cid, 1, pl.ds(r0, _RPS)])


_NBUF_D = 8
_DD_D = 6
_NBUF_C = 10
_DD_C = 8


def _scatter_body(z_view, src_hbm, dst_hbm, zeros_hbm, out_hbm,
                  srcb, dstb, rows, acc, sg, ss, idx_row, cid, sid, nchunk,
                  nbuf, dd):
    pltpu.sync_copy(src_hbm.at[idx_row], srcb)
    pltpu.sync_copy(dst_hbm.at[idx_row], dstb)
    r0 = sid * _RPS
    pltpu.sync_copy(zeros_hbm, acc.at[pl.ds(r0, _RPS)])
    plsc.subcore_barrier()

    for b in range(dd):
        pltpu.async_copy(z_view.at[srcb.at[b]], rows[b], sg[b])

    def step(j, b):
        gb = (b + dd) % nbuf

        @pl.when(j + dd < nchunk)
        def _start_next():
            @pl.when(j + dd >= nbuf)
            def _wait_buffer_free():
                pltpu.make_async_copy(
                    rows[gb], acc.at[dstb.at[j + dd - nbuf]], ss[gb]).wait()

            pltpu.async_copy(z_view.at[srcb.at[j + dd]], rows[gb], sg[gb])

        pltpu.make_async_copy(z_view.at[srcb.at[j]], rows[b], sg[b]).wait()
        pltpu.async_copy(rows[b], acc.at[dstb.at[j]], ss[b], add=True)

    def body(j, carry):
        for b in range(nbuf):
            @pl.when(j % nbuf == b)
            def _branch(b=b):
                step(j, b)

        return carry

    lax.fori_loop(0, nchunk, body, 0)
    for i in range(nchunk - nbuf, nchunk):
        b = i % nbuf
        pltpu.make_async_copy(rows[b], acc.at[dstb.at[i]], ss[b]).wait()
    plsc.subcore_barrier()
    pltpu.sync_copy(acc.at[pl.ds(r0, _RPS)], out_hbm.at[cid, pl.ds(r0, _RPS)])


@functools.partial(
    pl.kernel,
    out_type=jax.ShapeDtypeStruct((_NC, _NP, _DH), jnp.bfloat16),
    mesh=_mesh(),
    compiler_params=_UNTILED,
    scratch_types=[
        pltpu.VMEM((_NCHUNK2, _CH), jnp.int32),
        pltpu.VMEM((_NCHUNK2, _CH), jnp.int32),
        [pltpu.VMEM((_CH, _DH), jnp.bfloat16)] * _NBUF_D,
        pltpu.VMEM_SHARED((_NP, _DH), jnp.bfloat16),
        [pltpu.SemaphoreType.DMA] * _NBUF_D,
        [pltpu.SemaphoreType.DMA] * _NBUF_D,
    ],
)
def _scatter_d(z_hbm, src_hbm, dst_hbm, zeros_hbm, out_hbm,
               srcb, dstb, rows, acc, sg, ss):
    cid = lax.axis_index("c")
    sid = lax.axis_index("s")
    _scatter_body(z_hbm.at[cid], src_hbm, dst_hbm, zeros_hbm, out_hbm,
                  srcb, dstb, rows, acc, sg, ss, sid, cid, sid, _NCHUNK2,
                  _NBUF_D, _DD_D)


@functools.partial(
    pl.kernel,
    out_type=jax.ShapeDtypeStruct((_NC, _NP, _CL), jnp.float32),
    mesh=_mesh(),
    compiler_params=_UNTILED,
    scratch_types=[
        pltpu.VMEM((_NCHUNK, _CH), jnp.int32),
        pltpu.VMEM((_NCHUNK, _CH), jnp.int32),
        [pltpu.VMEM((_CH, _CL), jnp.float32)] * _NBUF_C,
        pltpu.VMEM_SHARED((_NP, _CL), jnp.float32),
        [pltpu.SemaphoreType.DMA] * _NBUF_C,
        [pltpu.SemaphoreType.DMA] * _NBUF_C,
    ],
)
def _scatter_c(z_hbm, src_hbm, dst_hbm, zeros_hbm, out_hbm,
               srcb, dstb, rows, acc, sg, ss):
    cid = lax.axis_index("c")
    sid = lax.axis_index("s")
    wid = cid * _NS + sid
    _scatter_body(z_hbm, src_hbm, dst_hbm, zeros_hbm, out_hbm,
                  srcb, dstb, rows, acc, sg, ss, wid, cid, sid, _NCHUNK,
                  _NBUF_C, _DD_C)


def _tc1_body(h_ref, w_ref, hist_ref, z_ref, ac_ref):
    deg_out = hist_ref[0, 0, :_N, 0:1] + hist_ref[1, 0, :_N, 0:1]
    deg_in = hist_ref[0, 1, :_N, 0:1] + hist_ref[1, 1, :_N, 0:1]
    a = lax.rsqrt(jnp.maximum(deg_out, 1.0))
    c = lax.rsqrt(jnp.maximum(deg_in, 1.0))
    y = jnp.dot(h_ref[...], w_ref[...], preferred_element_type=jnp.float32)
    y = y * a
    z_ref[0] = y[:, :_DH].astype(jnp.bfloat16)
    z_ref[1] = y[:, _DH:].astype(jnp.bfloat16)
    ac_ref[...] = jnp.concatenate([a, c], axis=1)


def _tc2_body(p_ref, ac_ref, b1_ref, w2_ref, z2_ref):
    a = ac_ref[:, 0:1]
    c = ac_ref[:, 1:2]
    agg = jnp.concatenate([p_ref[0, :_N], p_ref[1, :_N]], axis=1).astype(jnp.float32)
    h1 = jnp.maximum(agg * c + b1_ref[...].reshape(1, _D), 0.0)
    z2_ref[...] = jnp.dot(h1, w2_ref[...], preferred_element_type=jnp.float32) * a


def _tc3_body(q_ref, ac_ref, b2_ref, o_ref):
    c = ac_ref[:, 1:2]
    o_ref[...] = (q_ref[0, :_N] + q_ref[1, :_N]) * c + b2_ref[...].reshape(1, _CL)


def kernel(h, edge_index, W1, b1, W2, b2):
    src32 = edge_index[0].reshape(_NW, _NCHUNK, _CH)
    dst32 = edge_index[1].reshape(_NW, _NCHUNK, _CH)
    src16 = edge_index[0].reshape(_NS, _NCHUNK2, _CH)
    dst16 = edge_index[1].reshape(_NS, _NCHUNK2, _CH)
    ones_rows = jnp.ones((_CH, _HW), jnp.float32)
    zeros_h = jnp.zeros((_RPS, _HW), jnp.float32)
    zeros_d = jnp.zeros((_RPS, _DH), jnp.bfloat16)
    zeros_c = jnp.zeros((_RPS, _CL), jnp.float32)

    hist = _hist_kernel(src32, dst32, ones_rows, zeros_h)

    z1s, ac = pl.pallas_call(
        _tc1_body,
        out_shape=[
            jax.ShapeDtypeStruct((_NC, _N, _DH), jnp.bfloat16),
            jax.ShapeDtypeStruct((_N, 2), jnp.float32),
        ],
    )(h, W1, hist)

    p = _scatter_d(z1s, src16, dst16, zeros_d)

    z2 = pl.pallas_call(
        _tc2_body,
        out_shape=jax.ShapeDtypeStruct((_N, _CL), jnp.float32),
    )(p, ac, b1, W2)

    q = _scatter_c(z2, src32, dst32, zeros_c)

    out = pl.pallas_call(
        _tc3_body,
        out_shape=jax.ShapeDtypeStruct((_N, _CL), jnp.float32),
    )(q, ac, b2)
    return out

# --- scband reference (transcript-rebuilt; emitter-appended) ---
"""Pipeline reference for scband-net-gcn-62362925138841 (READ-ONLY COPY).

The authoritative reference and input builder live on the scoring server;
editing this copy changes nothing except your own understanding.
"""

import jax, jax.numpy as jnp
import numpy as np

N = 10000
E = 320000
D_IN = 128
D_HID = 128
N_CLASSES = 16


def setup_inputs(seed: int = 0) -> dict:
    key = jax.random.key(seed)
    k1, k2, k3, k4, k5, k6 = jax.random.split(key, 6)
    h = jax.random.normal(k1, (N, D_IN), dtype=jnp.float32)
    edge_index = jax.random.randint(k2, (2, E), 0, N, dtype=jnp.int32)
    W1 = jax.random.normal(k3, (D_IN, D_HID), dtype=jnp.float32) * 0.05
    b1 = jnp.zeros((D_HID,), dtype=jnp.float32)
    W2 = jax.random.normal(k4, (D_HID, N_CLASSES), dtype=jnp.float32) * 0.05
    b2 = jnp.zeros((N_CLASSES,), dtype=jnp.float32)
    return {"h": h, "edge_index": edge_index, "W1": W1, "b1": b1, "W2": W2, "b2": b2}


def reference(h, edge_index, W1, b1, W2, b2):
    # Faithful translation of net_gcn.forward with spar_adj=False:
    #   g.edata['mask'] = ones(E); then 2 GCN layers (linear node func, symmetric
    #   degree normalization, ReLU on all but last layer; dropout is identity in eval).
    src = edge_index[0]
    dst = edge_index[1]
    mask = jnp.ones((E,), dtype=h.dtype)  # g.edata['mask'] = ones
    # symmetric GCN normalization 1/sqrt(deg_src * deg_dst)
    deg_out = jnp.zeros((N,), dtype=h.dtype).at[src].add(1.0)
    deg_in = jnp.zeros((N,), dtype=h.dtype).at[dst].add(1.0)
    deg_out = jnp.clip(deg_out, 1.0, None)
    deg_in = jnp.clip(deg_in, 1.0, None)
    norm = (1.0 / jnp.sqrt(deg_out[src])) * (1.0 / jnp.sqrt(deg_in[dst])) * mask

    def gcn_layer(x, W, b, activate):
        msg = x[src] * norm[:, None]                      # gather + edge weighting
        agg = jnp.zeros((N, x.shape[1]), x.dtype).at[dst].add(msg)  # scatter-add
        out = agg @ W + b                                  # ApplyNodeFunc (linear)
        if activate:
            out = jax.nn.relu(out)
        return out

    h1 = gcn_layer(h, W1, b1, True)
    out = gcn_layer(h1, W2, b2, False)
    return out

if __name__ == "__main__":
    import jax
    _d = setup_inputs()
    print(jax.jit(kernel)(*tuple(_d.values())))

</pallas_src>

<mosaic_0001>
#map = affine_map<(d0, d1) -> (0, 0, 0)>
#map1 = affine_map<(d0, d1) -> (0, 0)>
module attributes {stable_mosaic.version = 14 : i64} {
  func.func @_scatter_d(%arg0: i32, %arg1: i32, %arg2: memref<2x10000x64xbf16, #tpu.memory_space<hbm>>, %arg3: memref<16x250x80xi32, #tpu.memory_space<hbm>>, %arg4: memref<16x250x80xi32, #tpu.memory_space<hbm>>, %arg5: memref<640x64xbf16, #tpu.memory_space<hbm>>, %arg6: memref<2x10240x64xbf16, #tpu.memory_space<hbm>>, %arg7: memref<250x80xi32, #tpu.memory_space<vmem>>, %arg8: memref<250x80xi32, #tpu.memory_space<vmem>>, %arg9: memref<80x64xbf16, #tpu.memory_space<vmem>>, %arg10: memref<80x64xbf16, #tpu.memory_space<vmem>>, %arg11: memref<80x64xbf16, #tpu.memory_space<vmem>>, %arg12: memref<80x64xbf16, #tpu.memory_space<vmem>>, %arg13: memref<80x64xbf16, #tpu.memory_space<vmem>>, %arg14: memref<80x64xbf16, #tpu.memory_space<vmem>>, %arg15: memref<80x64xbf16, #tpu.memory_space<vmem>>, %arg16: memref<80x64xbf16, #tpu.memory_space<vmem>>, %arg17: memref<10240x64xbf16, #tpu.memory_space<vmem_shared>>, %arg18: memref<!tpu.dma_semaphore, #tpu.memory_space<semaphore_mem>>, %arg19: memref<!tpu.dma_semaphore, #tpu.memory_space<semaphore_mem>>, %arg20: memref<!tpu.dma_semaphore, #tpu.memory_space<semaphore_mem>>, %arg21: memref<!tpu.dma_semaphore, #tpu.memory_space<semaphore_mem>>, %arg22: memref<!tpu.dma_semaphore, #tpu.memory_space<semaphore_mem>>, %arg23: memref<!tpu.dma_semaphore, #tpu.memory_space<semaphore_mem>>, %arg24: memref<!tpu.dma_semaphore, #tpu.memory_space<semaphore_mem>>, %arg25: memref<!tpu.dma_semaphore, #tpu.memory_space<semaphore_mem>>, %arg26: memref<!tpu.dma_semaphore, #tpu.memory_space<semaphore_mem>>, %arg27: memref<!tpu.dma_semaphore, #tpu.memory_space<semaphore_mem>>, %arg28: memref<!tpu.dma_semaphore, #tpu.memory_space<semaphore_mem>>, %arg29: memref<!tpu.dma_semaphore, #tpu.memory_space<semaphore_mem>>, %arg30: memref<!tpu.dma_semaphore, #tpu.memory_space<semaphore_mem>>, %arg31: memref<!tpu.dma_semaphore, #tpu.memory_space<semaphore_mem>>, %arg32: memref<!tpu.dma_semaphore, #tpu.memory_space<semaphore_mem>>, %arg33: memref<!tpu.dma_semaphore, #tpu.memory_space<semaphore_mem>>) attributes {dimension_semantics = [#tpu.dimension_semantics<core_parallel>, #tpu.dimension_semantics<subcore_parallel>], iteration_bounds = array<i64: 2, 16>, scalar_prefetch = 0 : i64, scratch_operands = 27 : i64, tpu.core_type = #tpu.core_type<sc_vector_subcore>, window_params = [{transform_indices = #map}, {transform_indices = #map}, {transform_indices = #map}, {transform_indices = #map1}, {transform_indices = #map}]} {
    "tpu.region"() ({
      %run_scoped3A = tpu.sem_alloc : memref<!tpu.dma_semaphore, #tpu.memory_space<semaphore_mem>>
      %dma_start3A_127 = arith.constant 0 : i32
      %dma_start3A_128 = arith.constant 0 : i32
      %dma_start3A_129 = tpu.memref_slice %arg3[%arg1, %dma_start3A_127, %dma_start3A_128] : memref<16x250x80xi32, #tpu.memory_space<hbm>> -> memref<1x250x80xi32, #tpu.memory_space<hbm>>
      %dma_start3A_130 = tpu.memref_squeeze %dma_start3A_129 : memref<1x250x80xi32, #tpu.memory_space<hbm>> -> memref<250x80xi32, #tpu.memory_space<hbm>>
      %dma_start3A_131 = arith.constant 0 : i32
      %dma_start3A_132 = arith.constant 0 : i32
      %dma_start3A_133 = tpu.memref_slice %arg3[%arg1, %dma_start3A_131, %dma_start3A_132] : memref<16x250x80xi32, #tpu.memory_space<hbm>> -> memref<1x250x80xi32, #tpu.memory_space<hbm>>
      %dma_start3A_134 = tpu.memref_squeeze %dma_start3A_133 : memref<1x250x80xi32, #tpu.memory_space<hbm>> -> memref<250x80xi32, #tpu.memory_space<hbm>>
      tpu.enqueue_dma source(%dma_start3A_134 : memref<250x80xi32, #tpu.memory_space<hbm>>) target(%arg7 : memref<250x80xi32, #tpu.memory_space<vmem>>) target_semaphore(%run_scoped3A : memref<!tpu.dma_semaphore, #tpu.memory_space<semaphore_mem>>)
      %dma_wait3A_135 = arith.constant 0 : i32
      %dma_wait3A_136 = arith.constant 0 : i32
      %dma_wait3A_137 = tpu.memref_slice %arg3[%arg1, %dma_wait3A_135, %dma_wait3A_136] : memref<16x250x80xi32, #tpu.memory_space<hbm>> -> memref<1x250x80xi32, #tpu.memory_space<hbm>>
      %dma_wait3A_138 = tpu.memref_squeeze %dma_wait3A_137 : memref<1x250x80xi32, #tpu.memory_space<hbm>> -> memref<250x80xi32, #tpu.memory_space<hbm>>
      %dma_wait3A_139 = arith.constant 0 : i32
      %dma_wait3A_140 = arith.constant 0 : i32
      %dma_wait3A_141 = tpu.memref_slice %arg3[%arg1, %dma_wait3A_139, %dma_wait3A_140] : memref<16x250x80xi32, #tpu.memory_space<hbm>> -> memref<1x250x80xi32, #tpu.memory_space<hbm>>
      %dma_wait3A_142 = tpu.memref_squeeze %dma_wait3A_141 : memref<1x250x80xi32, #tpu.memory_space<hbm>> -> memref<250x80xi32, #tpu.memory_space<hbm>>
      tpu.wait_dma2 semaphore(%run_scoped3A : memref<!tpu.dma_semaphore, #tpu.memory_space<semaphore_mem>>) src(%dma_wait3A_142 : memref<250x80xi32, #tpu.memory_space<hbm>>) dst(%arg7 : memref<250x80xi32, #tpu.memory_space<vmem>>)
      tpu.yield
    }) : () -> ()
    "tpu.region"() ({
      %run_scoped3A = tpu.sem_alloc : memref<!tpu.dma_semaphore, #tpu.memory_space<semaphore_mem>>
      %dma_start3A_127 = arith.constant 0 : i32
      %dma_start3A_128 = arith.constant 0 : i32
      %dma_start3A_129 = tpu.memref_slice %arg4[%arg1, %dma_start3A_127, %dma_start3A_128] : memref<16x250x80xi32, #tpu.memory_space<hbm>> -> memref<1x250x80xi32, #tpu.memory_space<hbm>>
      %dma_start3A_130 = tpu.memref_squeeze %dma_start3A_129 : memref<1x250x80xi32, #tpu.memory_space<hbm>> -> memref<250x80xi32, #tpu.memory_space<hbm>>
      %dma_start3A_131 = arith.constant 0 : i32
      %dma_start3A_132 = arith.constant 0 : i32
      %dma_start3A_133 = tpu.memref_slice %arg4[%arg1, %dma_start3A_131, %dma_start3A_132] : memref<16x250x80xi32, #tpu.memory_space<hbm>> -> memref<1x250x80xi32, #tpu.memory_space<hbm>>
      %dma_start3A_134 = tpu.memref_squeeze %dma_start3A_133 : memref<1x250x80xi32, #tpu.memory_space<hbm>> -> memref<250x80xi32, #tpu.memory_space<hbm>>
      tpu.enqueue_dma source(%dma_start3A_134 : memref<250x80xi32, #tpu.memory_space<hbm>>) target(%arg8 : memref<250x80xi32, #tpu.memory_space<vmem>>) target_semaphore(%run_scoped3A : memref<!tpu.dma_semaphore, #tpu.memory_space<semaphore_mem>>)
      %dma_wait3A_135 = arith.constant 0 : i32
      %dma_wait3A_136 = arith.constant 0 : i32
      %dma_wait3A_137 = tpu.memref_slice %arg4[%arg1, %dma_wait3A_135, %dma_wait3A_136] : memref<16x250x80xi32, #tpu.memory_space<hbm>> -> memref<1x250x80xi32, #tpu.memory_space<hbm>>
      %dma_wait3A_138 = tpu.memref_squeeze %dma_wait3A_137 : memref<1x250x80xi32, #tpu.memory_space<hbm>> -> memref<250x80xi32, #tpu.memory_space<hbm>>
      %dma_wait3A_139 = arith.constant 0 : i32
      %dma_wait3A_140 = arith.constant 0 : i32
      %dma_wait3A_141 = tpu.memref_slice %arg4[%arg1, %dma_wait3A_139, %dma_wait3A_140] : memref<16x250x80xi32, #tpu.memory_space<hbm>> -> memref<1x250x80xi32, #tpu.memory_space<hbm>>
      %dma_wait3A_142 = tpu.memref_squeeze %dma_wait3A_141 : memref<1x250x80xi32, #tpu.memory_space<hbm>> -> memref<250x80xi32, #tpu.memory_space<hbm>>
      tpu.wait_dma2 semaphore(%run_scoped3A : memref<!tpu.dma_semaphore, #tpu.memory_space<semaphore_mem>>) src(%dma_wait3A_142 : memref<250x80xi32, #tpu.memory_space<hbm>>) dst(%arg8 : memref<250x80xi32, #tpu.memory_space<vmem>>)
      tpu.yield
    }) : () -> ()
    %mul3A = arith.constant 640 : i32
    %mul3A_0 = arith.muli %arg1, %mul3A : i32
    "tpu.region"() ({
      %run_scoped3A = tpu.sem_alloc : memref<!tpu.dma_semaphore, #tpu.memory_space<semaphore_mem>>
      %dma_start3A_127 = arith.constant 0 : i32
      %dma_start3A_128 = tpu.memref_slice %arg17[%mul3A_0, %dma_start3A_127] : memref<10240x64xbf16, #tpu.memory_space<vmem_shared>> -> memref<640x64xbf16, #tpu.memory_space<vmem_shared>>
      tpu.enqueue_dma source(%arg5 : memref<640x64xbf16, #tpu.memory_space<hbm>>) target(%dma_start3A_128 : memref<640x64xbf16, #tpu.memory_space<vmem_shared>>) target_semaphore(%run_scoped3A : memref<!tpu.dma_semaphore, #tpu.memory_space<semaphore_mem>>)
      %dma_wait3A_129 = arith.constant 0 : i32
      %dma_wait3A_130 = tpu.memref_slice %arg17[%mul3A_0, %dma_wait3A_129] : memref<10240x64xbf16, #tpu.memory_space<vmem_shared>> -> memref<640x64xbf16, #tpu.memory_space<vmem_shared>>
      tpu.wait_dma2 semaphore(%run_scoped3A : memref<!tpu.dma_semaphore, #tpu.memory_space<semaphore_mem>>) src(%arg5 : memref<640x64xbf16, #tpu.memory_space<hbm>>) dst(%dma_wait3A_130 : memref<640x64xbf16, #tpu.memory_space<vmem_shared>>)
      tpu.yield
    }) : () -> ()
    %barrier3A = arith.constant 0 : index
    tpu.barrier barrier_id(%barrier3A)
    %dma_start3A = arith.constant 0 : i32
    %dma_start3A_1 = arith.constant 0 : i32
    %dma_start3A_2 = tpu.memref_slice %arg7[%dma_start3A, %dma_start3A_1] : memref<250x80xi32, #tpu.memory_space<vmem>> -> memref<1x80xi32, #tpu.memory_space<vmem>>
    %dma_start3A_3 = tpu.memref_squeeze %dma_start3A_2 : memref<1x80xi32, #tpu.memory_space<vmem>> -> memref<80xi32, #tpu.memory_space<vmem>>
    %dma_start3A_4 = arith.constant 0 : i32
    %dma_start3A_5 = arith.constant 0 : i32
    %dma_start3A_6 = tpu.memref_slice %arg2[%arg0, %dma_start3A_4, %dma_start3A_5] : memref<2x10000x64xbf16, #tpu.memory_space<hbm>> -> memref<1x10000x64xbf16, #tpu.memory_space<hbm>>
    %dma_start3A_7 = tpu.memref_squeeze %dma_start3A_6 : memref<1x10000x64xbf16, #tpu.memory_space<hbm>> -> memref<10000x64xbf16, #tpu.memory_space<hbm>>
    %dma_start3A_8 = arith.constant 0 : i32
    %dma_start3A_9 = arith.constant 0 : i32
    %dma_start3A_10 = tpu.memref_slice %dma_start3A_7[%dma_start3A_8, %dma_start3A_9] : memref<10000x64xbf16, #tpu.memory_space<hbm>> -> memref<10000x64xbf16, #tpu.memory_space<hbm>>
    tpu.enqueue_indirect_dma source(%dma_start3A_10 : memref<10000x64xbf16, #tpu.memory_space<hbm>>) target(%arg9 : memref<80x64xbf16, #tpu.memory_space<vmem>>) offsets(%dma_start3A_3 : memref<80xi32, #tpu.memory_space<vmem>>) semaphore(%arg18 : memref<!tpu.dma_semaphore, #tpu.memory_space<semaphore_mem>>)
    %dma_start3A_11 = arith.constant 1 : i32
    %dma_start3A_12 = arith.constant 0 : i32
    %dma_start3A_13 = tpu.memref_slice %arg7[%dma_start3A_11, %dma_start3A_12] : memref<250x80xi32, #tpu.memory_space<vmem>> -> memref<1x80xi32, #tpu.memory_space<vmem>>
    %dma_start3A_14 = tpu.memref_squeeze %dma_start3A_13 : memref<1x80xi32, #tpu.memory_space<vmem>> -> memref<80xi32, #tpu.memory_space<vmem>>
    %dma_start3A_15 = arith.constant 0 : i32
    %dma_start3A_16 = arith.constant 0 : i32
    %dma_start3A_17 = tpu.memref_slice %arg2[%arg0, %dma_start3A_15, %dma_start3A_16] : memref<2x10000x64xbf16, #tpu.memory_space<hbm>> -> memref<1x10000x64xbf16, #tpu.memory_space<hbm>>
    %dma_start3A_18 = tpu.memref_squeeze %dma_start3A_17 : memref<1x10000x64xbf16, #tpu.memory_space<hbm>> -> memref<10000x64xbf16, #tpu.memory_space<hbm>>
    %dma_start3A_19 = arith.constant 0 : i32
    %dma_start3A_20 = arith.constant 0 : i32
    %dma_start3A_21 = tpu.memref_slice %dma_start3A_18[%dma_start3A_19, %dma_start3A_20] : memref<10000x64xbf16, #tpu.memory_space<hbm>> -> memref<10000x64xbf16, #tpu.memory_space<hbm>>
    tpu.enqueue_indirect_dma source(%dma_start3A_21 : memref<10000x64xbf16, #tpu.memory_space<hbm>>) target(%arg10 : memref<80x64xbf16, #tpu.memory_space<vmem>>) offsets(%dma_start3A_14 : memref<80xi32, #tpu.memory_space<vmem>>) semaphore(%arg19 : memref<!tpu.dma_semaphore, #tpu.memory_space<semaphore_mem>>)
    %dma_start3A_22 = arith.constant 2 : i32
    %dma_start3A_23 = arith.constant 0 : i32
    %dma_start3A_24 = tpu.memref_slice %arg7[%dma_start3A_22, %dma_start3A_23] : memref<250x80xi32, #tpu.memory_space<vmem>> -> memref<1x80xi32, #tpu.memory_space<vmem>>
    %dma_start3A_25 = tpu.memref_squeeze %dma_start3A_24 : memref<1x80xi32, #tpu.memory_space<vmem>> -> memref<80xi32, #tpu.memory_space<vmem>>
    %dma_start3A_26 = arith.constant 0 : i32
    %dma_start3A_27 = arith.constant 0 : i32
    %dma_start3A_28 = tpu.memref_slice %arg2[%arg0, %dma_start3A_26, %dma_start3A_27] : memref<2x10000x64xbf16, #tpu.memory_space<hbm>> -> memref<1x10000x64xbf16, #tpu.memory_space<hbm>>
    %dma_start3A_29 = tpu.memref_squeeze %dma_start3A_28 : memref<1x10000x64xbf16, #tpu.memory_space<hbm>> -> memref<10000x64xbf16, #tpu.memory_space<hbm>>
    %dma_start3A_30 = arith.constant 0 : i32
    %dma_start3A_31 = arith.constant 0 : i32
    %dma_start3A_32 = tpu.memref_slice %dma_start3A_29[%dma_start3A_30, %dma_start3A_31] : memref<10000x64xbf16, #tpu.memory_space<hbm>> -> memref<10000x64xbf16, #tpu.memory_space<hbm>>
    tpu.enqueue_indirect_dma source(%dma_start3A_32 : memref<10000x64xbf16, #tpu.memory_space<hbm>>) target(%arg11 : memref<80x64xbf16, #tpu.memory_space<vmem>>) offsets(%dma_start3A_25 : memref<80xi32, #tpu.memory_space<vmem>>) semaphore(%arg20 : memref<!tpu.dma_semaphore, #tpu.memory_space<semaphore_mem>>)
    %dma_start3A_33 = arith.constant 3 : i32
    %dma_start3A_34 = arith.constant 0 : i32
    %dma_start3A_35 = tpu.memref_slice %arg7[%dma_start3A_33, %dma_start3A_34] : memref<250x80xi32, #tpu.memory_space<vmem>> -> memref<1x80xi32, #tpu.memory_space<vmem>>
    %dma_start3A_36 = tpu.memref_squeeze %dma_start3A_35 : memref<1x80xi32, #tpu.memory_space<vmem>> -> memref<80xi32, #tpu.memory_space<vmem>>
    %dma_start3A_37 = arith.constant 0 : i32
    %dma_start3A_38 = arith.constant 0 : i32
    %dma_start3A_39 = tpu.memref_slice %arg2[%arg0, %dma_start3A_37, %dma_start3A_38] : memref<2x10000x64xbf16, #tpu.memory_space<hbm>> -> memref<1x10000x64xbf16, #tpu.memory_space<hbm>>
    %dma_start3A_40 = tpu.memref_squeeze %dma_start3A_39 : memref<1x10000x64xbf16, #tpu.memory_space<hbm>> -> memref<10000x64xbf16, #tpu.memory_space<hbm>>
    %dma_start3A_41 = arith.constant 0 : i32
    %dma_start3A_42 = arith.constant 0 : i32
    %dma_start3A_43 = tpu.memref_slice %dma_start3A_40[%dma_start3A_41, %dma_start3A_42] : memref<10000x64xbf16, #tpu.memory_space<hbm>> -> memref<10000x64xbf16, #tpu.memory_space<hbm>>
    tpu.enqueue_indirect_dma source(%dma_start3A_43 : memref<10000x64xbf16, #tpu.memory_space<hbm>>) target(%arg12 : memref<80x64xbf16, #tpu.memory_space<vmem>>) offsets(%dma_start3A_36 : memref<80xi32, #tpu.memory_space<vmem>>) semaphore(%arg21 : memref<!tpu.dma_semaphore, #tpu.memory_space<semaphore_mem>>)
    %dma_start3A_44 = arith.constant 4 : i32
    %dma_start3A_45 = arith.constant 0 : i32
    %dma_start3A_46 = tpu.memref_slice %arg7[%dma_start3A_44, %dma_start3A_45] : memref<250x80xi32, #tpu.memory_space<vmem>> -> memref<1x80xi32, #tpu.memory_space<vmem>>
    %dma_start3A_47 = tpu.memref_squeeze %dma_start3A_46 : memref<1x80xi32, #tpu.memory_space<vmem>> -> memref<80xi32, #tpu.memory_space<vmem>>
    %dma_start3A_48 = arith.constant 0 : i32
    %dma_start3A_49 = arith.constant 0 : i32
    %dma_start3A_50 = tpu.memref_slice %arg2[%arg0, %dma_start3A_48, %dma_start3A_49] : memref<2x10000x64xbf16, #tpu.memory_space<hbm>> -> memref<1x10000x64xbf16, #tpu.memory_space<hbm>>
    %dma_start3A_51 = tpu.memref_squeeze %dma_start3A_50 : memref<1x10000x64xbf16, #tpu.memory_space<hbm>> -> memref<10000x64xbf16, #tpu.memory_space<hbm>>
    %dma_start3A_52 = arith.constant 0 : i32
    %dma_start3A_53 = arith.constant 0 : i32
    %dma_start3A_54 = tpu.memref_slice %dma_start3A_51[%dma_start3A_52, %dma_start3A_53] : memref<10000x64xbf16, #tpu.memory_space<hbm>> -> memref<10000x64xbf16, #tpu.memory_space<hbm>>
    tpu.enqueue_indirect_dma source(%dma_start3A_54 : memref<10000x64xbf16, #tpu.memory_space<hbm>>) target(%arg13 : memref<80x64xbf16, #tpu.memory_space<vmem>>) offsets(%dma_start3A_47 : memref<80xi32, #tpu.memory_space<vmem>>) semaphore(%arg22 : memref<!tpu.dma_semaphore, #tpu.memory_space<semaphore_mem>>)
    %dma_start3A_55 = arith.constant 5 : i32
    %dma_start3A_56 = arith.constant 0 : i32
    %dma_start3A_57 = tpu.memref_slice %arg7[%dma_start3A_55, %dma_start3A_56] : memref<250x80xi32, #tpu.memory_space<vmem>> -> memref<1x80xi32, #tpu.memory_space<vmem>>
    %dma_start3A_58 = tpu.memref_squeeze %dma_start3A_57 : memref<1x80xi32, #tpu.memory_space<vmem>> -> memref<80xi32, #tpu.memory_space<vmem>>
    %dma_start3A_59 = arith.constant 0 : i32
    %dma_start3A_60 = arith.constant 0 : i32
    %dma_start3A_61 = tpu.memref_slice %arg2[%arg0, %dma_start3A_59, %dma_start3A_60] : memref<2x10000x64xbf16, #tpu.memory_space<hbm>> -> memref<1x10000x64xbf16, #tpu.memory_space<hbm>>
    %dma_start3A_62 = tpu.memref_squeeze %dma_start3A_61 : memref<1x10000x64xbf16, #tpu.memory_space<hbm>> -> memref<10000x64xbf16, #tpu.memory_space<hbm>>
    %dma_start3A_63 = arith.constant 0 : i32
    %dma_start3A_64 = arith.constant 0 : i32
    %dma_start3A_65 = tpu.memref_slice %dma_start3A_62[%dma_start3A_63, %dma_start3A_64] : memref<10000x64xbf16, #tpu.memory_space<hbm>> -> memref<10000x64xbf16, #tpu.memory_space<hbm>>
    tpu.enqueue_indirect_dma source(%dma_start3A_65 : memref<10000x64xbf16, #tpu.memory_space<hbm>>) target(%arg14 : memref<80x64xbf16, #tpu.memory_space<vmem>>) offsets(%dma_start3A_58 : memref<80xi32, #tpu.memory_space<vmem>>) semaphore(%arg23 : memref<!tpu.dma_semaphore, #tpu.memory_space<semaphore_mem>>)
    %scan3A = arith.constant 0 : i32
    %scan3A_66 = arith.constant 0 : i32
    %scan3A_67 = arith.constant 250 : i32
    %scan3A_68 = arith.addi %scan3A_66, %scan3A_67 : i32
    %scan3A_69 = arith.constant 1 : i32
    scf.for %scan3A_127 = %scan3A_66 to %scan3A_68 step %scan3A_69  : i32 {
      %jit3A = arith.constant 8 : i32
      %eq3A = arith.constant 0 : i32
      %eq3A_128 = arith.cmpi eq, %jit3A, %eq3A : i32
      %jit3A_129 = arith.constant 1 : i32
      %select_n3A = arith.select %eq3A_128, %jit3A_129, %jit3A : i32
      %rem3A = arith.remsi %scan3A_127, %select_n3A : i32
      %ne3A = arith.constant 0 : i32
      %ne3A_130 = arith.cmpi ne, %rem3A, %ne3A : i32
      %lt3A = arith.constant 0 : i32
      %lt3A_131 = arith.cmpi slt, %rem3A, %lt3A : i32
      %lt3A_132 = arith.constant 0 : i32
      %lt3A_133 = arith.cmpi slt, %select_n3A, %lt3A_132 : i32
      %ne3A_134 = arith.xori %lt3A_131, %lt3A_133 : i1
      %and3A = arith.andi %ne3A_134, %ne3A_130 : i1
      %add3A = arith.addi %rem3A, %select_n3A : i32
      %select_n3A_135 = arith.select %and3A, %add3A, %rem3A : i32
      %eq3A_136 = arith.constant 0 : i32
      %eq3A_137 = arith.cmpi eq, %select_n3A_135, %eq3A_136 : i32
      %convert_element_type3A = arith.extui %eq3A_137 : i1 to i32
      %cond3A = arith.constant 0 : i32
      %cond3A_138 = arith.cmpi ne, %convert_element_type3A, %cond3A : i32
      scf.if %cond3A_138 {
        %add3A_286 = arith.constant 6 : i32
        %add3A_287 = arith.addi %scan3A_127, %add3A_286 : i32
        %lt3A_288 = arith.constant 250 : i32
        %lt3A_289 = arith.cmpi slt, %add3A_287, %lt3A_288 : i32
        %convert_element_type3A_290 = arith.extui %lt3A_289 : i1 to i32
        %cond3A_291 = arith.constant 0 : i32
        %cond3A_292 = arith.cmpi ne, %convert_element_type3A_290, %cond3A_291 : i32
        scf.if %cond3A_292 {
          %add3A_309 = arith.constant 6 : i32
          %add3A_310 = arith.addi %scan3A_127, %add3A_309 : i32
          %ge3A = arith.constant 8 : i32
          %ge3A_311 = arith.cmpi sge, %add3A_310, %ge3A : i32
          %convert_element_type3A_312 = arith.extui %ge3A_311 : i1 to i32
          %cond3A_313 = arith.constant 0 : i32
          %cond3A_314 = arith.cmpi ne, %convert_element_type3A_312, %cond3A_313 : i32
          scf.if %cond3A_314 {
            %add3A_327 = arith.constant 6 : i32
            %add3A_328 = arith.addi %scan3A_127, %add3A_327 : i32
            %sub3A = arith.constant 8 : i32
            %sub3A_329 = arith.subi %add3A_328, %sub3A : i32
            %dma_wait3A_330 = arith.constant 0 : i32
            %dma_wait3A_331 = tpu.memref_slice %arg8[%sub3A_329, %dma_wait3A_330] : memref<250x80xi32, #tpu.memory_space<vmem>> -> memref<1x80xi32, #tpu.memory_space<vmem>>
            %dma_wait3A_332 = tpu.memref_squeeze %dma_wait3A_331 : memref<1x80xi32, #tpu.memory_space<vmem>> -> memref<80xi32, #tpu.memory_space<vmem>>
            %dma_wait3A_333 = arith.constant 0 : i32
            %dma_wait3A_334 = arith.constant 0 : i32
            %dma_wait3A_335 = tpu.memref_slice %arg17[%dma_wait3A_333, %dma_wait3A_334] : memref<10240x64xbf16, #tpu.memory_space<vmem_shared>> -> memref<10240x64xbf16, #tpu.memory_space<vmem_shared>>
            tpu.wait_indirect_dma semaphore(%arg32 : memref<!tpu.dma_semaphore, #tpu.memory_space<semaphore_mem>>) src(%arg15 : memref<80x64xbf16, #tpu.memory_space<vmem>>) dst(%dma_wait3A_335 : memref<10240x64xbf16, #tpu.memory_space<vmem_shared>>)
          } else {
          }
          %add3A_315 = arith.constant 6 : i32
          %add3A_316 = arith.addi %scan3A_127, %add3A_315 : i32
          %dma_start3A_317 = arith.constant 0 : i32
          %dma_start3A_318 = tpu.memref_slice %arg7[%add3A_316, %dma_start3A_317] : memref<250x80xi32, #tpu.memory_space<vmem>> -> memref<1x80xi32, #tpu.memory_space<vmem>>
          %dma_start3A_319 = tpu.memref_squeeze %dma_start3A_318 : memref<1x80xi32, #tpu.memory_space<vmem>> -> memref<80xi32, #tpu.memory_space<vmem>>
          %dma_start3A_320 = arith.constant 0 : i32
          %dma_start3A_321 = arith.constant 0 : i32
          %dma_start3A_322 = tpu.memref_slice %arg2[%arg0, %dma_start3A_320, %dma_start3A_321] : memref<2x10000x64xbf16, #tpu.memory_space<hbm>> -> memref<1x10000x64xbf16, #tpu.memory_space<hbm>>
          %dma_start3A_323 = tpu.memref_squeeze %dma_start3A_322 : memref<1x10000x64xbf16, #tpu.memory_space<hbm>> -> memref<10000x64xbf16, #tpu.memory_space<hbm>>
          %dma_start3A_324 = arith.constant 0 : i32
          %dma_start3A_325 = arith.constant 0 : i32
          %dma_start3A_326 = tpu.memref_slice %dma_start3A_323[%dma_start3A_324, %dma_start3A_325] : memref<10000x64xbf16, #tpu.memory_space<hbm>> -> memref<10000x64xbf16, #tpu.memory_space<hbm>>
          tpu.enqueue_indirect_dma source(%dma_start3A_326 : memref<10000x64xbf16, #tpu.memory_space<hbm>>) target(%arg15 : memref<80x64xbf16, #tpu.memory_space<vmem>>) offsets(%dma_start3A_319 : memref<80xi32, #tpu.memory_space<vmem>>) semaphore(%arg24 : memref<!tpu.dma_semaphore, #tpu.memory_space<semaphore_mem>>)
        } else {
        }
        %dma_wait3A_293 = arith.constant 0 : i32
        %dma_wait3A_294 = tpu.memref_slice %arg7[%scan3A_127, %dma_wait3A_293] : memref<250x80xi32, #tpu.memory_space<vmem>> -> memref<1x80xi32, #tpu.memory_space<vmem>>
        %dma_wait3A_295 = tpu.memref_squeeze %dma_wait3A_294 : memref<1x80xi32, #tpu.memory_space<vmem>> -> memref<80xi32, #tpu.memory_space<vmem>>
        %dma_wait3A_296 = arith.constant 0 : i32
        %dma_wait3A_297 = arith.constant 0 : i32
        %dma_wait3A_298 = tpu.memref_slice %arg2[%arg0, %dma_wait3A_296, %dma_wait3A_297] : memref<2x10000x64xbf16, #tpu.memory_space<hbm>> -> memref<1x10000x64xbf16, #tpu.memory_space<hbm>>
        %dma_wait3A_299 = tpu.memref_squeeze %dma_wait3A_298 : memref<1x10000x64xbf16, #tpu.memory_space<hbm>> -> memref<10000x64xbf16, #tpu.memory_space<hbm>>
        %dma_wait3A_300 = arith.constant 0 : i32
        %dma_wait3A_301 = arith.constant 0 : i32
        %dma_wait3A_302 = tpu.memref_slice %dma_wait3A_299[%dma_wait3A_300, %dma_wait3A_301] : memref<10000x64xbf16, #tpu.memory_space<hbm>> -> memref<10000x64xbf16, #tpu.memory_space<hbm>>
        tpu.wait_indirect_dma semaphore(%arg18 : memref<!tpu.dma_semaphore, #tpu.memory_space<semaphore_mem>>) src(%dma_wait3A_302 : memref<10000x64xbf16, #tpu.memory_space<hbm>>) dst(%arg9 : memref<80x64xbf16, #tpu.memory_space<vmem>>)
        %dma_start3A_303 = arith.constant 0 : i32
        %dma_start3A_304 = tpu.memref_slice %arg8[%scan3A_127, %dma_start3A_303] : memref<250x80xi32, #tpu.memory_space<vmem>> -> memref<1x80xi32, #tpu.memory_space<vmem>>
        %dma_start3A_305 = tpu.memref_squeeze %dma_start3A_304 : memref<1x80xi32, #tpu.memory_space<vmem>> -> memref<80xi32, #tpu.memory_space<vmem>>
        %dma_start3A_306 = arith.constant 0 : i32
        %dma_start3A_307 = arith.constant 0 : i32
        %dma_start3A_308 = tpu.memref_slice %arg17[%dma_start3A_306, %dma_start3A_307] : memref<10240x64xbf16, #tpu.memory_space<vmem_shared>> -> memref<10240x64xbf16, #tpu.memory_space<vmem_shared>>
        tpu.enqueue_indirect_dma source(%arg9 : memref<80x64xbf16, #tpu.memory_space<vmem>>) target(%dma_start3A_308 : memref<10240x64xbf16, #tpu.memory_space<vmem_shared>>) offsets(%dma_start3A_305 : memref<80xi32, #tpu.memory_space<vmem>>) semaphore(%arg26 : memref<!tpu.dma_semaphore, #tpu.memory_space<semaphore_mem>>) {add = true}
      } else {
      }
      %jit3A_139 = arith.constant 8 : i32
      %eq3A_140 = arith.constant 0 : i32
      %eq3A_141 = arith.cmpi eq, %jit3A_139, %eq3A_140 : i32
      %jit3A_142 = arith.constant 1 : i32
      %select_n3A_143 = arith.select %eq3A_141, %jit3A_142, %jit3A_139 : i32
      %rem3A_144 = arith.remsi %scan3A_127, %select_n3A_143 : i32
      %ne3A_145 = arith.constant 0 : i32
      %ne3A_146 = arith.cmpi ne, %rem3A_144, %ne3A_145 : i32
      %lt3A_147 = arith.constant 0 : i32
      %lt3A_148 = arith.cmpi slt, %rem3A_144, %lt3A_147 : i32
      %lt3A_149 = arith.constant 0 : i32
      %lt3A_150 = arith.cmpi slt, %select_n3A_143, %lt3A_149 : i32
      %ne3A_151 = arith.xori %lt3A_148, %lt3A_150 : i1
      %and3A_152 = arith.andi %ne3A_151, %ne3A_146 : i1
      %add3A_153 = arith.addi %rem3A_144, %select_n3A_143 : i32
      %select_n3A_154 = arith.select %and3A_152, %add3A_153, %rem3A_144 : i32
      %eq3A_155 = arith.constant 1 : i32
      %eq3A_156 = arith.cmpi eq, %select_n3A_154, %eq3A_155 : i32
      %convert_element_type3A_157 = arith.extui %eq3A_156 : i1 to i32
      %cond3A_158 = arith.constant 0 : i32
      %cond3A_159 = arith.cmpi ne, %convert_element_type3A_157, %cond3A_158 : i32
      scf.if %cond3A_159 {
        %add3A_286 = arith.constant 6 : i32
        %add3A_287 = arith.addi %scan3A_127, %add3A_286 : i32
        %lt3A_288 = arith.constant 250 : i32
        %lt3A_289 = arith.cmpi slt, %add3A_287, %lt3A_288 : i32
        %convert_element_type3A_290 = arith.extui %lt3A_289 : i1 to i32
        %cond3A_291 = arith.constant 0 : i32
        %cond3A_292 = arith.cmpi ne, %convert_element_type3A_290, %cond3A_291 : i32
        scf.if %cond3A_292 {
          %add3A_309 = arith.constant 6 : i32
          %add3A_310 = arith.addi %scan3A_127, %add3A_309 : i32
          %ge3A = arith.constant 8 : i32
          %ge3A_311 = arith.cmpi sge, %add3A_310, %ge3A : i32
          %convert_element_type3A_312 = arith.extui %ge3A_311 : i1 to i32
          %cond3A_313 = arith.constant 0 : i32
          %cond3A_314 = arith.cmpi ne, %convert_element_type3A_312, %cond3A_313 : i32
          scf.if %cond3A_314 {
            %add3A_327 = arith.constant 6 : i32
            %add3A_328 = arith.addi %scan3A_127, %add3A_327 : i32
            %sub3A = arith.constant 8 : i32
            %sub3A_329 = arith.subi %add3A_328, %sub3A : i32
            %dma_wait3A_330 = arith.constant 0 : i32
            %dma_wait3A_331 = tpu.memref_slice %arg8[%sub3A_329, %dma_wait3A_330] : memref<250x80xi32, #tpu.memory_space<vmem>> -> memref<1x80xi32, #tpu.memory_space<vmem>>
            %dma_wait3A_332 = tpu.memref_squeeze %dma_wait3A_331 : memref<1x80xi32, #tpu.memory_space<vmem>> -> memref<80xi32, #tpu.memory_space<vmem>>
            %dma_wait3A_333 = arith.constant 0 : i32
            %dma_wait3A_334 = arith.constant 0 : i32
            %dma_wait3A_335 = tpu.memref_slice %arg17[%dma_wait3A_333, %dma_wait3A_334] : memref<10240x64xbf16, #tpu.memory_space<vmem_shared>> -> memref<10240x64xbf16, #tpu.memory_space<vmem_shared>>
            tpu.wait_indirect_dma semaphore(%arg33 : memref<!tpu.dma_semaphore, #tpu.memory_space<semaphore_mem>>) src(%arg16 : memref<80x64xbf16, #tpu.memory_space<vmem>>) dst(%dma_wait3A_335 : memref<10240x64xbf16, #tpu.memory_space<vmem_shared>>)
          } else {
          }
          %add3A_315 = arith.constant 6 : i32
          %add3A_316 = arith.addi %scan3A_127, %add3A_315 : i32
          %dma_start3A_317 = arith.constant 0 : i32
          %dma_start3A_318 = tpu.memref_slice %arg7[%add3A_316, %dma_start3A_317] : memref<250x80xi32, #tpu.memory_space<vmem>> -> memref<1x80xi32, #tpu.memory_space<vmem>>
          %dma_start3A_319 = tpu.memref_squeeze %dma_start3A_318 : memref<1x80xi32, #tpu.memory_space<vmem>> -> memref<80xi32, #tpu.memory_space<vmem>>
          %dma_start3A_320 = arith.constant 0 : i32
          %dma_start3A_321 = arith.constant 0 : i32
          %dma_start3A_322 = tpu.memref_slice %arg2[%arg0, %dma_start3A_320, %dma_start3A_321] : memref<2x10000x64xbf16, #tpu.memory_space<hbm>> -> memref<1x10000x64xbf16, #tpu.memory_space<hbm>>
          %dma_start3A_323 = tpu.memref_squeeze %dma_start3A_322 : memref<1x10000x64xbf16, #tpu.memory_space<hbm>> -> memref<10000x64xbf16, #tpu.memory_space<hbm>>
          %dma_start3A_324 = arith.constant 0 : i32
          %dma_start3A_325 = arith.constant 0 : i32
          %dma_start3A_326 = tpu.memref_slice %dma_start3A_323[%dma_start3A_324, %dma_start3A_325] : memref<10000x64xbf16, #tpu.memory_space<hbm>> -> memref<10000x64xbf16, #tpu.memory_space<hbm>>
          tpu.enqueue_indirect_dma source(%dma_start3A_326 : memref<10000x64xbf16, #tpu.memory_space<hbm>>) target(%arg16 : memref<80x64xbf16, #tpu.memory_space<vmem>>) offsets(%dma_start3A_319 : memref<80xi32, #tpu.memory_space<vmem>>) semaphore(%arg25 : memref<!tpu.dma_semaphore, #tpu.memory_space<semaphore_mem>>)
        } else {
        }
        %dma_wait3A_293 = arith.constant 0 : i32
        %dma_wait3A_294 = tpu.memref_slice %arg7[%scan3A_127, %dma_wait3A_293] : memref<250x80xi32, #tpu.memory_space<vmem>> -> memref<1x80xi32, #tpu.memory_space<vmem>>
        %dma_wait3A_295 = tpu.memref_squeeze %dma_wait3A_294 : memref<1x80xi32, #tpu.memory_space<vmem>> -> memref<80xi32, #tpu.memory_space<vmem>>
        %dma_wait3A_296 = arith.constant 0 : i32
        %dma_wait3A_297 = arith.constant 0 : i32
        %dma_wait3A_298 = tpu.memref_slice %arg2[%arg0, %dma_wait3A_296, %dma_wait3A_297] : memref<2x10000x64xbf16, #tpu.memory_space<hbm>> -> memref<1x10000x64xbf16, #tpu.memory_space<hbm>>
        %dma_wait3A_299 = tpu.memref_squeeze %dma_wait3A_298 : memref<1x10000x64xbf16, #tpu.memory_space<hbm>> -> memref<10000x64xbf16, #tpu.memory_space<hbm>>
        %dma_wait3A_300 = arith.constant 0 : i32
        %dma_wait3A_301 = arith.constant 0 : i32
        %dma_wait3A_302 = tpu.memref_slice %dma_wait3A_299[%dma_wait3A_300, %dma_wait3A_301] : memref<10000x64xbf16, #tpu.memory_space<hbm>> -> memref<10000x64xbf16, #tpu.memory_space<hbm>>
        tpu.wait_indirect_dma semaphore(%arg19 : memref<!tpu.dma_semaphore, #tpu.memory_space<semaphore_mem>>) src(%dma_wait3A_302 : memref<10000x64xbf16, #tpu.memory_space<hbm>>) dst(%arg10 : memref<80x64xbf16, #tpu.memory_space<vmem>>)
        %dma_start3A_303 = arith.constant 0 : i32
        %dma_start3A_304 = tpu.memref_slice %arg8[%scan3A_127, %dma_start3A_303] : memref<250x80xi32, #tpu.memory_space<vmem>> -> memref<1x80xi32, #tpu.memory_space<vmem>>
        %dma_start3A_305 = tpu.memref_squeeze %dma_start3A_304 : memref<1x80xi32, #tpu.memory_space<vmem>> -> memref<80xi32, #tpu.memory_space<vmem>>
        %dma_start3A_306 = arith.constant 0 : i32
        %dma_start3A_307 = arith.constant 0 : i32
        %dma_start3A_308 = tpu.memref_slice %arg17[%dma_start3A_306, %dma_start3A_307] : memref<10240x64xbf16, #tpu.memory_space<vmem_shared>> -> memref<10240x64xbf16, #tpu.memory_space<vmem_shared>>
        tpu.enqueue_indirect_dma source(%arg10 : memref<80x64xbf16, #tpu.memory_space<vmem>>) target(%dma_start3A_308 : memref<10240x64xbf16, #tpu.memory_space<vmem_shared>>) offsets(%dma_start3A_305 : memref<80xi32, #tpu.memory_space<vmem>>) semaphore(%arg27 : memref<!tpu.dma_semaphore, #tpu.memory_space<semaphore_mem>>) {add = true}
      } else {
      }
      %jit3A_160 = arith.constant 8 : i32
      %eq3A_161 = arith.constant 0 : i32
      %eq3A_162 = arith.cmpi eq, %jit3A_160, %eq3A_161 : i32
      %jit3A_163 = arith.constant 1 : i32
      %select_n3A_164 = arith.select %eq3A_162, %jit3A_163, %jit3A_160 : i32
      %rem3A_165 = arith.remsi %scan3A_127, %select_n3A_164 : i32
      %ne3A_166 = arith.constant 0 : i32
      %ne3A_167 = arith.cmpi ne, %rem3A_165, %ne3A_166 : i32
      %lt3A_168 = arith.constant 0 : i32
      %lt3A_169 = arith.cmpi slt, %rem3A_165, %lt3A_168 : i32
      %lt3A_170 = arith.constant 0 : i32
      %lt3A_171 = arith.cmpi slt, %select_n3A_164, %lt3A_170 : i32
      %ne3A_172 = arith.xori %lt3A_169, %lt3A_171 : i1
      %and3A_173 = arith.andi %ne3A_172, %ne3A_167 : i1
      %add3A_174 = arith.addi %rem3A_165, %select_n3A_164 : i32
      %select_n3A_175 = arith.select %and3A_173, %add3A_174, %rem3A_165 : i32
      %eq3A_176 = arith.constant 2 : i32
      %eq3A_177 = arith.cmpi eq, %select_n3A_175, %eq3A_176 : i32
      %convert_element_type3A_178 = arith.extui %eq3A_177 : i1 to i32
      %cond3A_179 = arith.constant 0 : i32
      %cond3A_180 = arith.cmpi ne, %convert_element_type3A_178, %cond3A_179 : i32
      scf.if %cond3A_180 {
        %add3A_286 = arith.constant 6 : i32
        %add3A_287 = arith.addi %scan3A_127, %add3A_286 : i32
        %lt3A_288 = arith.constant 250 : i32
        %lt3A_289 = arith.cmpi slt, %add3A_287, %lt3A_288 : i32
        %convert_element_type3A_290 = arith.extui %lt3A_289 : i1 to i32
        %cond3A_291 = arith.constant 0 : i32
        %cond3A_292 = arith.cmpi ne, %convert_element_type3A_290, %cond3A_291 : i32
        scf.if %cond3A_292 {
          %add3A_309 = arith.constant 6 : i32
          %add3A_310 = arith.addi %scan3A_127, %add3A_309 : i32
          %ge3A = arith.constant 8 : i32
          %ge3A_311 = arith.cmpi sge, %add3A_310, %ge3A : i32
          %convert_element_type3A_312 = arith.extui %ge3A_311 : i1 to i32
          %cond3A_313 = arith.constant 0 : i32
          %cond3A_314 = arith.cmpi ne, %convert_element_type3A_312, %cond3A_313 : i32
          scf.if %cond3A_314 {
            %add3A_327 = arith.constant 6 : i32
            %add3A_328 = arith.addi %scan3A_127, %add3A_327 : i32
            %sub3A = arith.constant 8 : i32
            %sub3A_329 = arith.subi %add3A_328, %sub3A : i32
            %dma_wait3A_330 = arith.constant 0 : i32
            %dma_wait3A_331 = tpu.memref_slice %arg8[%sub3A_329, %dma_wait3A_330] : memref<250x80xi32, #tpu.memory_space<vmem>> -> memref<1x80xi32, #tpu.memory_space<vmem>>
            %dma_wait3A_332 = tpu.memref_squeeze %dma_wait3A_331 : memref<1x80xi32, #tpu.memory_space<vmem>> -> memref<80xi32, #tpu.memory_space<vmem>>
            %dma_wait3A_333 = arith.constant 0 : i32
            %dma_wait3A_334 = arith.constant 0 : i32
            %dma_wait3A_335 = tpu.memref_slice %arg17[%dma_wait3A_333, %dma_wait3A_334] : memref<10240x64xbf16, #tpu.memory_space<vmem_shared>> -> memref<10240x64xbf16, #tpu.memory_space<vmem_shared>>
            tpu.wait_indirect_dma semaphore(%arg26 : memref<!tpu.dma_semaphore, #tpu.memory_space<semaphore_mem>>) src(%arg9 : memref<80x64xbf16, #tpu.memory_space<vmem>>) dst(%dma_wait3A_335 : memref<10240x64xbf16, #tpu.memory_space<vmem_shared>>)
          } else {
          }
          %add3A_315 = arith.constant 6 : i32
          %add3A_316 = arith.addi %scan3A_127, %add3A_315 : i32
          %dma_start3A_317 = arith.constant 0 : i32
          %dma_start3A_318 = tpu.memref_slice %arg7[%add3A_316, %dma_start3A_317] : memref<250x80xi32, #tpu.memory_space<vmem>> -> memref<1x80xi32, #tpu.memory_space<vmem>>
          %dma_start3A_319 = tpu.memref_squeeze %dma_start3A_318 : memref<1x80xi32, #tpu.memory_space<vmem>> -> memref<80xi32, #tpu.memory_space<vmem>>
          %dma_start3A_320 = arith.constant 0 : i32
          %dma_start3A_321 = arith.constant 0 : i32
          %dma_start3A_322 = tpu.memref_slice %arg2[%arg0, %dma_start3A_320, %dma_start3A_321] : memref<2x10000x64xbf16, #tpu.memory_space<hbm>> -> memref<1x10000x64xbf16, #tpu.memory_space<hbm>>
          %dma_start3A_323 = tpu.memref_squeeze %dma_start3A_322 : memref<1x10000x64xbf16, #tpu.memory_space<hbm>> -> memref<10000x64xbf16, #tpu.memory_space<hbm>>
          %dma_start3A_324 = arith.constant 0 : i32
          %dma_start3A_325 = arith.constant 0 : i32
          %dma_start3A_326 = tpu.memref_slice %dma_start3A_323[%dma_start3A_324, %dma_start3A_325] : memref<10000x64xbf16, #tpu.memory_space<hbm>> -> memref<10000x64xbf16, #tpu.memory_space<hbm>>
          tpu.enqueue_indirect_dma source(%dma_start3A_326 : memref<10000x64xbf16, #tpu.memory_space<hbm>>) target(%arg9 : memref<80x64xbf16, #tpu.memory_space<vmem>>) offsets(%dma_start3A_319 : memref<80xi32, #tpu.memory_space<vmem>>) semaphore(%arg18 : memref<!tpu.dma_semaphore, #tpu.memory_space<semaphore_mem>>)
        } else {
        }
        %dma_wait3A_293 = arith.constant 0 : i32
        %dma_wait3A_294 = tpu.memref_slice %arg7[%scan3A_127, %dma_wait3A_293] : memref<250x80xi32, #tpu.memory_space<vmem>> -> memref<1x80xi32, #tpu.memory_space<vmem>>
        %dma_wait3A_295 = tpu.memref_squeeze %dma_wait3A_294 : memref<1x80xi32, #tpu.memory_space<vmem>> -> memref<80xi32, #tpu.memory_space<vmem>>
        %dma_wait3A_296 = arith.constant 0 : i32
        %dma_wait3A_297 = arith.constant 0 : i32
        %dma_wait3A_298 = tpu.memref_slice %arg2[%arg0, %dma_wait3A_296, %dma_wait3A_297] : memref<2x10000x64xbf16, #tpu.memory_space<hbm>> -> memref<1x10000x64xbf16, #tpu.memory_space<hbm>>
        %dma_wait3A_299 = tpu.memref_squeeze %dma_wait3A_298 : memref<1x10000x64xbf16, #tpu.memory_space<hbm>> -> memref<10000x64xbf16, #tpu.memory_space<hbm>>
        %dma_wait3A_300 = arith.constant 0 : i32
        %dma_wait3A_301 = arith.constant 0 : i32
        %dma_wait3A_302 = tpu.memref_slice %dma_wait3A_299[%dma_wait3A_300, %dma_wait3A_301] : memref<10000x64xbf16, #tpu.memory_space<hbm>> -> memref<10000x64xbf16, #tpu.memory_space<hbm>>
        tpu.wait_indirect_dma semaphore(%arg20 : memref<!tpu.dma_semaphore, #tpu.memory_space<semaphore_mem>>) src(%dma_wait3A_302 : memref<10000x64xbf16, #tpu.memory_space<hbm>>) dst(%arg11 : memref<80x64xbf16, #tpu.memory_space<vmem>>)
        %dma_start3A_303 = arith.constant 0 : i32
        %dma_start3A_304 = tpu.memref_slice %arg8[%scan3A_127, %dma_start3A_303] : memref<250x80xi32, #tpu.memory_space<vmem>> -> memref<1x80xi32, #tpu.memory_space<vmem>>
        %dma_start3A_305 = tpu.memref_squeeze %dma_start3A_304 : memref<1x80xi32, #tpu.memory_space<vmem>> -> memref<80xi32, #tpu.memory_space<vmem>>
        %dma_start3A_306 = arith.constant 0 : i32
        %dma_start3A_307 = arith.constant 0 : i32
        %dma_start3A_308 = tpu.memref_slice %arg17[%dma_start3A_306, %dma_start3A_307] : memref<10240x64xbf16, #tpu.memory_space<vmem_shared>> -> memref<10240x64xbf16, #tpu.memory_space<vmem_shared>>
        tpu.enqueue_indirect_dma source(%arg11 : memref<80x64xbf16, #tpu.memory_space<vmem>>) target(%dma_start3A_308 : memref<10240x64xbf16, #tpu.memory_space<vmem_shared>>) offsets(%dma_start3A_305 : memref<80xi32, #tpu.memory_space<vmem>>) semaphore(%arg28 : memref<!tpu.dma_semaphore, #tpu.memory_space<semaphore_mem>>) {add = true}
      } else {
      }
      %jit3A_181 = arith.constant 8 : i32
      %eq3A_182 = arith.constant 0 : i32
      %eq3A_183 = arith.cmpi eq, %jit3A_181, %eq3A_182 : i32
      %jit3A_184 = arith.constant 1 : i32
      %select_n3A_185 = arith.select %eq3A_183, %jit3A_184, %jit3A_181 : i32
      %rem3A_186 = arith.remsi %scan3A_127, %select_n3A_185 : i32
      %ne3A_187 = arith.constant 0 : i32
      %ne3A_188 = arith.cmpi ne, %rem3A_186, %ne3A_187 : i32
      %lt3A_189 = arith.constant 0 : i32
      %lt3A_190 = arith.cmpi slt, %rem3A_186, %lt3A_189 : i32
      %lt3A_191 = arith.constant 0 : i32
      %lt3A_192 = arith.cmpi slt, %select_n3A_185, %lt3A_191 : i32
      %ne3A_193 = arith.xori %lt3A_190, %lt3A_192 : i1
      %and3A_194 = arith.andi %ne3A_193, %ne3A_188 : i1
      %add3A_195 = arith.addi %rem3A_186, %select_n3A_185 : i32
      %select_n3A_196 = arith.select %and3A_194, %add3A_195, %rem3A_186 : i32
      %eq3A_197 = arith.constant 3 : i32
      %eq3A_198 = arith.cmpi eq, %select_n3A_196, %eq3A_197 : i32
      %convert_element_type3A_199 = arith.extui %eq3A_198 : i1 to i32
      %cond3A_200 = arith.constant 0 : i32
      %cond3A_201 = arith.cmpi ne, %convert_element_type3A_199, %cond3A_200 : i32
      scf.if %cond3A_201 {
        %add3A_286 = arith.constant 6 : i32
        %add3A_287 = arith.addi %scan3A_127, %add3A_286 : i32
        %lt3A_288 = arith.constant 250 : i32
        %lt3A_289 = arith.cmpi slt, %add3A_287, %lt3A_288 : i32
        %convert_element_type3A_290 = arith.extui %lt3A_289 : i1 to i32
        %cond3A_291 = arith.constant 0 : i32
        %cond3A_292 = arith.cmpi ne, %convert_element_type3A_290, %cond3A_291 : i32
        scf.if %cond3A_292 {
          %add3A_309 = arith.constant 6 : i32
          %add3A_310 = arith.addi %scan3A_127, %add3A_309 : i32
          %ge3A = arith.constant 8 : i32
          %ge3A_311 = arith.cmpi sge, %add3A_310, %ge3A : i32
          %convert_element_type3A_312 = arith.extui %ge3A_311 : i1 to i32
          %cond3A_313 = arith.constant 0 : i32
          %cond3A_314 = arith.cmpi ne, %convert_element_type3A_312, %cond3A_313 : i32
          scf.if %cond3A_314 {
            %add3A_327 = arith.constant 6 : i32
            %add3A_328 = arith.addi %scan3A_127, %add3A_327 : i32
            %sub3A = arith.constant 8 : i32
            %sub3A_329 = arith.subi %add3A_328, %sub3A : i32
            %dma_wait3A_330 = arith.constant 0 : i32
            %dma_wait3A_331 = tpu.memref_slice %arg8[%sub3A_329, %dma_wait3A_330] : memref<250x80xi32, #tpu.memory_space<vmem>> -> memref<1x80xi32, #tpu.memory_space<vmem>>
            %dma_wait3A_332 = tpu.memref_squeeze %dma_wait3A_331 : memref<1x80xi32, #tpu.memory_space<vmem>> -> memref<80xi32, #tpu.memory_space<vmem>>
            %dma_wait3A_333 = arith.constant 0 : i32
            %dma_wait3A_334 = arith.constant 0 : i32
            %dma_wait3A_335 = tpu.memref_slice %arg17[%dma_wait3A_333, %dma_wait3A_334] : memref<10240x64xbf16, #tpu.memory_space<vmem_shared>> -> memref<10240x64xbf16, #tpu.memory_space<vmem_shared>>
            tpu.wait_indirect_dma semaphore(%arg27 : memref<!tpu.dma_semaphore, #tpu.memory_space<semaphore_mem>>) src(%arg10 : memref<80x64xbf16, #tpu.memory_space<vmem>>) dst(%dma_wait3A_335 : memref<10240x64xbf16, #tpu.memory_space<vmem_shared>>)
          } else {
          }
          %add3A_315 = arith.constant 6 : i32
          %add3A_316 = arith.addi %scan3A_127, %add3A_315 : i32
          %dma_start3A_317 = arith.constant 0 : i32
          %dma_start3A_318 = tpu.memref_slice %arg7[%add3A_316, %dma_start3A_317] : memref<250x80xi32, #tpu.memory_space<vmem>> -> memref<1x80xi32, #tpu.memory_space<vmem>>
          %dma_start3A_319 = tpu.memref_squeeze %dma_start3A_318 : memref<1x80xi32, #tpu.memory_space<vmem>> -> memref<80xi32, #tpu.memory_space<vmem>>
          %dma_start3A_320 = arith.constant 0 : i32
          %dma_start3A_321 = arith.constant 0 : i32
          %dma_start3A_322 = tpu.memref_slice %arg2[%arg0, %dma_start3A_320, %dma_start3A_321] : memref<2x10000x64xbf16, #tpu.memory_space<hbm>> -> memref<1x10000x64xbf16, #tpu.memory_space<hbm>>
          %dma_start3A_323 = tpu.memref_squeeze %dma_start3A_322 : memref<1x10000x64xbf16, #tpu.memory_space<hbm>> -> memref<10000x64xbf16, #tpu.memory_space<hbm>>
          %dma_start3A_324 = arith.constant 0 : i32
          %dma_start3A_325 = arith.constant 0 : i32
          %dma_start3A_326 = tpu.memref_slice %dma_start3A_323[%dma_start3A_324, %dma_start3A_325] : memref<10000x64xbf16, #tpu.memory_space<hbm>> -> memref<10000x64xbf16, #tpu.memory_space<hbm>>
          tpu.enqueue_indirect_dma source(%dma_start3A_326 : memref<10000x64xbf16, #tpu.memory_space<hbm>>) target(%arg10 : memref<80x64xbf16, #tpu.memory_space<vmem>>) offsets(%dma_start3A_319 : memref<80xi32, #tpu.memory_space<vmem>>) semaphore(%arg19 : memref<!tpu.dma_semaphore, #tpu.memory_space<semaphore_mem>>)
        } else {
        }
        %dma_wait3A_293 = arith.constant 0 : i32
        %dma_wait3A_294 = tpu.memref_slice %arg7[%scan3A_127, %dma_wait3A_293] : memref<250x80xi32, #tpu.memory_space<vmem>> -> memref<1x80xi32, #tpu.memory_space<vmem>>
        %dma_wait3A_295 = tpu.memref_squeeze %dma_wait3A_294 : memref<1x80xi32, #tpu.memory_space<vmem>> -> memref<80xi32, #tpu.memory_space<vmem>>
        %dma_wait3A_296 = arith.constant 0 : i32
        %dma_wait3A_297 = arith.constant 0 : i32
        %dma_wait3A_298 = tpu.memref_slice %arg2[%arg0, %dma_wait3A_296, %dma_wait3A_297] : memref<2x10000x64xbf16, #tpu.memory_space<hbm>> -> memref<1x10000x64xbf16, #tpu.memory_space<hbm>>
        %dma_wait3A_299 = tpu.memref_squeeze %dma_wait3A_298 : memref<1x10000x64xbf16, #tpu.memory_space<hbm>> -> memref<10000x64xbf16, #tpu.memory_space<hbm>>
        %dma_wait3A_300 = arith.constant 0 : i32
        %dma_wait3A_301 = arith.constant 0 : i32
        %dma_wait3A_302 = tpu.memref_slice %dma_wait3A_299[%dma_wait3A_300, %dma_wait3A_301] : memref<10000x64xbf16, #tpu.memory_space<hbm>> -> memref<10000x64xbf16, #tpu.memory_space<hbm>>
        tpu.wait_indirect_dma semaphore(%arg21 : memref<!tpu.dma_semaphore, #tpu.memory_space<semaphore_mem>>) src(%dma_wait3A_302 : memref<10000x64xbf16, #tpu.memory_space<hbm>>) dst(%arg12 : memref<80x64xbf16, #tpu.memory_space<vmem>>)
        %dma_start3A_303 = arith.constant 0 : i32
        %dma_start3A_304 = tpu.memref_slice %arg8[%scan3A_127, %dma_start3A_303] : memref<250x80xi32, #tpu.memory_space<vmem>> -> memref<1x80xi32, #tpu.memory_space<vmem>>
        %dma_start3A_305 = tpu.memref_squeeze %dma_start3A_304 : memref<1x80xi32, #tpu.memory_space<vmem>> -> memref<80xi32, #tpu.memory_space<vmem>>
        %dma_start3A_306 = arith.constant 0 : i32
        %dma_start3A_307 = arith.constant 0 : i32
        %dma_start3A_308 = tpu.memref_slice %arg17[%dma_start3A_306, %dma_start3A_307] : memref<10240x64xbf16, #tpu.memory_space<vmem_shared>> -> memref<10240x64xbf16, #tpu.memory_space<vmem_shared>>
        tpu.enqueue_indirect_dma source(%arg12 : memref<80x64xbf16, #tpu.memory_space<vmem>>) target(%dma_start3A_308 : memref<10240x64xbf16, #tpu.memory_space<vmem_shared>>) offsets(%dma_start3A_305 : memref<80xi32, #tpu.memory_space<vmem>>) semaphore(%arg29 : memref<!tpu.dma_semaphore, #tpu.memory_space<semaphore_mem>>) {add = true}
      } else {
      }
      %jit3A_202 = arith.constant 8 : i32
      %eq3A_203 = arith.constant 0 : i32
      %eq3A_204 = arith.cmpi eq, %jit3A_202, %eq3A_203 : i32
      %jit3A_205 = arith.constant 1 : i32
      %select_n3A_206 = arith.select %eq3A_204, %jit3A_205, %jit3A_202 : i32
      %rem3A_207 = arith.remsi %scan3A_127, %select_n3A_206 : i32
      %ne3A_208 = arith.constant 0 : i32
      %ne3A_209 = arith.cmpi ne, %rem3A_207, %ne3A_208 : i32
      %lt3A_210 = arith.constant 0 : i32
      %lt3A_211 = arith.cmpi slt, %rem3A_207, %lt3A_210 : i32
      %lt3A_212 = arith.constant 0 : i32
      %lt3A_213 = arith.cmpi slt, %select_n3A_206, %lt3A_212 : i32
      %ne3A_214 = arith.xori %lt3A_211, %lt3A_213 : i1
      %and3A_215 = arith.andi %ne3A_214, %ne3A_209 : i1
      %add3A_216 = arith.addi %rem3A_207, %select_n3A_206 : i32
      %select_n3A_217 = arith.select %and3A_215, %add3A_216, %rem3A_207 : i32
      %eq3A_218 = arith.constant 4 : i32
      %eq3A_219 = arith.cmpi eq, %select_n3A_217, %eq3A_218 : i32
      %convert_element_type3A_220 = arith.extui %eq3A_219 : i1 to i32
      %cond3A_221 = arith.constant 0 : i32
      %cond3A_222 = arith.cmpi ne, %convert_element_type3A_220, %cond3A_221 : i32
      scf.if %cond3A_222 {
        %add3A_286 = arith.constant 6 : i32
        %add3A_287 = arith.addi %scan3A_127, %add3A_286 : i32
        %lt3A_288 = arith.constant 250 : i32
        %lt3A_289 = arith.cmpi slt, %add3A_287, %lt3A_288 : i32
        %convert_element_type3A_290 = arith.extui %lt3A_289 : i1 to i32
        %cond3A_291 = arith.constant 0 : i32
        %cond3A_292 = arith.cmpi ne, %convert_element_type3A_290, %cond3A_291 : i32
        scf.if %cond3A_292 {
          %add3A_309 = arith.constant 6 : i32
          %add3A_310 = arith.addi %scan3A_127, %add3A_309 : i32
          %ge3A = arith.constant 8 : i32
          %ge3A_311 = arith.cmpi sge, %add3A_310, %ge3A : i32
          %convert_element_type3A_312 = arith.extui %ge3A_311 : i1 to i32
          %cond3A_313 = arith.constant 0 : i32
          %cond3A_314 = arith.cmpi ne, %convert_element_type3A_312, %cond3A_313 : i32
          scf.if %cond3A_314 {
            %add3A_327 = arith.constant 6 : i32
            %add3A_328 = arith.addi %scan3A_127, %add3A_327 : i32
            %sub3A = arith.constant 8 : i32
            %sub3A_329 = arith.subi %add3A_328, %sub3A : i32
            %dma_wait3A_330 = arith.constant 0 : i32
            %dma_wait3A_331 = tpu.memref_slice %arg8[%sub3A_329, %dma_wait3A_330] : memref<250x80xi32, #tpu.memory_space<vmem>> -> memref<1x80xi32, #tpu.memory_space<vmem>>
            %dma_wait3A_332 = tpu.memref_squeeze %dma_wait3A_331 : memref<1x80xi32, #tpu.memory_space<vmem>> -> memref<80xi32, #tpu.memory_space<vmem>>
            %dma_wait3A_333 = arith.constant 0 : i32
            %dma_wait3A_334 = arith.constant 0 : i32
            %dma_wait3A_335 = tpu.memref_slice %arg17[%dma_wait3A_333, %dma_wait3A_334] : memref<10240x64xbf16, #tpu.memory_space<vmem_shared>> -> memref<10240x64xbf16, #tpu.memory_space<vmem_shared>>
            tpu.wait_indirect_dma semaphore(%arg28 : memref<!tpu.dma_semaphore, #tpu.memory_space<semaphore_mem>>) src(%arg11 : memref<80x64xbf16, #tpu.memory_space<vmem>>) dst(%dma_wait3A_335 : memref<10240x64xbf16, #tpu.memory_space<vmem_shared>>)
          } else {
          }
          %add3A_315 = arith.constant 6 : i32
          %add3A_316 = arith.addi %scan3A_127, %add3A_315 : i32
          %dma_start3A_317 = arith.constant 0 : i32
          %dma_start3A_318 = tpu.memref_slice %arg7[%add3A_316, %dma_start3A_317] : memref<250x80xi32, #tpu.memory_space<vmem>> -> memref<1x80xi32, #tpu.memory_space<vmem>>
          %dma_start3A_319 = tpu.memref_squeeze %dma_start3A_318 : memref<1x80xi32, #tpu.memory_space<vmem>> -> memref<80xi32, #tpu.memory_space<vmem>>
          %dma_start3A_320 = arith.constant 0 : i32
          %dma_start3A_321 = arith.constant 0 : i32
          %dma_start3A_322 = tpu.memref_slice %arg2[%arg0, %dma_start3A_320, %dma_start3A_321] : memref<2x10000x64xbf16, #tpu.memory_space<hbm>> -> memref<1x10000x64xbf16, #tpu.memory_space<hbm>>
          %dma_start3A_323 = tpu.memref_squeeze %dma_start3A_322 : memref<1x10000x64xbf16, #tpu.memory_space<hbm>> -> memref<10000x64xbf16, #tpu.memory_space<hbm>>
          %dma_start3A_324 = arith.constant 0 : i32
          %dma_start3A_325 = arith.constant 0 : i32
          %dma_start3A_326 = tpu.memref_slice %dma_start3A_323[%dma_start3A_324, %dma_start3A_325] : memref<10000x64xbf16, #tpu.memory_space<hbm>> -> memref<10000x64xbf16, #tpu.memory_space<hbm>>
          tpu.enqueue_indirect_dma source(%dma_start3A_326 : memref<10000x64xbf16, #tpu.memory_space<hbm>>) target(%arg11 : memref<80x64xbf16, #tpu.memory_space<vmem>>) offsets(%dma_start3A_319 : memref<80xi32, #tpu.memory_space<vmem>>) semaphore(%arg20 : memref<!tpu.dma_semaphore, #tpu.memory_space<semaphore_mem>>)
        } else {
        }
        %dma_wait3A_293 = arith.constant 0 : i32
        %dma_wait3A_294 = tpu.memref_slice %arg7[%scan3A_127, %dma_wait3A_293] : memref<250x80xi32, #tpu.memory_space<vmem>> -> memref<1x80xi32, #tpu.memory_space<vmem>>
        %dma_wait3A_295 = tpu.memref_squeeze %dma_wait3A_294 : memref<1x80xi32, #tpu.memory_space<vmem>> -> memref<80xi32, #tpu.memory_space<vmem>>
        %dma_wait3A_296 = arith.constant 0 : i32
        %dma_wait3A_297 = arith.constant 0 : i32
        %dma_wait3A_298 = tpu.memref_slice %arg2[%arg0, %dma_wait3A_296, %dma_wait3A_297] : memref<2x10000x64xbf16, #tpu.memory_space<hbm>> -> memref<1x10000x64xbf16, #tpu.memory_space<hbm>>
        %dma_wait3A_299 = tpu.memref_squeeze %dma_wait3A_298 : memref<1x10000x64xbf16, #tpu.memory_space<hbm>> -> memref<10000x64xbf16, #tpu.memory_space<hbm>>
        %dma_wait3A_300 = arith.constant 0 : i32
        %dma_wait3A_301 = arith.constant 0 : i32
        %dma_wait3A_302 = tpu.memref_slice %dma_wait3A_299[%dma_wait3A_300, %dma_wait3A_301] : memref<10000x64xbf16, #tpu.memory_space<hbm>> -> memref<10000x64xbf16, #tpu.memory_space<hbm>>
        tpu.wait_indirect_dma semaphore(%arg22 : memref<!tpu.dma_semaphore, #tpu.memory_space<semaphore_mem>>) src(%dma_wait3A_302 : memref<10000x64xbf16, #tpu.memory_space<hbm>>) dst(%arg13 : memref<80x64xbf16, #tpu.memory_space<vmem>>)
        %dma_start3A_303 = arith.constant 0 : i32
        %dma_start3A_304 = tpu.memref_slice %arg8[%scan3A_127, %dma_start3A_303] : memref<250x80xi32, #tpu.memory_space<vmem>> -> memref<1x80xi32, #tpu.memory_space<vmem>>
        %dma_start3A_305 = tpu.memref_squeeze %dma_start3A_304 : memref<1x80xi32, #tpu.memory_space<vmem>> -> memref<80xi32, #tpu.memory_space<vmem>>
        %dma_start3A_306 = arith.constant 0 : i32
        %dma_start3A_307 = arith.constant 0 : i32
        %dma_start3A_308 = tpu.memref_slice %arg17[%dma_start3A_306, %dma_start3A_307] : memref<10240x64xbf16, #tpu.memory_space<vmem_shared>> -> memref<10240x64xbf16, #tpu.memory_space<vmem_shared>>
        tpu.enqueue_indirect_dma source(%arg13 : memref<80x64xbf16, #tpu.memory_space<vmem>>) target(%dma_start3A_308 : memref<10240x64xbf16, #tpu.memory_space<vmem_shared>>) offsets(%dma_start3A_305 : memref<80xi32, #tpu.memory_space<vmem>>) semaphore(%arg30 : memref<!tpu.dma_semaphore, #tpu.memory_space<semaphore_mem>>) {add = true}
      } else {
      }
      %jit3A_223 = arith.constant 8 : i32
      %eq3A_224 = arith.constant 0 : i32
      %eq3A_225 = arith.cmpi eq, %jit3A_223, %eq3A_224 : i32
      %jit3A_226 = arith.constant 1 : i32
      %select_n3A_227 = arith.select %eq3A_225, %jit3A_226, %jit3A_223 : i32
      %rem3A_228 = arith.remsi %scan3A_127, %select_n3A_227 : i32
      %ne3A_229 = arith.constant 0 : i32
      %ne3A_230 = arith.cmpi ne, %rem3A_228, %ne3A_229 : i32
      %lt3A_231 = arith.constant 0 : i32
      %lt3A_232 = arith.cmpi slt, %rem3A_228, %lt3A_231 : i32
      %lt3A_233 = arith.constant 0 : i32
      %lt3A_234 = arith.cmpi slt, %select_n3A_227, %lt3A_233 : i32
      %ne3A_235 = arith.xori %lt3A_232, %lt3A_234 : i1
      %and3A_236 = arith.andi %ne3A_235, %ne3A_230 : i1
      %add3A_237 = arith.addi %rem3A_228, %select_n3A_227 : i32
      %select_n3A_238 = arith.select %and3A_236, %add3A_237, %rem3A_228 : i32
      %eq3A_239 = arith.constant 5 : i32
      %eq3A_240 = arith.cmpi eq, %select_n3A_238, %eq3A_239 : i32
      %convert_element_type3A_241 = arith.extui %eq3A_240 : i1 to i32
      %cond3A_242 = arith.constant 0 : i32
      %cond3A_243 = arith.cmpi ne, %convert_element_type3A_241, %cond3A_242 : i32
      scf.if %cond3A_243 {
        %add3A_286 = arith.constant 6 : i32
        %add3A_287 = arith.addi %scan3A_127, %add3A_286 : i32
        %lt3A_288 = arith.constant 250 : i32
        %lt3A_289 = arith.cmpi slt, %add3A_287, %lt3A_288 : i32
        %convert_element_type3A_290 = arith.extui %lt3A_289 : i1 to i32
        %cond3A_291 = arith.constant 0 : i32
        %cond3A_292 = arith.cmpi ne, %convert_element_type3A_290, %cond3A_291 : i32
        scf.if %cond3A_292 {
          %add3A_309 = arith.constant 6 : i32
          %add3A_310 = arith.addi %scan3A_127, %add3A_309 : i32
          %ge3A = arith.constant 8 : i32
          %ge3A_311 = arith.cmpi sge, %add3A_310, %ge3A : i32
          %convert_element_type3A_312 = arith.extui %ge3A_311 : i1 to i32
          %cond3A_313 = arith.constant 0 : i32
          %cond3A_314 = arith.cmpi ne, %convert_element_type3A_312, %cond3A_313 : i32
          scf.if %cond3A_314 {
            %add3A_327 = arith.constant 6 : i32
            %add3A_328 = arith.addi %scan3A_127, %add3A_327 : i32
            %sub3A = arith.constant 8 : i32
            %sub3A_329 = arith.subi %add3A_328, %sub3A : i32
            %dma_wait3A_330 = arith.constant 0 : i32
            %dma_wait3A_331 = tpu.memref_slice %arg8[%sub3A_329, %dma_wait3A_330] : memref<250x80xi32, #tpu.memory_space<vmem>> -> memref<1x80xi32, #tpu.memory_space<vmem>>
            %dma_wait3A_332 = tpu.memref_squeeze %dma_wait3A_331 : memref<1x80xi32, #tpu.memory_space<vmem>> -> memref<80xi32, #tpu.memory_space<vmem>>
            %dma_wait3A_333 = arith.constant 0 : i32
            %dma_wait3A_334 = arith.constant 0 : i32
            %dma_wait3A_335 = tpu.memref_slice %arg17[%dma_wait3A_333, %dma_wait3A_334] : memref<10240x64xbf16, #tpu.memory_space<vmem_shared>> -> memref<10240x64xbf16, #tpu.memory_space<vmem_shared>>
            tpu.wait_indirect_dma semaphore(%arg29 : memref<!tpu.dma_semaphore, #tpu.memory_space<semaphore_mem>>) src(%arg12 : memref<80x64xbf16, #tpu.memory_space<vmem>>) dst(%dma_wait3A_335 : memref<10240x64xbf16, #tpu.memory_space<vmem_shared>>)
          } else {
          }
          %add3A_315 = arith.constant 6 : i32
          %add3A_316 = arith.addi %scan3A_127, %add3A_315 : i32
          %dma_start3A_317 = arith.constant 0 : i32
          %dma_start3A_318 = tpu.memref_slice %arg7[%add3A_316, %dma_start3A_317] : memref<250x80xi32, #tpu.memory_space<vmem>> -> memref<1x80xi32, #tpu.memory_space<vmem>>
          %dma_start3A_319 = tpu.memref_squeeze %dma_start3A_318 : memref<1x80xi32, #tpu.memory_space<vmem>> -> memref<80xi32, #tpu.memory_space<vmem>>
          %dma_start3A_320 = arith.constant 0 : i32
          %dma_start3A_321 = arith.constant 0 : i32
          %dma_start3A_322 = tpu.memref_slice %arg2[%arg0, %dma_start3A_320, %dma_start3A_321] : memref<2x10000x64xbf16, #tpu.memory_space<hbm>> -> memref<1x10000x64xbf16, #tpu.memory_space<hbm>>
          %dma_start3A_323 = tpu.memref_squeeze %dma_start3A_322 : memref<1x10000x64xbf16, #tpu.memory_space<hbm>> -> memref<10000x64xbf16, #tpu.memory_space<hbm>>
          %dma_start3A_324 = arith.constant 0 : i32
          %dma_start3A_325 = arith.constant 0 : i32
          %dma_start3A_326 = tpu.memref_slice %dma_start3A_323[%dma_start3A_324, %dma_start3A_325] : memref<10000x64xbf16, #tpu.memory_space<hbm>> -> memref<10000x64xbf16, #tpu.memory_space<hbm>>
          tpu.enqueue_indirect_dma source(%dma_start3A_326 : memref<10000x64xbf16, #tpu.memory_space<hbm>>) target(%arg12 : memref<80x64xbf16, #tpu.memory_space<vmem>>) offsets(%dma_start3A_319 : memref<80xi32, #tpu.memory_space<vmem>>) semaphore(%arg21 : memref<!tpu.dma_semaphore, #tpu.memory_space<semaphore_mem>>)
        } else {
        }
        %dma_wait3A_293 = arith.constant 0 : i32
        %dma_wait3A_294 = tpu.memref_slice %arg7[%scan3A_127, %dma_wait3A_293] : memref<250x80xi32, #tpu.memory_space<vmem>> -> memref<1x80xi32, #tpu.memory_space<vmem>>
        %dma_wait3A_295 = tpu.memref_squeeze %dma_wait3A_294 : memref<1x80xi32, #tpu.memory_space<vmem>> -> memref<80xi32, #tpu.memory_space<vmem>>
        %dma_wait3A_296 = arith.constant 0 : i32
        %dma_wait3A_297 = arith.constant 0 : i32
        %dma_wait3A_298 = tpu.memref_slice %arg2[%arg0, %dma_wait3A_296, %dma_wait3A_297] : memref<2x10000x64xbf16, #tpu.memory_space<hbm>> -> memref<1x10000x64xbf16, #tpu.memory_space<hbm>>
        %dma_wait3A_299 = tpu.memref_squeeze %dma_wait3A_298 : memref<1x10000x64xbf16, #tpu.memory_space<hbm>> -> memref<10000x64xbf16, #tpu.memory_space<hbm>>
        %dma_wait3A_300 = arith.constant 0 : i32
        %dma_wait3A_301 = arith.constant 0 : i32
        %dma_wait3A_302 = tpu.memref_slice %dma_wait3A_299[%dma_wait3A_300, %dma_wait3A_301] : memref<10000x64xbf16, #tpu.memory_space<hbm>> -> memref<10000x64xbf16, #tpu.memory_space<hbm>>
        tpu.wait_indirect_dma semaphore(%arg23 : memref<!tpu.dma_semaphore, #tpu.memory_space<semaphore_mem>>) src(%dma_wait3A_302 : memref<10000x64xbf16, #tpu.memory_space<hbm>>) dst(%arg14 : memref<80x64xbf16, #tpu.memory_space<vmem>>)
        %dma_start3A_303 = arith.constant 0 : i32
        %dma_start3A_304 = tpu.memref_slice %arg8[%scan3A_127, %dma_start3A_303] : memref<250x80xi32, #tpu.memory_space<vmem>> -> memref<1x80xi32, #tpu.memory_space<vmem>>
        %dma_start3A_305 = tpu.memref_squeeze %dma_start3A_304 : memref<1x80xi32, #tpu.memory_space<vmem>> -> memref<80xi32, #tpu.memory_space<vmem>>
        %dma_start3A_306 = arith.constant 0 : i32
        %dma_start3A_307 = arith.constant 0 : i32
        %dma_start3A_308 = tpu.memref_slice %arg17[%dma_start3A_306, %dma_start3A_307] : memref<10240x64xbf16, #tpu.memory_space<vmem_shared>> -> memref<10240x64xbf16, #tpu.memory_space<vmem_shared>>
        tpu.enqueue_indirect_dma source(%arg14 : memref<80x64xbf16, #tpu.memory_space<vmem>>) target(%dma_start3A_308 : memref<10240x64xbf16, #tpu.memory_space<vmem_shared>>) offsets(%dma_start3A_305 : memref<80xi32, #tpu.memory_space<vmem>>) semaphore(%arg31 : memref<!tpu.dma_semaphore, #tpu.memory_space<semaphore_mem>>) {add = true}
      } else {
      }
      %jit3A_244 = arith.constant 8 : i32
      %eq3A_245 = arith.constant 0 : i32
      %eq3A_246 = arith.cmpi eq, %jit3A_244, %eq3A_245 : i32
      %jit3A_247 = arith.constant 1 : i32
      %select_n3A_248 = arith.select %eq3A_246, %jit3A_247, %jit3A_244 : i32
      %rem3A_249 = arith.remsi %scan3A_127, %select_n3A_248 : i32
      %ne3A_250 = arith.constant 0 : i32
      %ne3A_251 = arith.cmpi ne, %rem3A_249, %ne3A_250 : i32
      %lt3A_252 = arith.constant 0 : i32
      %lt3A_253 = arith.cmpi slt, %rem3A_249, %lt3A_252 : i32
      %lt3A_254 = arith.constant 0 : i32
      %lt3A_255 = arith.cmpi slt, %select_n3A_248, %lt3A_254 : i32
      %ne3A_256 = arith.xori %lt3A_253, %lt3A_255 : i1
      %and3A_257 = arith.andi %ne3A_256, %ne3A_251 : i1
      %add3A_258 = arith.addi %rem3A_249, %select_n3A_248 : i32
      %select_n3A_259 = arith.select %and3A_257, %add3A_258, %rem3A_249 : i32
      %eq3A_260 = arith.constant 6 : i32
      %eq3A_261 = arith.cmpi eq, %select_n3A_259, %eq3A_260 : i32
      %convert_element_type3A_262 = arith.extui %eq3A_261 : i1 to i32
      %cond3A_263 = arith.constant 0 : i32
      %cond3A_264 = arith.cmpi ne, %convert_element_type3A_262, %cond3A_263 : i32
      scf.if %cond3A_264 {
        %add3A_286 = arith.constant 6 : i32
        %add3A_287 = arith.addi %scan3A_127, %add3A_286 : i32
        %lt3A_288 = arith.constant 250 : i32
        %lt3A_289 = arith.cmpi slt, %add3A_287, %lt3A_288 : i32
        %convert_element_type3A_290 = arith.extui %lt3A_289 : i1 to i32
        %cond3A_291 = arith.constant 0 : i32
        %cond3A_292 = arith.cmpi ne, %convert_element_type3A_290, %cond3A_291 : i32
        scf.if %cond3A_292 {
          %add3A_309 = arith.constant 6 : i32
          %add3A_310 = arith.addi %scan3A_127, %add3A_309 : i32
          %ge3A = arith.constant 8 : i32
          %ge3A_311 = arith.cmpi sge, %add3A_310, %ge3A : i32
          %convert_element_type3A_312 = arith.extui %ge3A_311 : i1 to i32
          %cond3A_313 = arith.constant 0 : i32
          %cond3A_314 = arith.cmpi ne, %convert_element_type3A_312, %cond3A_313 : i32
          scf.if %cond3A_314 {
            %add3A_327 = arith.constant 6 : i32
            %add3A_328 = arith.addi %scan3A_127, %add3A_327 : i32
            %sub3A = arith.constant 8 : i32
            %sub3A_329 = arith.subi %add3A_328, %sub3A : i32
            %dma_wait3A_330 = arith.constant 0 : i32
            %dma_wait3A_331 = tpu.memref_slice %arg8[%sub3A_329, %dma_wait3A_330] : memref<250x80xi32, #tpu.memory_space<vmem>> -> memref<1x80xi32, #tpu.memory_space<vmem>>
            %dma_wait3A_332 = tpu.memref_squeeze %dma_wait3A_331 : memref<1x80xi32, #tpu.memory_space<vmem>> -> memref<80xi32, #tpu.memory_space<vmem>>
            %dma_wait3A_333 = arith.constant 0 : i32
            %dma_wait3A_334 = arith.constant 0 : i32
            %dma_wait3A_335 = tpu.memref_slice %arg17[%dma_wait3A_333, %dma_wait3A_334] : memref<10240x64xbf16, #tpu.memory_space<vmem_shared>> -> memref<10240x64xbf16, #tpu.memory_space<vmem_shared>>
            tpu.wait_indirect_dma semaphore(%arg30 : memref<!tpu.dma_semaphore, #tpu.memory_space<semaphore_mem>>) src(%arg13 : memref<80x64xbf16, #tpu.memory_space<vmem>>) dst(%dma_wait3A_335 : memref<10240x64xbf16, #tpu.memory_space<vmem_shared>>)
          } else {
          }
          %add3A_315 = arith.constant 6 : i32
          %add3A_316 = arith.addi %scan3A_127, %add3A_315 : i32
          %dma_start3A_317 = arith.constant 0 : i32
          %dma_start3A_318 = tpu.memref_slice %arg7[%add3A_316, %dma_start3A_317] : memref<250x80xi32, #tpu.memory_space<vmem>> -> memref<1x80xi32, #tpu.memory_space<vmem>>
          %dma_start3A_319 = tpu.memref_squeeze %dma_start3A_318 : memref<1x80xi32, #tpu.memory_space<vmem>> -> memref<80xi32, #tpu.memory_space<vmem>>
          %dma_start3A_320 = arith.constant 0 : i32
          %dma_start3A_321 = arith.constant 0 : i32
          %dma_start3A_322 = tpu.memref_slice %arg2[%arg0, %dma_start3A_320, %dma_start3A_321] : memref<2x10000x64xbf16, #tpu.memory_space<hbm>> -> memref<1x10000x64xbf16, #tpu.memory_space<hbm>>
          %dma_start3A_323 = tpu.memref_squeeze %dma_start3A_322 : memref<1x10000x64xbf16, #tpu.memory_space<hbm>> -> memref<10000x64xbf16, #tpu.memory_space<hbm>>
          %dma_start3A_324 = arith.constant 0 : i32
          %dma_start3A_325 = arith.constant 0 : i32
          %dma_start3A_326 = tpu.memref_slice %dma_start3A_323[%dma_start3A_324, %dma_start3A_325] : memref<10000x64xbf16, #tpu.memory_space<hbm>> -> memref<10000x64xbf16, #tpu.memory_space<hbm>>
          tpu.enqueue_indirect_dma source(%dma_start3A_326 : memref<10000x64xbf16, #tpu.memory_space<hbm>>) target(%arg13 : memref<80x64xbf16, #tpu.memory_space<vmem>>) offsets(%dma_start3A_319 : memref<80xi32, #tpu.memory_space<vmem>>) semaphore(%arg22 : memref<!tpu.dma_semaphore, #tpu.memory_space<semaphore_mem>>)
        } else {
        }
        %dma_wait3A_293 = arith.constant 0 : i32
        %dma_wait3A_294 = tpu.memref_slice %arg7[%scan3A_127, %dma_wait3A_293] : memref<250x80xi32, #tpu.memory_space<vmem>> -> memref<1x80xi32, #tpu.memory_space<vmem>>
        %dma_wait3A_295 = tpu.memref_squeeze %dma_wait3A_294 : memref<1x80xi32, #tpu.memory_space<vmem>> -> memref<80xi32, #tpu.memory_space<vmem>>
        %dma_wait3A_296 = arith.constant 0 : i32
        %dma_wait3A_297 = arith.constant 0 : i32
        %dma_wait3A_298 = tpu.memref_slice %arg2[%arg0, %dma_wait3A_296, %dma_wait3A_297] : memref<2x10000x64xbf16, #tpu.memory_space<hbm>> -> memref<1x10000x64xbf16, #tpu.memory_space<hbm>>
        %dma_wait3A_299 = tpu.memref_squeeze %dma_wait3A_298 : memref<1x10000x64xbf16, #tpu.memory_space<hbm>> -> memref<10000x64xbf16, #tpu.memory_space<hbm>>
        %dma_wait3A_300 = arith.constant 0 : i32
        %dma_wait3A_301 = arith.constant 0 : i32
        %dma_wait3A_302 = tpu.memref_slice %dma_wait3A_299[%dma_wait3A_300, %dma_wait3A_301] : memref<10000x64xbf16, #tpu.memory_space<hbm>> -> memref<10000x64xbf16, #tpu.memory_space<hbm>>
        tpu.wait_indirect_dma semaphore(%arg24 : memref<!tpu.dma_semaphore, #tpu.memory_space<semaphore_mem>>) src(%dma_wait3A_302 : memref<10000x64xbf16, #tpu.memory_space<hbm>>) dst(%arg15 : memref<80x64xbf16, #tpu.memory_space<vmem>>)
        %dma_start3A_303 = arith.constant 0 : i32
        %dma_start3A_304 = tpu.memref_slice %arg8[%scan3A_127, %dma_start3A_303] : memref<250x80xi32, #tpu.memory_space<vmem>> -> memref<1x80xi32, #tpu.memory_space<vmem>>
        %dma_start3A_305 = tpu.memref_squeeze %dma_start3A_304 : memref<1x80xi32, #tpu.memory_space<vmem>> -> memref<80xi32, #tpu.memory_space<vmem>>
        %dma_start3A_306 = arith.constant 0 : i32
        %dma_start3A_307 = arith.constant 0 : i32
        %dma_start3A_308 = tpu.memref_slice %arg17[%dma_start3A_306, %dma_start3A_307] : memref<10240x64xbf16, #tpu.memory_space<vmem_shared>> -> memref<10240x64xbf16, #tpu.memory_space<vmem_shared>>
        tpu.enqueue_indirect_dma source(%arg15 : memref<80x64xbf16, #tpu.memory_space<vmem>>) target(%dma_start3A_308 : memref<10240x64xbf16, #tpu.memory_space<vmem_shared>>) offsets(%dma_start3A_305 : memref<80xi32, #tpu.memory_space<vmem>>) semaphore(%arg32 : memref<!tpu.dma_semaphore, #tpu.memory_space<semaphore_mem>>) {add = true}
      } else {
      }
      %jit3A_265 = arith.constant 8 : i32
      %eq3A_266 = arith.constant 0 : i32
      %eq3A_267 = arith.cmpi eq, %jit3A_265, %eq3A_266 : i32
      %jit3A_268 = arith.constant 1 : i32
      %select_n3A_269 = arith.select %eq3A_267, %jit3A_268, %jit3A_265 : i32
      %rem3A_270 = arith.remsi %scan3A_127, %select_n3A_269 : i32
      %ne3A_271 = arith.constant 0 : i32
      %ne3A_272 = arith.cmpi ne, %rem3A_270, %ne3A_271 : i32
      %lt3A_273 = arith.constant 0 : i32
      %lt3A_274 = arith.cmpi slt, %rem3A_270, %lt3A_273 : i32
      %lt3A_275 = arith.constant 0 : i32
      %lt3A_276 = arith.cmpi slt, %select_n3A_269, %lt3A_275 : i32
      %ne3A_277 = arith.xori %lt3A_274, %lt3A_276 : i1
      %and3A_278 = arith.andi %ne3A_277, %ne3A_272 : i1
      %add3A_279 = arith.addi %rem3A_270, %select_n3A_269 : i32
      %select_n3A_280 = arith.select %and3A_278, %add3A_279, %rem3A_270 : i32
      %eq3A_281 = arith.constant 7 : i32
      %eq3A_282 = arith.cmpi eq, %select_n3A_280, %eq3A_281 : i32
      %convert_element_type3A_283 = arith.extui %eq3A_282 : i1 to i32
      %cond3A_284 = arith.constant 0 : i32
      %cond3A_285 = arith.cmpi ne, %convert_element_type3A_283, %cond3A_284 : i32
      scf.if %cond3A_285 {
        %add3A_286 = arith.constant 6 : i32
        %add3A_287 = arith.addi %scan3A_127, %add3A_286 : i32
        %lt3A_288 = arith.constant 250 : i32
        %lt3A_289 = arith.cmpi slt, %add3A_287, %lt3A_288 : i32
        %convert_element_type3A_290 = arith.extui %lt3A_289 : i1 to i32
        %cond3A_291 = arith.constant 0 : i32
        %cond3A_292 = arith.cmpi ne, %convert_element_type3A_290, %cond3A_291 : i32
        scf.if %cond3A_292 {
          %add3A_309 = arith.constant 6 : i32
          %add3A_310 = arith.addi %scan3A_127, %add3A_309 : i32
          %ge3A = arith.constant 8 : i32
          %ge3A_311 = arith.cmpi sge, %add3A_310, %ge3A : i32
          %convert_element_type3A_312 = arith.extui %ge3A_311 : i1 to i32
          %cond3A_313 = arith.constant 0 : i32
          %cond3A_314 = arith.cmpi ne, %convert_element_type3A_312, %cond3A_313 : i32
          scf.if %cond3A_314 {
            %add3A_327 = arith.constant 6 : i32
            %add3A_328 = arith.addi %scan3A_127, %add3A_327 : i32
            %sub3A = arith.constant 8 : i32
            %sub3A_329 = arith.subi %add3A_328, %sub3A : i32
            %dma_wait3A_330 = arith.constant 0 : i32
            %dma_wait3A_331 = tpu.memref_slice %arg8[%sub3A_329, %dma_wait3A_330] : memref<250x80xi32, #tpu.memory_space<vmem>> -> memref<1x80xi32, #tpu.memory_space<vmem>>
            %dma_wait3A_332 = tpu.memref_squeeze %dma_wait3A_331 : memref<1x80xi32, #tpu.memory_space<vmem>> -> memref<80xi32, #tpu.memory_space<vmem>>
            %dma_wait3A_333 = arith.constant 0 : i32
            %dma_wait3A_334 = arith.constant 0 : i32
            %dma_wait3A_335 = tpu.memref_slice %arg17[%dma_wait3A_333, %dma_wait3A_334] : memref<10240x64xbf16, #tpu.memory_space<vmem_shared>> -> memref<10240x64xbf16, #tpu.memory_space<vmem_shared>>
            tpu.wait_indirect_dma semaphore(%arg31 : memref<!tpu.dma_semaphore, #tpu.memory_space<semaphore_mem>>) src(%arg14 : memref<80x64xbf16, #tpu.memory_space<vmem>>) dst(%dma_wait3A_335 : memref<10240x64xbf16, #tpu.memory_space<vmem_shared>>)
          } else {
          }
          %add3A_315 = arith.constant 6 : i32
          %add3A_316 = arith.addi %scan3A_127, %add3A_315 : i32
          %dma_start3A_317 = arith.constant 0 : i32
          %dma_start3A_318 = tpu.memref_slice %arg7[%add3A_316, %dma_start3A_317] : memref<250x80xi32, #tpu.memory_space<vmem>> -> memref<1x80xi32, #tpu.memory_space<vmem>>
          %dma_start3A_319 = tpu.memref_squeeze %dma_start3A_318 : memref<1x80xi32, #tpu.memory_space<vmem>> -> memref<80xi32, #tpu.memory_space<vmem>>
          %dma_start3A_320 = arith.constant 0 : i32
          %dma_start3A_321 = arith.constant 0 : i32
          %dma_start3A_322 = tpu.memref_slice %arg2[%arg0, %dma_start3A_320, %dma_start3A_321] : memref<2x10000x64xbf16, #tpu.memory_space<hbm>> -> memref<1x10000x64xbf16, #tpu.memory_space<hbm>>
          %dma_start3A_323 = tpu.memref_squeeze %dma_start3A_322 : memref<1x10000x64xbf16, #tpu.memory_space<hbm>> -> memref<10000x64xbf16, #tpu.memory_space<hbm>>
          %dma_start3A_324 = arith.constant 0 : i32
          %dma_start3A_325 = arith.constant 0 : i32
          %dma_start3A_326 = tpu.memref_slice %dma_start3A_323[%dma_start3A_324, %dma_start3A_325] : memref<10000x64xbf16, #tpu.memory_space<hbm>> -> memref<10000x64xbf16, #tpu.memory_space<hbm>>
          tpu.enqueue_indirect_dma source(%dma_start3A_326 : memref<10000x64xbf16, #tpu.memory_space<hbm>>) target(%arg14 : memref<80x64xbf16, #tpu.memory_space<vmem>>) offsets(%dma_start3A_319 : memref<80xi32, #tpu.memory_space<vmem>>) semaphore(%arg23 : memref<!tpu.dma_semaphore, #tpu.memory_space<semaphore_mem>>)
        } else {
        }
        %dma_wait3A_293 = arith.constant 0 : i32
        %dma_wait3A_294 = tpu.memref_slice %arg7[%scan3A_127, %dma_wait3A_293] : memref<250x80xi32, #tpu.memory_space<vmem>> -> memref<1x80xi32, #tpu.memory_space<vmem>>
        %dma_wait3A_295 = tpu.memref_squeeze %dma_wait3A_294 : memref<1x80xi32, #tpu.memory_space<vmem>> -> memref<80xi32, #tpu.memory_space<vmem>>
        %dma_wait3A_296 = arith.constant 0 : i32
        %dma_wait3A_297 = arith.constant 0 : i32
        %dma_wait3A_298 = tpu.memref_slice %arg2[%arg0, %dma_wait3A_296, %dma_wait3A_297] : memref<2x10000x64xbf16, #tpu.memory_space<hbm>> -> memref<1x10000x64xbf16, #tpu.memory_space<hbm>>
        %dma_wait3A_299 = tpu.memref_squeeze %dma_wait3A_298 : memref<1x10000x64xbf16, #tpu.memory_space<hbm>> -> memref<10000x64xbf16, #tpu.memory_space<hbm>>
        %dma_wait3A_300 = arith.constant 0 : i32
        %dma_wait3A_301 = arith.constant 0 : i32
        %dma_wait3A_302 = tpu.memref_slice %dma_wait3A_299[%dma_wait3A_300, %dma_wait3A_301] : memref<10000x64xbf16, #tpu.memory_space<hbm>> -> memref<10000x64xbf16, #tpu.memory_space<hbm>>
        tpu.wait_indirect_dma semaphore(%arg25 : memref<!tpu.dma_semaphore, #tpu.memory_space<semaphore_mem>>) src(%dma_wait3A_302 : memref<10000x64xbf16, #tpu.memory_space<hbm>>) dst(%arg16 : memref<80x64xbf16, #tpu.memory_space<vmem>>)
        %dma_start3A_303 = arith.constant 0 : i32
        %dma_start3A_304 = tpu.memref_slice %arg8[%scan3A_127, %dma_start3A_303] : memref<250x80xi32, #tpu.memory_space<vmem>> -> memref<1x80xi32, #tpu.memory_space<vmem>>
        %dma_start3A_305 = tpu.memref_squeeze %dma_start3A_304 : memref<1x80xi32, #tpu.memory_space<vmem>> -> memref<80xi32, #tpu.memory_space<vmem>>
        %dma_start3A_306 = arith.constant 0 : i32
        %dma_start3A_307 = arith.constant 0 : i32
        %dma_start3A_308 = tpu.memref_slice %arg17[%dma_start3A_306, %dma_start3A_307] : memref<10240x64xbf16, #tpu.memory_space<vmem_shared>> -> memref<10240x64xbf16, #tpu.memory_space<vmem_shared>>
        tpu.enqueue_indirect_dma source(%arg16 : memref<80x64xbf16, #tpu.memory_space<vmem>>) target(%dma_start3A_308 : memref<10240x64xbf16, #tpu.memory_space<vmem_shared>>) offsets(%dma_start3A_305 : memref<80xi32, #tpu.memory_space<vmem>>) semaphore(%arg33 : memref<!tpu.dma_semaphore, #tpu.memory_space<semaphore_mem>>) {add = true}
      } else {
      }
    }
    %scan3A_70 = arith.constant 250 : i32
    %dma_wait3A = arith.constant 242 : i32
    %dma_wait3A_71 = arith.constant 0 : i32
    %dma_wait3A_72 = tpu.memref_slice %arg8[%dma_wait3A, %dma_wait3A_71] : memref<250x80xi32, #tpu.memory_space<vmem>> -> memref<1x80xi32, #tpu.memory_space<vmem>>
    %dma_wait3A_73 = tpu.memref_squeeze %dma_wait3A_72 : memref<1x80xi32, #tpu.memory_space<vmem>> -> memref<80xi32, #tpu.memory_space<vmem>>
    %dma_wait3A_74 = arith.constant 0 : i32
    %dma_wait3A_75 = arith.constant 0 : i32
    %dma_wait3A_76 = tpu.memref_slice %arg17[%dma_wait3A_74, %dma_wait3A_75] : memref<10240x64xbf16, #tpu.memory_space<vmem_shared>> -> memref<10240x64xbf16, #tpu.memory_space<vmem_shared>>
    tpu.wait_indirect_dma semaphore(%arg28 : memref<!tpu.dma_semaphore, #tpu.memory_space<semaphore_mem>>) src(%arg11 : memref<80x64xbf16, #tpu.memory_space<vmem>>) dst(%dma_wait3A_76 : memref<10240x64xbf16, #tpu.memory_space<vmem_shared>>)
    %dma_wait3A_77 = arith.constant 243 : i32
    %dma_wait3A_78 = arith.constant 0 : i32
    %dma_wait3A_79 = tpu.memref_slice %arg8[%dma_wait3A_77, %dma_wait3A_78] : memref<250x80xi32, #tpu.memory_space<vmem>> -> memref<1x80xi32, #tpu.memory_space<vmem>>
    %dma_wait3A_80 = tpu.memref_squeeze %dma_wait3A_79 : memref<1x80xi32, #tpu.memory_space<vmem>> -> memref<80xi32, #tpu.memory_space<vmem>>
    %dma_wait3A_81 = arith.constant 0 : i32
    %dma_wait3A_82 = arith.constant 0 : i32
    %dma_wait3A_83 = tpu.memref_slice %arg17[%dma_wait3A_81, %dma_wait3A_82] : memref<10240x64xbf16, #tpu.memory_space<vmem_shared>> -> memref<10240x64xbf16, #tpu.memory_space<vmem_shared>>
    tpu.wait_indirect_dma semaphore(%arg29 : memref<!tpu.dma_semaphore, #tpu.memory_space<semaphore_mem>>) src(%arg12 : memref<80x64xbf16, #tpu.memory_space<vmem>>) dst(%dma_wait3A_83 : memref<10240x64xbf16, #tpu.memory_space<vmem_shared>>)
    %dma_wait3A_84 = arith.constant 244 : i32
    %dma_wait3A_85 = arith.constant 0 : i32
    %dma_wait3A_86 = tpu.memref_slice %arg8[%dma_wait3A_84, %dma_wait3A_85] : memref<250x80xi32, #tpu.memory_space<vmem>> -> memref<1x80xi32, #tpu.memory_space<vmem>>
    %dma_wait3A_87 = tpu.memref_squeeze %dma_wait3A_86 : memref<1x80xi32, #tpu.memory_space<vmem>> -> memref<80xi32, #tpu.memory_space<vmem>>
    %dma_wait3A_88 = arith.constant 0 : i32
    %dma_wait3A_89 = arith.constant 0 : i32
    %dma_wait3A_90 = tpu.memref_slice %arg17[%dma_wait3A_88, %dma_wait3A_89] : memref<10240x64xbf16, #tpu.memory_space<vmem_shared>> -> memref<10240x64xbf16, #tpu.memory_space<vmem_shared>>
    tpu.wait_indirect_dma semaphore(%arg30 : memref<!tpu.dma_semaphore, #tpu.memory_space<semaphore_mem>>) src(%arg13 : memref<80x64xbf16, #tpu.memory_space<vmem>>) dst(%dma_wait3A_90 : memref<10240x64xbf16, #tpu.memory_space<vmem_shared>>)
    %dma_wait3A_91 = arith.constant 245 : i32
    %dma_wait3A_92 = arith.constant 0 : i32
    %dma_wait3A_93 = tpu.memref_slice %arg8[%dma_wait3A_91, %dma_wait3A_92] : memref<250x80xi32, #tpu.memory_space<vmem>> -> memref<1x80xi32, #tpu.memory_space<vmem>>
    %dma_wait3A_94 = tpu.memref_squeeze %dma_wait3A_93 : memref<1x80xi32, #tpu.memory_space<vmem>> -> memref<80xi32, #tpu.memory_space<vmem>>
    %dma_wait3A_95 = arith.constant 0 : i32
    %dma_wait3A_96 = arith.constant 0 : i32
    %dma_wait3A_97 = tpu.memref_slice %arg17[%dma_wait3A_95, %dma_wait3A_96] : memref<10240x64xbf16, #tpu.memory_space<vmem_shared>> -> memref<10240x64xbf16, #tpu.memory_space<vmem_shared>>
    tpu.wait_indirect_dma semaphore(%arg31 : memref<!tpu.dma_semaphore, #tpu.memory_space<semaphore_mem>>) src(%arg14 : memref<80x64xbf16, #tpu.memory_space<vmem>>) dst(%dma_wait3A_97 : memref<10240x64xbf16, #tpu.memory_space<vmem_shared>>)
    %dma_wait3A_98 = arith.constant 246 : i32
    %dma_wait3A_99 = arith.constant 0 : i32
    %dma_wait3A_100 = tpu.memref_slice %arg8[%dma_wait3A_98, %dma_wait3A_99] : memref<250x80xi32, #tpu.memory_space<vmem>> -> memref<1x80xi32, #tpu.memory_space<vmem>>
    %dma_wait3A_101 = tpu.memref_squeeze %dma_wait3A_100 : memref<1x80xi32, #tpu.memory_space<vmem>> -> memref<80xi32, #tpu.memory_space<vmem>>
    %dma_wait3A_102 = arith.constant 0 : i32
    %dma_wait3A_103 = arith.constant 0 : i32
    %dma_wait3A_104 = tpu.memref_slice %arg17[%dma_wait3A_102, %dma_wait3A_103] : memref<10240x64xbf16, #tpu.memory_space<vmem_shared>> -> memref<10240x64xbf16, #tpu.memory_space<vmem_shared>>
    tpu.wait_indirect_dma semaphore(%arg32 : memref<!tpu.dma_semaphore, #tpu.memory_space<semaphore_mem>>) src(%arg15 : memref<80x64xbf16, #tpu.memory_space<vmem>>) dst(%dma_wait3A_104 : memref<10240x64xbf16, #tpu.memory_space<vmem_shared>>)
    %dma_wait3A_105 = arith.constant 247 : i32
    %dma_wait3A_106 = arith.constant 0 : i32
    %dma_wait3A_107 = tpu.memref_slice %arg8[%dma_wait3A_105, %dma_wait3A_106] : memref<250x80xi32, #tpu.memory_space<vmem>> -> memref<1x80xi32, #tpu.memory_space<vmem>>
    %dma_wait3A_108 = tpu.memref_squeeze %dma_wait3A_107 : memref<1x80xi32, #tpu.memory_space<vmem>> -> memref<80xi32, #tpu.memory_space<vmem>>
    %dma_wait3A_109 = arith.constant 0 : i32
    %dma_wait3A_110 = arith.constant 0 : i32
    %dma_wait3A_111 = tpu.memref_slice %arg17[%dma_wait3A_109, %dma_wait3A_110] : memref<10240x64xbf16, #tpu.memory_space<vmem_shared>> -> memref<10240x64xbf16, #tpu.memory_space<vmem_shared>>
    tpu.wait_indirect_dma semaphore(%arg33 : memref<!tpu.dma_semaphore, #tpu.memory_space<semaphore_mem>>) src(%arg16 : memref<80x64xbf16, #tpu.memory_space<vmem>>) dst(%dma_wait3A_111 : memref<10240x64xbf16, #tpu.memory_space<vmem_shared>>)
    %dma_wait3A_112 = arith.constant 248 : i32
    %dma_wait3A_113 = arith.constant 0 : i32
    %dma_wait3A_114 = tpu.memref_slice %arg8[%dma_wait3A_112, %dma_wait3A_113] : memref<250x80xi32, #tpu.memory_space<vmem>> -> memref<1x80xi32, #tpu.memory_space<vmem>>
    %dma_wait3A_115 = tpu.memref_squeeze %dma_wait3A_114 : memref<1x80xi32, #tpu.memory_space<vmem>> -> memref<80xi32, #tpu.memory_space<vmem>>
    %dma_wait3A_116 = arith.constant 0 : i32
    %dma_wait3A_117 = arith.constant 0 : i32
    %dma_wait3A_118 = tpu.memref_slice %arg17[%dma_wait3A_116, %dma_wait3A_117] : memref<10240x64xbf16, #tpu.memory_space<vmem_shared>> -> memref<10240x64xbf16, #tpu.memory_space<vmem_shared>>
    tpu.wait_indirect_dma semaphore(%arg26 : memref<!tpu.dma_semaphore, #tpu.memory_space<semaphore_mem>>) src(%arg9 : memref<80x64xbf16, #tpu.memory_space<vmem>>) dst(%dma_wait3A_118 : memref<10240x64xbf16, #tpu.memory_space<vmem_shared>>)
    %dma_wait3A_119 = arith.constant 249 : i32
    %dma_wait3A_120 = arith.constant 0 : i32
    %dma_wait3A_121 = tpu.memref_slice %arg8[%dma_wait3A_119, %dma_wait3A_120] : memref<250x80xi32, #tpu.memory_space<vmem>> -> memref<1x80xi32, #tpu.memory_space<vmem>>
    %dma_wait3A_122 = tpu.memref_squeeze %dma_wait3A_121 : memref<1x80xi32, #tpu.memory_space<vmem>> -> memref<80xi32, #tpu.memory_space<vmem>>
    %dma_wait3A_123 = arith.constant 0 : i32
    %dma_wait3A_124 = arith.constant 0 : i32
    %dma_wait3A_125 = tpu.memref_slice %arg17[%dma_wait3A_123, %dma_wait3A_124] : memref<10240x64xbf16, #tpu.memory_space<vmem_shared>> -> memref<10240x64xbf16, #tpu.memory_space<vmem_shared>>
    tpu.wait_indirect_dma semaphore(%arg27 : memref<!tpu.dma_semaphore, #tpu.memory_space<semaphore_mem>>) src(%arg10 : memref<80x64xbf16, #tpu.memory_space<vmem>>) dst(%dma_wait3A_125 : memref<10240x64xbf16, #tpu.memory_space<vmem_shared>>)
    %barrier3A_126 = arith.constant 0 : index
    tpu.barrier barrier_id(%barrier3A_126)
    "tpu.region"() ({
      %run_scoped3A = tpu.sem_alloc : memref<!tpu.dma_semaphore, #tpu.memory_space<semaphore_mem>>
      %dma_start3A_127 = arith.constant 0 : i32
      %dma_start3A_128 = tpu.memref_slice %arg6[%arg0, %mul3A_0, %dma_start3A_127] : memref<2x10240x64xbf16, #tpu.memory_space<hbm>> -> memref<1x640x64xbf16, #tpu.memory_space<hbm>>
      %dma_start3A_129 = tpu.memref_squeeze %dma_start3A_128 : memref<1x640x64xbf16, #tpu.memory_space<hbm>> -> memref<640x64xbf16, #tpu.memory_space<hbm>>
      %dma_start3A_130 = arith.constant 0 : i32
      %dma_start3A_131 = tpu.memref_slice %arg17[%mul3A_0, %dma_start3A_130] : memref<10240x64xbf16, #tpu.memory_space<vmem_shared>> -> memref<640x64xbf16, #tpu.memory_space<vmem_shared>>
      tpu.enqueue_dma source(%dma_start3A_131 : memref<640x64xbf16, #tpu.memory_space<vmem_shared>>) target(%dma_start3A_129 : memref<640x64xbf16, #tpu.memory_space<hbm>>) target_semaphore(%run_scoped3A : memref<!tpu.dma_semaphore, #tpu.memory_space<semaphore_mem>>)
      %dma_wait3A_132 = arith.constant 0 : i32
      %dma_wait3A_133 = tpu.memref_slice %arg6[%arg0, %mul3A_0, %dma_wait3A_132] : memref<2x10240x64xbf16, #tpu.memory_space<hbm>> -> memref<1x640x64xbf16, #tpu.memory_space<hbm>>
      %dma_wait3A_134 = tpu.memref_squeeze %dma_wait3A_133 : memref<1x640x64xbf16, #tpu.memory_space<hbm>> -> memref<640x64xbf16, #tpu.memory_space<hbm>>
      %dma_wait3A_135 = arith.constant 0 : i32
      %dma_wait3A_136 = tpu.memref_slice %arg17[%mul3A_0, %dma_wait3A_135] : memref<10240x64xbf16, #tpu.memory_space<vmem_shared>> -> memref<640x64xbf16, #tpu.memory_space<vmem_shared>>
      tpu.wait_dma2 semaphore(%run_scoped3A : memref<!tpu.dma_semaphore, #tpu.memory_space<semaphore_mem>>) src(%dma_wait3A_136 : memref<640x64xbf16, #tpu.memory_space<vmem_shared>>) dst(%dma_wait3A_134 : memref<640x64xbf16, #tpu.memory_space<hbm>>)
      tpu.yield
    }) : () -> ()
    return
  }
}

#map = affine_map<(d0, d1) -> (0, 0)>
#map1 = affine_map<(d0, d1) -> (0, 0, 0)>
module attributes {stable_mosaic.version = 14 : i64} {
  func.func @_scatter_c(%arg0: i32, %arg1: i32, %arg2: memref<10000x16xf32, #tpu.memory_space<hbm>>, %arg3: memref<32x125x80xi32, #tpu.memory_space<hbm>>, %arg4: memref<32x125x80xi32, #tpu.memory_space<hbm>>, %arg5: memref<640x16xf32, #tpu.memory_space<hbm>>, %arg6: memref<2x10240x16xf32, #tpu.memory_space<hbm>>, %arg7: memref<125x80xi32, #tpu.memory_space<vmem>>, %arg8: memref<125x80xi32, #tpu.memory_space<vmem>>, %arg9: memref<80x16xf32, #tpu.memory_space<vmem>>, %arg10: memref<80x16xf32, #tpu.memory_space<vmem>>, %arg11: memref<80x16xf32, #tpu.memory_space<vmem>>, %arg12: memref<80x16xf32, #tpu.memory_space<vmem>>, %arg13: memref<80x16xf32, #tpu.memory_space<vmem>>, %arg14: memref<80x16xf32, #tpu.memory_space<vmem>>, %arg15: memref<80x16xf32, #tpu.memory_space<vmem>>, %arg16: memref<80x16xf32, #tpu.memory_space<vmem>>, %arg17: memref<80x16xf32, #tpu.memory_space<vmem>>, %arg18: memref<80x16xf32, #tpu.memory_space<vmem>>, %arg19: memref<10240x16xf32, #tpu.memory_space<vmem_shared>>, %arg20: memref<!tpu.dma_semaphore, #tpu.memory_space<semaphore_mem>>, %arg21: memref<!tpu.dma_semaphore, #tpu.memory_space<semaphore_mem>>, %arg22: memref<!tpu.dma_semaphore, #tpu.memory_space<semaphore_mem>>, %arg23: memref<!tpu.dma_semaphore, #tpu.memory_space<semaphore_mem>>, %arg24: memref<!tpu.dma_semaphore, #tpu.memory_space<semaphore_mem>>, %arg25: memref<!tpu.dma_semaphore, #tpu.memory_space<semaphore_mem>>, %arg26: memref<!tpu.dma_semaphore, #tpu.memory_space<semaphore_mem>>, %arg27: memref<!tpu.dma_semaphore, #tpu.memory_space<semaphore_mem>>, %arg28: memref<!tpu.dma_semaphore, #tpu.memory_space<semaphore_mem>>, %arg29: memref<!tpu.dma_semaphore, #tpu.memory_space<semaphore_mem>>, %arg30: memref<!tpu.dma_semaphore, #tpu.memory_space<semaphore_mem>>, %arg31: memref<!tpu.dma_semaphore, #tpu.memory_space<semaphore_mem>>, %arg32: memref<!tpu.dma_semaphore, #tpu.memory_space<semaphore_mem>>, %arg33: memref<!tpu.dma_semaphore, #tpu.memory_space<semaphore_mem>>, %arg34: memref<!tpu.dma_semaphore, #tpu.memory_space<semaphore_mem>>, %arg35: memref<!tpu.dma_semaphore, #tpu.memory_space<semaphore_mem>>, %arg36: memref<!tpu.dma_semaphore, #tpu.memory_space<semaphore_mem>>, %arg37: memref<!tpu.dma_semaphore, #tpu.memory_space<semaphore_mem>>, %arg38: memref<!tpu.dma_semaphore, #tpu.memory_space<semaphore_mem>>, %arg39: memref<!tpu.dma_semaphore, #tpu.memory_space<semaphore_mem>>) attributes {dimension_semantics = [#tpu.dimension_semantics<core_parallel>, #tpu.dimension_semantics<subcore_parallel>], iteration_bounds = array<i64: 2, 16>, scalar_prefetch = 0 : i64, scratch_operands = 33 : i64, tpu.core_type = #tpu.core_type<sc_vector_subcore>, window_params = [{transform_indices = #map}, {transform_indices = #map1}, {transform_indices = #map1}, {transform_indices = #map}, {transform_indices = #map1}]} {
    %mul3A = arith.constant 16 : i32
    %mul3A_0 = arith.muli %arg0, %mul3A : i32
    %add3A = arith.addi %mul3A_0, %arg1 : i32
    "tpu.region"() ({
      %run_scoped3A = tpu.sem_alloc : memref<!tpu.dma_semaphore, #tpu.memory_space<semaphore_mem>>
      %dma_start3A_133 = arith.constant 0 : i32
      %dma_start3A_134 = arith.constant 0 : i32
      %dma_start3A_135 = tpu.memref_slice %arg3[%add3A, %dma_start3A_133, %dma_start3A_134] : memref<32x125x80xi32, #tpu.memory_space<hbm>> -> memref<1x125x80xi32, #tpu.memory_space<hbm>>
      %dma_start3A_136 = tpu.memref_squeeze %dma_start3A_135 : memref<1x125x80xi32, #tpu.memory_space<hbm>> -> memref<125x80xi32, #tpu.memory_space<hbm>>
      %dma_start3A_137 = arith.constant 0 : i32
      %dma_start3A_138 = arith.constant 0 : i32
      %dma_start3A_139 = tpu.memref_slice %arg3[%add3A, %dma_start3A_137, %dma_start3A_138] : memref<32x125x80xi32, #tpu.memory_space<hbm>> -> memref<1x125x80xi32, #tpu.memory_space<hbm>>
      %dma_start3A_140 = tpu.memref_squeeze %dma_start3A_139 : memref<1x125x80xi32, #tpu.memory_space<hbm>> -> memref<125x80xi32, #tpu.memory_space<hbm>>
      tpu.enqueue_dma source(%dma_start3A_140 : memref<125x80xi32, #tpu.memory_space<hbm>>) target(%arg7 : memref<125x80xi32, #tpu.memory_space<vmem>>) target_semaphore(%run_scoped3A : memref<!tpu.dma_semaphore, #tpu.memory_space<semaphore_mem>>)
      %dma_wait3A_141 = arith.constant 0 : i32
      %dma_wait3A_142 = arith.constant 0 : i32
      %dma_wait3A_143 = tpu.memref_slice %arg3[%add3A, %dma_wait3A_141, %dma_wait3A_142] : memref<32x125x80xi32, #tpu.memory_space<hbm>> -> memref<1x125x80xi32, #tpu.memory_space<hbm>>
      %dma_wait3A_144 = tpu.memref_squeeze %dma_wait3A_143 : memref<1x125x80xi32, #tpu.memory_space<hbm>> -> memref<125x80xi32, #tpu.memory_space<hbm>>
      %dma_wait3A_145 = arith.constant 0 : i32
      %dma_wait3A_146 = arith.constant 0 : i32
      %dma_wait3A_147 = tpu.memref_slice %arg3[%add3A, %dma_wait3A_145, %dma_wait3A_146] : memref<32x125x80xi32, #tpu.memory_space<hbm>> -> memref<1x125x80xi32, #tpu.memory_space<hbm>>
      %dma_wait3A_148 = tpu.memref_squeeze %dma_wait3A_147 : memref<1x125x80xi32, #tpu.memory_space<hbm>> -> memref<125x80xi32, #tpu.memory_space<hbm>>
      tpu.wait_dma2 semaphore(%run_scoped3A : memref<!tpu.dma_semaphore, #tpu.memory_space<semaphore_mem>>) src(%dma_wait3A_148 : memref<125x80xi32, #tpu.memory_space<hbm>>) dst(%arg7 : memref<125x80xi32, #tpu.memory_space<vmem>>)
      tpu.yield
    }) : () -> ()
    "tpu.region"() ({
      %run_scoped3A = tpu.sem_alloc : memref<!tpu.dma_semaphore, #tpu.memory_space<semaphore_mem>>
      %dma_start3A_133 = arith.constant 0 : i32
      %dma_start3A_134 = arith.constant 0 : i32
      %dma_start3A_135 = tpu.memref_slice %arg4[%add3A, %dma_start3A_133, %dma_start3A_134] : memref<32x125x80xi32, #tpu.memory_space<hbm>> -> memref<1x125x80xi32, #tpu.memory_space<hbm>>
      %dma_start3A_136 = tpu.memref_squeeze %dma_start3A_135 : memref<1x125x80xi32, #tpu.memory_space<hbm>> -> memref<125x80xi32, #tpu.memory_space<hbm>>
      %dma_start3A_137 = arith.constant 0 : i32
      %dma_start3A_138 = arith.constant 0 : i32
      %dma_start3A_139 = tpu.memref_slice %arg4[%add3A, %dma_start3A_137, %dma_start3A_138] : memref<32x125x80xi32, #tpu.memory_space<hbm>> -> memref<1x125x80xi32, #tpu.memory_space<hbm>>
      %dma_start3A_140 = tpu.memref_squeeze %dma_start3A_139 : memref<1x125x80xi32, #tpu.memory_space<hbm>> -> memref<125x80xi32, #tpu.memory_space<hbm>>
      tpu.enqueue_dma source(%dma_start3A_140 : memref<125x80xi32, #tpu.memory_space<hbm>>) target(%arg8 : memref<125x80xi32, #tpu.memory_space<vmem>>) target_semaphore(%run_scoped3A : memref<!tpu.dma_semaphore, #tpu.memory_space<semaphore_mem>>)
      %dma_wait3A_141 = arith.constant 0 : i32
      %dma_wait3A_142 = arith.constant 0 : i32
      %dma_wait3A_143 = tpu.memref_slice %arg4[%add3A, %dma_wait3A_141, %dma_wait3A_142] : memref<32x125x80xi32, #tpu.memory_space<hbm>> -> memref<1x125x80xi32, #tpu.memory_space<hbm>>
      %dma_wait3A_144 = tpu.memref_squeeze %dma_wait3A_143 : memref<1x125x80xi32, #tpu.memory_space<hbm>> -> memref<125x80xi32, #tpu.memory_space<hbm>>
      %dma_wait3A_145 = arith.constant 0 : i32
      %dma_wait3A_146 = arith.constant 0 : i32
      %dma_wait3A_147 = tpu.memref_slice %arg4[%add3A, %dma_wait3A_145, %dma_wait3A_146] : memref<32x125x80xi32, #tpu.memory_space<hbm>> -> memref<1x125x80xi32, #tpu.memory_space<hbm>>
      %dma_wait3A_148 = tpu.memref_squeeze %dma_wait3A_147 : memref<1x125x80xi32, #tpu.memory_space<hbm>> -> memref<125x80xi32, #tpu.memory_space<hbm>>
      tpu.wait_dma2 semaphore(%run_scoped3A : memref<!tpu.dma_semaphore, #tpu.memory_space<semaphore_mem>>) src(%dma_wait3A_148 : memref<125x80xi32, #tpu.memory_space<hbm>>) dst(%arg8 : memref<125x80xi32, #tpu.memory_space<vmem>>)
      tpu.yield
    }) : () -> ()
    %mul3A_1 = arith.constant 640 : i32
    %mul3A_2 = arith.muli %arg1, %mul3A_1 : i32
    "tpu.region"() ({
      %run_scoped3A = tpu.sem_alloc : memref<!tpu.dma_semaphore, #tpu.memory_space<semaphore_mem>>
      %dma_start3A_133 = arith.constant 0 : i32
      %dma_start3A_134 = tpu.memref_slice %arg19[%mul3A_2, %dma_start3A_133] : memref<10240x16xf32, #tpu.memory_space<vmem_shared>> -> memref<640x16xf32, #tpu.memory_space<vmem_shared>>
      tpu.enqueue_dma source(%arg5 : memref<640x16xf32, #tpu.memory_space<hbm>>) target(%dma_start3A_134 : memref<640x16xf32, #tpu.memory_space<vmem_shared>>) target_semaphore(%run_scoped3A : memref<!tpu.dma_semaphore, #tpu.memory_space<semaphore_mem>>)
      %dma_wait3A_135 = arith.constant 0 : i32
      %dma_wait3A_136 = tpu.memref_slice %arg19[%mul3A_2, %dma_wait3A_135] : memref<10240x16xf32, #tpu.memory_space<vmem_shared>> -> memref<640x16xf32, #tpu.memory_space<vmem_shared>>
      tpu.wait_dma2 semaphore(%run_scoped3A : memref<!tpu.dma_semaphore, #tpu.memory_space<semaphore_mem>>) src(%arg5 : memref<640x16xf32, #tpu.memory_space<hbm>>) dst(%dma_wait3A_136 : memref<640x16xf32, #tpu.memory_space<vmem_shared>>)
      tpu.yield
    }) : () -> ()
    %barrier3A = arith.constant 0 : index
    tpu.barrier barrier_id(%barrier3A)
    %dma_start3A = arith.constant 0 : i32
    %dma_start3A_3 = arith.constant 0 : i32
    %dma_start3A_4 = tpu.memref_slice %arg7[%dma_start3A, %dma_start3A_3] : memref<125x80xi32, #tpu.memory_space<vmem>> -> memref<1x80xi32, #tpu.memory_space<vmem>>
    %dma_start3A_5 = tpu.memref_squeeze %dma_start3A_4 : memref<1x80xi32, #tpu.memory_space<vmem>> -> memref<80xi32, #tpu.memory_space<vmem>>
    %dma_start3A_6 = arith.constant 0 : i32
    %dma_start3A_7 = arith.constant 0 : i32
    %dma_start3A_8 = tpu.memref_slice %arg2[%dma_start3A_6, %dma_start3A_7] : memref<10000x16xf32, #tpu.memory_space<hbm>> -> memref<10000x16xf32, #tpu.memory_space<hbm>>
    tpu.enqueue_indirect_dma source(%dma_start3A_8 : memref<10000x16xf32, #tpu.memory_space<hbm>>) target(%arg9 : memref<80x16xf32, #tpu.memory_space<vmem>>) offsets(%dma_start3A_5 : memref<80xi32, #tpu.memory_space<vmem>>) semaphore(%arg20 : memref<!tpu.dma_semaphore, #tpu.memory_space<semaphore_mem>>)
    %dma_start3A_9 = arith.constant 1 : i32
    %dma_start3A_10 = arith.constant 0 : i32
    %dma_start3A_11 = tpu.memref_slice %arg7[%dma_start3A_9, %dma_start3A_10] : memref<125x80xi32, #tpu.memory_space<vmem>> -> memref<1x80xi32, #tpu.memory_space<vmem>>
    %dma_start3A_12 = tpu.memref_squeeze %dma_start3A_11 : memref<1x80xi32, #tpu.memory_space<vmem>> -> memref<80xi32, #tpu.memory_space<vmem>>
    %dma_start3A_13 = arith.constant 0 : i32
    %dma_start3A_14 = arith.constant 0 : i32
    %dma_start3A_15 = tpu.memref_slice %arg2[%dma_start3A_13, %dma_start3A_14] : memref<10000x16xf32, #tpu.memory_space<hbm>> -> memref<10000x16xf32, #tpu.memory_space<hbm>>
    tpu.enqueue_indirect_dma source(%dma_start3A_15 : memref<10000x16xf32, #tpu.memory_space<hbm>>) target(%arg10 : memref<80x16xf32, #tpu.memory_space<vmem>>) offsets(%dma_start3A_12 : memref<80xi32, #tpu.memory_space<vmem>>) semaphore(%arg21 : memref<!tpu.dma_semaphore, #tpu.memory_space<semaphore_mem>>)
    %dma_start3A_16 = arith.constant 2 : i32
    %dma_start3A_17 = arith.constant 0 : i32
    %dma_start3A_18 = tpu.memref_slice %arg7[%dma_start3A_16, %dma_start3A_17] : memref<125x80xi32, #tpu.memory_space<vmem>> -> memref<1x80xi32, #tpu.memory_space<vmem>>
    %dma_start3A_19 = tpu.memref_squeeze %dma_start3A_18 : memref<1x80xi32, #tpu.memory_space<vmem>> -> memref<80xi32, #tpu.memory_space<vmem>>
    %dma_start3A_20 = arith.constant 0 : i32
    %dma_start3A_21 = arith.constant 0 : i32
    %dma_start3A_22 = tpu.memref_slice %arg2[%dma_start3A_20, %dma_start3A_21] : memref<10000x16xf32, #tpu.memory_space<hbm>> -> memref<10000x16xf32, #tpu.memory_space<hbm>>
    tpu.enqueue_indirect_dma source(%dma_start3A_22 : memref<10000x16xf32, #tpu.memory_space<hbm>>) target(%arg11 : memref<80x16xf32, #tpu.memory_space<vmem>>) offsets(%dma_start3A_19 : memref<80xi32, #tpu.memory_space<vmem>>) semaphore(%arg22 : memref<!tpu.dma_semaphore, #tpu.memory_space<semaphore_mem>>)
    %dma_start3A_23 = arith.constant 3 : i32
    %dma_start3A_24 = arith.constant 0 : i32
    %dma_start3A_25 = tpu.memref_slice %arg7[%dma_start3A_23, %dma_start3A_24] : memref<125x80xi32, #tpu.memory_space<vmem>> -> memref<1x80xi32, #tpu.memory_space<vmem>>
    %dma_start3A_26 = tpu.memref_squeeze %dma_start3A_25 : memref<1x80xi32, #tpu.memory_space<vmem>> -> memref<80xi32, #tpu.memory_space<vmem>>
    %dma_start3A_27 = arith.constant 0 : i32
    %dma_start3A_28 = arith.constant 0 : i32
    %dma_start3A_29 = tpu.memref_slice %arg2[%dma_start3A_27, %dma_start3A_28] : memref<10000x16xf32, #tpu.memory_space<hbm>> -> memref<10000x16xf32, #tpu.memory_space<hbm>>
    tpu.enqueue_indirect_dma source(%dma_start3A_29 : memref<10000x16xf32, #tpu.memory_space<hbm>>) target(%arg12 : memref<80x16xf32, #tpu.memory_space<vmem>>) offsets(%dma_start3A_26 : memref<80xi32, #tpu.memory_space<vmem>>) semaphore(%arg23 : memref<!tpu.dma_semaphore, #tpu.memory_space<semaphore_mem>>)
    %dma_start3A_30 = arith.constant 4 : i32
    %dma_start3A_31 = arith.constant 0 : i32
    %dma_start3A_32 = tpu.memref_slice %arg7[%dma_start3A_30, %dma_start3A_31] : memref<125x80xi32, #tpu.memory_space<vmem>> -> memref<1x80xi32, #tpu.memory_space<vmem>>
    %dma_start3A_33 = tpu.memref_squeeze %dma_start3A_32 : memref<1x80xi32, #tpu.memory_space<vmem>> -> memref<80xi32, #tpu.memory_space<vmem>>
    %dma_start3A_34 = arith.constant 0 : i32
    %dma_start3A_35 = arith.constant 0 : i32
    %dma_start3A_36 = tpu.memref_slice %arg2[%dma_start3A_34, %dma_start3A_35] : memref<10000x16xf32, #tpu.memory_space<hbm>> -> memref<10000x16xf32, #tpu.memory_space<hbm>>
    tpu.enqueue_indirect_dma source(%dma_start3A_36 : memref<10000x16xf32, #tpu.memory_space<hbm>>) target(%arg13 : memref<80x16xf32, #tpu.memory_space<vmem>>) offsets(%dma_start3A_33 : memref<80xi32, #tpu.memory_space<vmem>>) semaphore(%arg24 : memref<!tpu.dma_semaphore, #tpu.memory_space<semaphore_mem>>)
    %dma_start3A_37 = arith.constant 5 : i32
    %dma_start3A_38 = arith.constant 0 : i32
    %dma_start3A_39 = tpu.memref_slice %arg7[%dma_start3A_37, %dma_start3A_38] : memref<125x80xi32, #tpu.memory_space<vmem>> -> memref<1x80xi32, #tpu.memory_space<vmem>>
    %dma_start3A_40 = tpu.memref_squeeze %dma_start3A_39 : memref<1x80xi32, #tpu.memory_space<vmem>> -> memref<80xi32, #tpu.memory_space<vmem>>
    %dma_start3A_41 = arith.constant 0 : i32
    %dma_start3A_42 = arith.constant 0 : i32
    %dma_start3A_43 = tpu.memref_slice %arg2[%dma_start3A_41, %dma_start3A_42] : memref<10000x16xf32, #tpu.memory_space<hbm>> -> memref<10000x16xf32, #tpu.memory_space<hbm>>
    tpu.enqueue_indirect_dma source(%dma_start3A_43 : memref<10000x16xf32, #tpu.memory_space<hbm>>) target(%arg14 : memref<80x16xf32, #tpu.memory_space<vmem>>) offsets(%dma_start3A_40 : memref<80xi32, #tpu.memory_space<vmem>>) semaphore(%arg25 : memref<!tpu.dma_semaphore, #tpu.memory_space<semaphore_mem>>)
    %dma_start3A_44 = arith.constant 6 : i32
    %dma_start3A_45 = arith.constant 0 : i32
    %dma_start3A_46 = tpu.memref_slice %arg7[%dma_start3A_44, %dma_start3A_45] : memref<125x80xi32, #tpu.memory_space<vmem>> -> memref<1x80xi32, #tpu.memory_space<vmem>>
    %dma_start3A_47 = tpu.memref_squeeze %dma_start3A_46 : memref<1x80xi32, #tpu.memory_space<vmem>> -> memref<80xi32, #tpu.memory_space<vmem>>
    %dma_start3A_48 = arith.constant 0 : i32
    %dma_start3A_49 = arith.constant 0 : i32
    %dma_start3A_50 = tpu.memref_slice %arg2[%dma_start3A_48, %dma_start3A_49] : memref<10000x16xf32, #tpu.memory_space<hbm>> -> memref<10000x16xf32, #tpu.memory_space<hbm>>
    tpu.enqueue_indirect_dma source(%dma_start3A_50 : memref<10000x16xf32, #tpu.memory_space<hbm>>) target(%arg15 : memref<80x16xf32, #tpu.memory_space<vmem>>) offsets(%dma_start3A_47 : memref<80xi32, #tpu.memory_space<vmem>>) semaphore(%arg26 : memref<!tpu.dma_semaphore, #tpu.memory_space<semaphore_mem>>)
    %dma_start3A_51 = arith.constant 7 : i32
    %dma_start3A_52 = arith.constant 0 : i32
    %dma_start3A_53 = tpu.memref_slice %arg7[%dma_start3A_51, %dma_start3A_52] : memref<125x80xi32, #tpu.memory_space<vmem>> -> memref<1x80xi32, #tpu.memory_space<vmem>>
    %dma_start3A_54 = tpu.memref_squeeze %dma_start3A_53 : memref<1x80xi32, #tpu.memory_space<vmem>> -> memref<80xi32, #tpu.memory_space<vmem>>
    %dma_start3A_55 = arith.constant 0 : i32
    %dma_start3A_56 = arith.constant 0 : i32
    %dma_start3A_57 = tpu.memref_slice %arg2[%dma_start3A_55, %dma_start3A_56] : memref<10000x16xf32, #tpu.memory_space<hbm>> -> memref<10000x16xf32, #tpu.memory_space<hbm>>
    tpu.enqueue_indirect_dma source(%dma_start3A_57 : memref<10000x16xf32, #tpu.memory_space<hbm>>) target(%arg16 : memref<80x16xf32, #tpu.memory_space<vmem>>) offsets(%dma_start3A_54 : memref<80xi32, #tpu.memory_space<vmem>>) semaphore(%arg27 : memref<!tpu.dma_semaphore, #tpu.memory_space<semaphore_mem>>)
    %scan3A = arith.constant 0 : i32
    %scan3A_58 = arith.constant 0 : i32
    %scan3A_59 = arith.constant 125 : i32
    %scan3A_60 = arith.addi %scan3A_58, %scan3A_59 : i32
    %scan3A_61 = arith.constant 1 : i32
    scf.for %scan3A_133 = %scan3A_58 to %scan3A_60 step %scan3A_61  : i32 {
      %jit3A = arith.constant 10 : i32
      %eq3A = arith.constant 0 : i32
      %eq3A_134 = arith.cmpi eq, %jit3A, %eq3A : i32
      %jit3A_135 = arith.constant 1 : i32
      %select_n3A = arith.select %eq3A_134, %jit3A_135, %jit3A : i32
      %rem3A = arith.remsi %scan3A_133, %select_n3A : i32
      %ne3A = arith.constant 0 : i32
      %ne3A_136 = arith.cmpi ne, %rem3A, %ne3A : i32
      %lt3A = arith.constant 0 : i32
      %lt3A_137 = arith.cmpi slt, %rem3A, %lt3A : i32
      %lt3A_138 = arith.constant 0 : i32
      %lt3A_139 = arith.cmpi slt, %select_n3A, %lt3A_138 : i32
      %ne3A_140 = arith.xori %lt3A_137, %lt3A_139 : i1
      %and3A = arith.andi %ne3A_140, %ne3A_136 : i1
      %add3A_141 = arith.addi %rem3A, %select_n3A : i32
      %select_n3A_142 = arith.select %and3A, %add3A_141, %rem3A : i32
      %eq3A_143 = arith.constant 0 : i32
      %eq3A_144 = arith.cmpi eq, %select_n3A_142, %eq3A_143 : i32
      %convert_element_type3A = arith.extui %eq3A_144 : i1 to i32
      %cond3A = arith.constant 0 : i32
      %cond3A_145 = arith.cmpi ne, %convert_element_type3A, %cond3A : i32
      scf.if %cond3A_145 {
        %add3A_335 = arith.constant 8 : i32
        %add3A_336 = arith.addi %scan3A_133, %add3A_335 : i32
        %lt3A_337 = arith.constant 125 : i32
        %lt3A_338 = arith.cmpi slt, %add3A_336, %lt3A_337 : i32
        %convert_element_type3A_339 = arith.extui %lt3A_338 : i1 to i32
        %cond3A_340 = arith.constant 0 : i32
        %cond3A_341 = arith.cmpi ne, %convert_element_type3A_339, %cond3A_340 : i32
        scf.if %cond3A_341 {
          %add3A_354 = arith.constant 8 : i32
          %add3A_355 = arith.addi %scan3A_133, %add3A_354 : i32
          %ge3A = arith.constant 10 : i32
          %ge3A_356 = arith.cmpi sge, %add3A_355, %ge3A : i32
          %convert_element_type3A_357 = arith.extui %ge3A_356 : i1 to i32
          %cond3A_358 = arith.constant 0 : i32
          %cond3A_359 = arith.cmpi ne, %convert_element_type3A_357, %cond3A_358 : i32
          scf.if %cond3A_359 {
            %add3A_368 = arith.constant 8 : i32
            %add3A_369 = arith.addi %scan3A_133, %add3A_368 : i32
            %sub3A = arith.constant 10 : i32
            %sub3A_370 = arith.subi %add3A_369, %sub3A : i32
            %dma_wait3A_371 = arith.constant 0 : i32
            %dma_wait3A_372 = tpu.memref_slice %arg8[%sub3A_370, %dma_wait3A_371] : memref<125x80xi32, #tpu.memory_space<vmem>> -> memref<1x80xi32, #tpu.memory_space<vmem>>
            %dma_wait3A_373 = tpu.memref_squeeze %dma_wait3A_372 : memref<1x80xi32, #tpu.memory_space<vmem>> -> memref<80xi32, #tpu.memory_space<vmem>>
            %dma_wait3A_374 = arith.constant 0 : i32
            %dma_wait3A_375 = arith.constant 0 : i32
            %dma_wait3A_376 = tpu.memref_slice %arg19[%dma_wait3A_374, %dma_wait3A_375] : memref<10240x16xf32, #tpu.memory_space<vmem_shared>> -> memref<10240x16xf32, #tpu.memory_space<vmem_shared>>
            tpu.wait_indirect_dma semaphore(%arg38 : memref<!tpu.dma_semaphore, #tpu.memory_space<semaphore_mem>>) src(%arg17 : memref<80x16xf32, #tpu.memory_space<vmem>>) dst(%dma_wait3A_376 : memref<10240x16xf32, #tpu.memory_space<vmem_shared>>)
          } else {
          }
          %add3A_360 = arith.constant 8 : i32
          %add3A_361 = arith.addi %scan3A_133, %add3A_360 : i32
          %dma_start3A_362 = arith.constant 0 : i32
          %dma_start3A_363 = tpu.memref_slice %arg7[%add3A_361, %dma_start3A_362] : memref<125x80xi32, #tpu.memory_space<vmem>> -> memref<1x80xi32, #tpu.memory_space<vmem>>
          %dma_start3A_364 = tpu.memref_squeeze %dma_start3A_363 : memref<1x80xi32, #tpu.memory_space<vmem>> -> memref<80xi32, #tpu.memory_space<vmem>>
          %dma_start3A_365 = arith.constant 0 : i32
          %dma_start3A_366 = arith.constant 0 : i32
          %dma_start3A_367 = tpu.memref_slice %arg2[%dma_start3A_365, %dma_start3A_366] : memref<10000x16xf32, #tpu.memory_space<hbm>> -> memref<10000x16xf32, #tpu.memory_space<hbm>>
          tpu.enqueue_indirect_dma source(%dma_start3A_367 : memref<10000x16xf32, #tpu.memory_space<hbm>>) target(%arg17 : memref<80x16xf32, #tpu.memory_space<vmem>>) offsets(%dma_start3A_364 : memref<80xi32, #tpu.memory_space<vmem>>) semaphore(%arg28 : memref<!tpu.dma_semaphore, #tpu.memory_space<semaphore_mem>>)
        } else {
        }
        %dma_wait3A_342 = arith.constant 0 : i32
        %dma_wait3A_343 = tpu.memref_slice %arg7[%scan3A_133, %dma_wait3A_342] : memref<125x80xi32, #tpu.memory_space<vmem>> -> memref<1x80xi32, #tpu.memory_space<vmem>>
        %dma_wait3A_344 = tpu.memref_squeeze %dma_wait3A_343 : memref<1x80xi32, #tpu.memory_space<vmem>> -> memref<80xi32, #tpu.memory_space<vmem>>
        %dma_wait3A_345 = arith.constant 0 : i32
        %dma_wait3A_346 = arith.constant 0 : i32
        %dma_wait3A_347 = tpu.memref_slice %arg2[%dma_wait3A_345, %dma_wait3A_346] : memref<10000x16xf32, #tpu.memory_space<hbm>> -> memref<10000x16xf32, #tpu.memory_space<hbm>>
        tpu.wait_indirect_dma semaphore(%arg20 : memref<!tpu.dma_semaphore, #tpu.memory_space<semaphore_mem>>) src(%dma_wait3A_347 : memref<10000x16xf32, #tpu.memory_space<hbm>>) dst(%arg9 : memref<80x16xf32, #tpu.memory_space<vmem>>)
        %dma_start3A_348 = arith.constant 0 : i32
        %dma_start3A_349 = tpu.memref_slice %arg8[%scan3A_133, %dma_start3A_348] : memref<125x80xi32, #tpu.memory_space<vmem>> -> memref<1x80xi32, #tpu.memory_space<vmem>>
        %dma_start3A_350 = tpu.memref_squeeze %dma_start3A_349 : memref<1x80xi32, #tpu.memory_space<vmem>> -> memref<80xi32, #tpu.memory_space<vmem>>
        %dma_start3A_351 = arith.constant 0 : i32
        %dma_start3A_352 = arith.constant 0 : i32
        %dma_start3A_353 = tpu.memref_slice %arg19[%dma_start3A_351, %dma_start3A_352] : memref<10240x16xf32, #tpu.memory_space<vmem_shared>> -> memref<10240x16xf32, #tpu.memory_space<vmem_shared>>
        tpu.enqueue_indirect_dma source(%arg9 : memref<80x16xf32, #tpu.memory_space<vmem>>) target(%dma_start3A_353 : memref<10240x16xf32, #tpu.memory_space<vmem_shared>>) offsets(%dma_start3A_350 : memref<80xi32, #tpu.memory_space<vmem>>) semaphore(%arg30 : memref<!tpu.dma_semaphore, #tpu.memory_space<semaphore_mem>>) {add = true}
      } else {
      }
      %jit3A_146 = arith.constant 10 : i32
      %eq3A_147 = arith.constant 0 : i32
      %eq3A_148 = arith.cmpi eq, %jit3A_146, %eq3A_147 : i32
      %jit3A_149 = arith.constant 1 : i32
      %select_n3A_150 = arith.select %eq3A_148, %jit3A_149, %jit3A_146 : i32
      %rem3A_151 = arith.remsi %scan3A_133, %select_n3A_150 : i32
      %ne3A_152 = arith.constant 0 : i32
      %ne3A_153 = arith.cmpi ne, %rem3A_151, %ne3A_152 : i32
      %lt3A_154 = arith.constant 0 : i32
      %lt3A_155 = arith.cmpi slt, %rem3A_151, %lt3A_154 : i32
      %lt3A_156 = arith.constant 0 : i32
      %lt3A_157 = arith.cmpi slt, %select_n3A_150, %lt3A_156 : i32
      %ne3A_158 = arith.xori %lt3A_155, %lt3A_157 : i1
      %and3A_159 = arith.andi %ne3A_158, %ne3A_153 : i1
      %add3A_160 = arith.addi %rem3A_151, %select_n3A_150 : i32
      %select_n3A_161 = arith.select %and3A_159, %add3A_160, %rem3A_151 : i32
      %eq3A_162 = arith.constant 1 : i32
      %eq3A_163 = arith.cmpi eq, %select_n3A_161, %eq3A_162 : i32
      %convert_element_type3A_164 = arith.extui %eq3A_163 : i1 to i32
      %cond3A_165 = arith.constant 0 : i32
      %cond3A_166 = arith.cmpi ne, %convert_element_type3A_164, %cond3A_165 : i32
      scf.if %cond3A_166 {
        %add3A_335 = arith.constant 8 : i32
        %add3A_336 = arith.addi %scan3A_133, %add3A_335 : i32
        %lt3A_337 = arith.constant 125 : i32
        %lt3A_338 = arith.cmpi slt, %add3A_336, %lt3A_337 : i32
        %convert_element_type3A_339 = arith.extui %lt3A_338 : i1 to i32
        %cond3A_340 = arith.constant 0 : i32
        %cond3A_341 = arith.cmpi ne, %convert_element_type3A_339, %cond3A_340 : i32
        scf.if %cond3A_341 {
          %add3A_354 = arith.constant 8 : i32
          %add3A_355 = arith.addi %scan3A_133, %add3A_354 : i32
          %ge3A = arith.constant 10 : i32
          %ge3A_356 = arith.cmpi sge, %add3A_355, %ge3A : i32
          %convert_element_type3A_357 = arith.extui %ge3A_356 : i1 to i32
          %cond3A_358 = arith.constant 0 : i32
          %cond3A_359 = arith.cmpi ne, %convert_element_type3A_357, %cond3A_358 : i32
          scf.if %cond3A_359 {
            %add3A_368 = arith.constant 8 : i32
            %add3A_369 = arith.addi %scan3A_133, %add3A_368 : i32
            %sub3A = arith.constant 10 : i32
            %sub3A_370 = arith.subi %add3A_369, %sub3A : i32
            %dma_wait3A_371 = arith.constant 0 : i32
            %dma_wait3A_372 = tpu.memref_slice %arg8[%sub3A_370, %dma_wait3A_371] : memref<125x80xi32, #tpu.memory_space<vmem>> -> memref<1x80xi32, #tpu.memory_space<vmem>>
            %dma_wait3A_373 = tpu.memref_squeeze %dma_wait3A_372 : memref<1x80xi32, #tpu.memory_space<vmem>> -> memref<80xi32, #tpu.memory_space<vmem>>
            %dma_wait3A_374 = arith.constant 0 : i32
            %dma_wait3A_375 = arith.constant 0 : i32
            %dma_wait3A_376 = tpu.memref_slice %arg19[%dma_wait3A_374, %dma_wait3A_375] : memref<10240x16xf32, #tpu.memory_space<vmem_shared>> -> memref<10240x16xf32, #tpu.memory_space<vmem_shared>>
            tpu.wait_indirect_dma semaphore(%arg39 : memref<!tpu.dma_semaphore, #tpu.memory_space<semaphore_mem>>) src(%arg18 : memref<80x16xf32, #tpu.memory_space<vmem>>) dst(%dma_wait3A_376 : memref<10240x16xf32, #tpu.memory_space<vmem_shared>>)
          } else {
          }
          %add3A_360 = arith.constant 8 : i32
          %add3A_361 = arith.addi %scan3A_133, %add3A_360 : i32
          %dma_start3A_362 = arith.constant 0 : i32
          %dma_start3A_363 = tpu.memref_slice %arg7[%add3A_361, %dma_start3A_362] : memref<125x80xi32, #tpu.memory_space<vmem>> -> memref<1x80xi32, #tpu.memory_space<vmem>>
          %dma_start3A_364 = tpu.memref_squeeze %dma_start3A_363 : memref<1x80xi32, #tpu.memory_space<vmem>> -> memref<80xi32, #tpu.memory_space<vmem>>
          %dma_start3A_365 = arith.constant 0 : i32
          %dma_start3A_366 = arith.constant 0 : i32
          %dma_start3A_367 = tpu.memref_slice %arg2[%dma_start3A_365, %dma_start3A_366] : memref<10000x16xf32, #tpu.memory_space<hbm>> -> memref<10000x16xf32, #tpu.memory_space<hbm>>
          tpu.enqueue_indirect_dma source(%dma_start3A_367 : memref<10000x16xf32, #tpu.memory_space<hbm>>) target(%arg18 : memref<80x16xf32, #tpu.memory_space<vmem>>) offsets(%dma_start3A_364 : memref<80xi32, #tpu.memory_space<vmem>>) semaphore(%arg29 : memref<!tpu.dma_semaphore, #tpu.memory_space<semaphore_mem>>)
        } else {
        }
        %dma_wait3A_342 = arith.constant 0 : i32
        %dma_wait3A_343 = tpu.memref_slice %arg7[%scan3A_133, %dma_wait3A_342] : memref<125x80xi32, #tpu.memory_space<vmem>> -> memref<1x80xi32, #tpu.memory_space<vmem>>
        %dma_wait3A_344 = tpu.memref_squeeze %dma_wait3A_343 : memref<1x80xi32, #tpu.memory_space<vmem>> -> memref<80xi32, #tpu.memory_space<vmem>>
        %dma_wait3A_345 = arith.constant 0 : i32
        %dma_wait3A_346 = arith.constant 0 : i32
        %dma_wait3A_347 = tpu.memref_slice %arg2[%dma_wait3A_345, %dma_wait3A_346] : memref<10000x16xf32, #tpu.memory_space<hbm>> -> memref<10000x16xf32, #tpu.memory_space<hbm>>
        tpu.wait_indirect_dma semaphore(%arg21 : memref<!tpu.dma_semaphore, #tpu.memory_space<semaphore_mem>>) src(%dma_wait3A_347 : memref<10000x16xf32, #tpu.memory_space<hbm>>) dst(%arg10 : memref<80x16xf32, #tpu.memory_space<vmem>>)
        %dma_start3A_348 = arith.constant 0 : i32
        %dma_start3A_349 = tpu.memref_slice %arg8[%scan3A_133, %dma_start3A_348] : memref<125x80xi32, #tpu.memory_space<vmem>> -> memref<1x80xi32, #tpu.memory_space<vmem>>
        %dma_start3A_350 = tpu.memref_squeeze %dma_start3A_349 : memref<1x80xi32, #tpu.memory_space<vmem>> -> memref<80xi32, #tpu.memory_space<vmem>>
        %dma_start3A_351 = arith.constant 0 : i32
        %dma_start3A_352 = arith.constant 0 : i32
        %dma_start3A_353 = tpu.memref_slice %arg19[%dma_start3A_351, %dma_start3A_352] : memref<10240x16xf32, #tpu.memory_space<vmem_shared>> -> memref<10240x16xf32, #tpu.memory_space<vmem_shared>>
        tpu.enqueue_indirect_dma source(%arg10 : memref<80x16xf32, #tpu.memory_space<vmem>>) target(%dma_start3A_353 : memref<10240x16xf32, #tpu.memory_space<vmem_shared>>) offsets(%dma_start3A_350 : memref<80xi32, #tpu.memory_space<vmem>>) semaphore(%arg31 : memref<!tpu.dma_semaphore, #tpu.memory_space<semaphore_mem>>) {add = true}
      } else {
      }
      %jit3A_167 = arith.constant 10 : i32
      %eq3A_168 = arith.constant 0 : i32
      %eq3A_169 = arith.cmpi eq, %jit3A_167, %eq3A_168 : i32
      %jit3A_170 = arith.constant 1 : i32
      %select_n3A_171 = arith.select %eq3A_169, %jit3A_170, %jit3A_167 : i32
      %rem3A_172 = arith.remsi %scan3A_133, %select_n3A_171 : i32
      %ne3A_173 = arith.constant 0 : i32
      %ne3A_174 = arith.cmpi ne, %rem3A_172, %ne3A_173 : i32
      %lt3A_175 = arith.constant 0 : i32
      %lt3A_176 = arith.cmpi slt, %rem3A_172, %lt3A_175 : i32
      %lt3A_177 = arith.constant 0 : i32
      %lt3A_178 = arith.cmpi slt, %select_n3A_171, %lt3A_177 : i32
      %ne3A_179 = arith.xori %lt3A_176, %lt3A_178 : i1
      %and3A_180 = arith.andi %ne3A_179, %ne3A_174 : i1
      %add3A_181 = arith.addi %rem3A_172, %select_n3A_171 : i32
      %select_n3A_182 = arith.select %and3A_180, %add3A_181, %rem3A_172 : i32
      %eq3A_183 = arith.constant 2 : i32
      %eq3A_184 = arith.cmpi eq, %select_n3A_182, %eq3A_183 : i32
      %convert_element_type3A_185 = arith.extui %eq3A_184 : i1 to i32
      %cond3A_186 = arith.constant 0 : i32
      %cond3A_187 = arith.cmpi ne, %convert_element_type3A_185, %cond3A_186 : i32
      scf.if %cond3A_187 {
        %add3A_335 = arith.constant 8 : i32
        %add3A_336 = arith.addi %scan3A_133, %add3A_335 : i32
        %lt3A_337 = arith.constant 125 : i32
        %lt3A_338 = arith.cmpi slt, %add3A_336, %lt3A_337 : i32
        %convert_element_type3A_339 = arith.extui %lt3A_338 : i1 to i32
        %cond3A_340 = arith.constant 0 : i32
        %cond3A_341 = arith.cmpi ne, %convert_element_type3A_339, %cond3A_340 : i32
        scf.if %cond3A_341 {
          %add3A_354 = arith.constant 8 : i32
          %add3A_355 = arith.addi %scan3A_133, %add3A_354 : i32
          %ge3A = arith.constant 10 : i32
          %ge3A_356 = arith.cmpi sge, %add3A_355, %ge3A : i32
          %convert_element_type3A_357 = arith.extui %ge3A_356 : i1 to i32
          %cond3A_358 = arith.constant 0 : i32
          %cond3A_359 = arith.cmpi ne, %convert_element_type3A_357, %cond3A_358 : i32
          scf.if %cond3A_359 {
            %add3A_368 = arith.constant 8 : i32
            %add3A_369 = arith.addi %scan3A_133, %add3A_368 : i32
            %sub3A = arith.constant 10 : i32
            %sub3A_370 = arith.subi %add3A_369, %sub3A : i32
            %dma_wait3A_371 = arith.constant 0 : i32
            %dma_wait3A_372 = tpu.memref_slice %arg8[%sub3A_370, %dma_wait3A_371] : memref<125x80xi32, #tpu.memory_space<vmem>> -> memref<1x80xi32, #tpu.memory_space<vmem>>
            %dma_wait3A_373 = tpu.memref_squeeze %dma_wait3A_372 : memref<1x80xi32, #tpu.memory_space<vmem>> -> memref<80xi32, #tpu.memory_space<vmem>>
            %dma_wait3A_374 = arith.constant 0 : i32
            %dma_wait3A_375 = arith.constant 0 : i32
            %dma_wait3A_376 = tpu.memref_slice %arg19[%dma_wait3A_374, %dma_wait3A_375] : memref<10240x16xf32, #tpu.memory_space<vmem_shared>> -> memref<10240x16xf32, #tpu.memory_space<vmem_shared>>
            tpu.wait_indirect_dma semaphore(%arg30 : memref<!tpu.dma_semaphore, #tpu.memory_space<semaphore_mem>>) src(%arg9 : memref<80x16xf32, #tpu.memory_space<vmem>>) dst(%dma_wait3A_376 : memref<10240x16xf32, #tpu.memory_space<vmem_shared>>)
          } else {
          }
          %add3A_360 = arith.constant 8 : i32
          %add3A_361 = arith.addi %scan3A_133, %add3A_360 : i32
          %dma_start3A_362 = arith.constant 0 : i32
          %dma_start3A_363 = tpu.memref_slice %arg7[%add3A_361, %dma_start3A_362] : memref<125x80xi32, #tpu.memory_space<vmem>> -> memref<1x80xi32, #tpu.memory_space<vmem>>
          %dma_start3A_364 = tpu.memref_squeeze %dma_start3A_363 : memref<1x80xi32, #tpu.memory_space<vmem>> -> memref<80xi32, #tpu.memory_space<vmem>>
          %dma_start3A_365 = arith.constant 0 : i32
          %dma_start3A_366 = arith.constant 0 : i32
          %dma_start3A_367 = tpu.memref_slice %arg2[%dma_start3A_365, %dma_start3A_366] : memref<10000x16xf32, #tpu.memory_space<hbm>> -> memref<10000x16xf32, #tpu.memory_space<hbm>>
          tpu.enqueue_indirect_dma source(%dma_start3A_367 : memref<10000x16xf32, #tpu.memory_space<hbm>>) target(%arg9 : memref<80x16xf32, #tpu.memory_space<vmem>>) offsets(%dma_start3A_364 : memref<80xi32, #tpu.memory_space<vmem>>) semaphore(%arg20 : memref<!tpu.dma_semaphore, #tpu.memory_space<semaphore_mem>>)
        } else {
        }
        %dma_wait3A_342 = arith.constant 0 : i32
        %dma_wait3A_343 = tpu.memref_slice %arg7[%scan3A_133, %dma_wait3A_342] : memref<125x80xi32, #tpu.memory_space<vmem>> -> memref<1x80xi32, #tpu.memory_space<vmem>>
        %dma_wait3A_344 = tpu.memref_squeeze %dma_wait3A_343 : memref<1x80xi32, #tpu.memory_space<vmem>> -> memref<80xi32, #tpu.memory_space<vmem>>
        %dma_wait3A_345 = arith.constant 0 : i32
        %dma_wait3A_346 = arith.constant 0 : i32
        %dma_wait3A_347 = tpu.memref_slice %arg2[%dma_wait3A_345, %dma_wait3A_346] : memref<10000x16xf32, #tpu.memory_space<hbm>> -> memref<10000x16xf32, #tpu.memory_space<hbm>>
        tpu.wait_indirect_dma semaphore(%arg22 : memref<!tpu.dma_semaphore, #tpu.memory_space<semaphore_mem>>) src(%dma_wait3A_347 : memref<10000x16xf32, #tpu.memory_space<hbm>>) dst(%arg11 : memref<80x16xf32, #tpu.memory_space<vmem>>)
        %dma_start3A_348 = arith.constant 0 : i32
        %dma_start3A_349 = tpu.memref_slice %arg8[%scan3A_133, %dma_start3A_348] : memref<125x80xi32, #tpu.memory_space<vmem>> -> memref<1x80xi32, #tpu.memory_space<vmem>>
        %dma_start3A_350 = tpu.memref_squeeze %dma_start3A_349 : memref<1x80xi32, #tpu.memory_space<vmem>> -> memref<80xi32, #tpu.memory_space<vmem>>
        %dma_start3A_351 = arith.constant 0 : i32
        %dma_start3A_352 = arith.constant 0 : i32
        %dma_start3A_353 = tpu.memref_slice %arg19[%dma_start3A_351, %dma_start3A_352] : memref<10240x16xf32, #tpu.memory_space<vmem_shared>> -> memref<10240x16xf32, #tpu.memory_space<vmem_shared>>
        tpu.enqueue_indirect_dma source(%arg11 : memref<80x16xf32, #tpu.memory_space<vmem>>) target(%dma_start3A_353 : memref<10240x16xf32, #tpu.memory_space<vmem_shared>>) offsets(%dma_start3A_350 : memref<80xi32, #tpu.memory_space<vmem>>) semaphore(%arg32 : memref<!tpu.dma_semaphore, #tpu.memory_space<semaphore_mem>>) {add = true}
      } else {
      }
      %jit3A_188 = arith.constant 10 : i32
      %eq3A_189 = arith.constant 0 : i32
      %eq3A_190 = arith.cmpi eq, %jit3A_188, %eq3A_189 : i32
      %jit3A_191 = arith.constant 1 : i32
      %select_n3A_192 = arith.select %eq3A_190, %jit3A_191, %jit3A_188 : i32
      %rem3A_193 = arith.remsi %scan3A_133, %select_n3A_192 : i32
      %ne3A_194 = arith.constant 0 : i32
      %ne3A_195 = arith.cmpi ne, %rem3A_193, %ne3A_194 : i32
      %lt3A_196 = arith.constant 0 : i32
      %lt3A_197 = arith.cmpi slt, %rem3A_193, %lt3A_196 : i32
      %lt3A_198 = arith.constant 0 : i32
      %lt3A_199 = arith.cmpi slt, %select_n3A_192, %lt3A_198 : i32
      %ne3A_200 = arith.xori %lt3A_197, %lt3A_199 : i1
      %and3A_201 = arith.andi %ne3A_200, %ne3A_195 : i1
      %add3A_202 = arith.addi %rem3A_193, %select_n3A_192 : i32
      %select_n3A_203 = arith.select %and3A_201, %add3A_202, %rem3A_193 : i32
      %eq3A_204 = arith.constant 3 : i32
      %eq3A_205 = arith.cmpi eq, %select_n3A_203, %eq3A_204 : i32
      %convert_element_type3A_206 = arith.extui %eq3A_205 : i1 to i32
      %cond3A_207 = arith.constant 0 : i32
      %cond3A_208 = arith.cmpi ne, %convert_element_type3A_206, %cond3A_207 : i32
      scf.if %cond3A_208 {
        %add3A_335 = arith.constant 8 : i32
        %add3A_336 = arith.addi %scan3A_133, %add3A_335 : i32
        %lt3A_337 = arith.constant 125 : i32
        %lt3A_338 = arith.cmpi slt, %add3A_336, %lt3A_337 : i32
        %convert_element_type3A_339 = arith.extui %lt3A_338 : i1 to i32
        %cond3A_340 = arith.constant 0 : i32
        %cond3A_341 = arith.cmpi ne, %convert_element_type3A_339, %cond3A_340 : i32
        scf.if %cond3A_341 {
          %add3A_354 = arith.constant 8 : i32
          %add3A_355 = arith.addi %scan3A_133, %add3A_354 : i32
          %ge3A = arith.constant 10 : i32
          %ge3A_356 = arith.cmpi sge, %add3A_355, %ge3A : i32
          %convert_element_type3A_357 = arith.extui %ge3A_356 : i1 to i32
          %cond3A_358 = arith.constant 0 : i32
          %cond3A_359 = arith.cmpi ne, %convert_element_type3A_357, %cond3A_358 : i32
          scf.if %cond3A_359 {
            %add3A_368 = arith.constant 8 : i32
            %add3A_369 = arith.addi %scan3A_133, %add3A_368 : i32
            %sub3A = arith.constant 10 : i32
            %sub3A_370 = arith.subi %add3A_369, %sub3A : i32
            %dma_wait3A_371 = arith.constant 0 : i32
            %dma_wait3A_372 = tpu.memref_slice %arg8[%sub3A_370, %dma_wait3A_371] : memref<125x80xi32, #tpu.memory_space<vmem>> -> memref<1x80xi32, #tpu.memory_space<vmem>>
            %dma_wait3A_373 = tpu.memref_squeeze %dma_wait3A_372 : memref<1x80xi32, #tpu.memory_space<vmem>> -> memref<80xi32, #tpu.memory_space<vmem>>
            %dma_wait3A_374 = arith.constant 0 : i32
            %dma_wait3A_375 = arith.constant 0 : i32
            %dma_wait3A_376 = tpu.memref_slice %arg19[%dma_wait3A_374, %dma_wait3A_375] : memref<10240x16xf32, #tpu.memory_space<vmem_shared>> -> memref<10240x16xf32, #tpu.memory_space<vmem_shared>>
            tpu.wait_indirect_dma semaphore(%arg31 : memref<!tpu.dma_semaphore, #tpu.memory_space<semaphore_mem>>) src(%arg10 : memref<80x16xf32, #tpu.memory_space<vmem>>) dst(%dma_wait3A_376 : memref<10240x16xf32, #tpu.memory_space<vmem_shared>>)
          } else {
          }
          %add3A_360 = arith.constant 8 : i32
          %add3A_361 = arith.addi %scan3A_133, %add3A_360 : i32
          %dma_start3A_362 = arith.constant 0 : i32
          %dma_start3A_363 = tpu.memref_slice %arg7[%add3A_361, %dma_start3A_362] : memref<125x80xi32, #tpu.memory_space<vmem>> -> memref<1x80xi32, #tpu.memory_space<vmem>>
          %dma_start3A_364 = tpu.memref_squeeze %dma_start3A_363 : memref<1x80xi32, #tpu.memory_space<vmem>> -> memref<80xi32, #tpu.memory_space<vmem>>
          %dma_start3A_365 = arith.constant 0 : i32
          %dma_start3A_366 = arith.constant 0 : i32
          %dma_start3A_367 = tpu.memref_slice %arg2[%dma_start3A_365, %dma_start3A_366] : memref<10000x16xf32, #tpu.memory_space<hbm>> -> memref<10000x16xf32, #tpu.memory_space<hbm>>
          tpu.enqueue_indirect_dma source(%dma_start3A_367 : memref<10000x16xf32, #tpu.memory_space<hbm>>) target(%arg10 : memref<80x16xf32, #tpu.memory_space<vmem>>) offsets(%dma_start3A_364 : memref<80xi32, #tpu.memory_space<vmem>>) semaphore(%arg21 : memref<!tpu.dma_semaphore, #tpu.memory_space<semaphore_mem>>)
        } else {
        }
        %dma_wait3A_342 = arith.constant 0 : i32
        %dma_wait3A_343 = tpu.memref_slice %arg7[%scan3A_133, %dma_wait3A_342] : memref<125x80xi32, #tpu.memory_space<vmem>> -> memref<1x80xi32, #tpu.memory_space<vmem>>
        %dma_wait3A_344 = tpu.memref_squeeze %dma_wait3A_343 : memref<1x80xi32, #tpu.memory_space<vmem>> -> memref<80xi32, #tpu.memory_space<vmem>>
        %dma_wait3A_345 = arith.constant 0 : i32
        %dma_wait3A_346 = arith.constant 0 : i32
        %dma_wait3A_347 = tpu.memref_slice %arg2[%dma_wait3A_345, %dma_wait3A_346] : memref<10000x16xf32, #tpu.memory_space<hbm>> -> memref<10000x16xf32, #tpu.memory_space<hbm>>
        tpu.wait_indirect_dma semaphore(%arg23 : memref<!tpu.dma_semaphore, #tpu.memory_space<semaphore_mem>>) src(%dma_wait3A_347 : memref<10000x16xf32, #tpu.memory_space<hbm>>) dst(%arg12 : memref<80x16xf32, #tpu.memory_space<vmem>>)
        %dma_start3A_348 = arith.constant 0 : i32
        %dma_start3A_349 = tpu.memref_slice %arg8[%scan3A_133, %dma_start3A_348] : memref<125x80xi32, #tpu.memory_space<vmem>> -> memref<1x80xi32, #tpu.memory_space<vmem>>
        %dma_start3A_350 = tpu.memref_squeeze %dma_start3A_349 : memref<1x80xi32, #tpu.memory_space<vmem>> -> memref<80xi32, #tpu.memory_space<vmem>>
        %dma_start3A_351 = arith.constant 0 : i32
        %dma_start3A_352 = arith.constant 0 : i32
        %dma_start3A_353 = tpu.memref_slice %arg19[%dma_start3A_351, %dma_start3A_352] : memref<10240x16xf32, #tpu.memory_space<vmem_shared>> -> memref<10240x16xf32, #tpu.memory_space<vmem_shared>>
        tpu.enqueue_indirect_dma source(%arg12 : memref<80x16xf32, #tpu.memory_space<vmem>>) target(%dma_start3A_353 : memref<10240x16xf32, #tpu.memory_space<vmem_shared>>) offsets(%dma_start3A_350 : memref<80xi32, #tpu.memory_space<vmem>>) semaphore(%arg33 : memref<!tpu.dma_semaphore, #tpu.memory_space<semaphore_mem>>) {add = true}
      } else {
      }
      %jit3A_209 = arith.constant 10 : i32
      %eq3A_210 = arith.constant 0 : i32
      %eq3A_211 = arith.cmpi eq, %jit3A_209, %eq3A_210 : i32
      %jit3A_212 = arith.constant 1 : i32
      %select_n3A_213 = arith.select %eq3A_211, %jit3A_212, %jit3A_209 : i32
      %rem3A_214 = arith.remsi %scan3A_133, %select_n3A_213 : i32
      %ne3A_215 = arith.constant 0 : i32
      %ne3A_216 = arith.cmpi ne, %rem3A_214, %ne3A_215 : i32
      %lt3A_217 = arith.constant 0 : i32
      %lt3A_218 = arith.cmpi slt, %rem3A_214, %lt3A_217 : i32
      %lt3A_219 = arith.constant 0 : i32
      %lt3A_220 = arith.cmpi slt, %select_n3A_213, %lt3A_219 : i32
      %ne3A_221 = arith.xori %lt3A_218, %lt3A_220 : i1
      %and3A_222 = arith.andi %ne3A_221, %ne3A_216 : i1
      %add3A_223 = arith.addi %rem3A_214, %select_n3A_213 : i32
      %select_n3A_224 = arith.select %and3A_222, %add3A_223, %rem3A_214 : i32
      %eq3A_225 = arith.constant 4 : i32
      %eq3A_226 = arith.cmpi eq, %select_n3A_224, %eq3A_225 : i32
      %convert_element_type3A_227 = arith.extui %eq3A_226 : i1 to i32
      %cond3A_228 = arith.constant 0 : i32
      %cond3A_229 = arith.cmpi ne, %convert_element_type3A_227, %cond3A_228 : i32
      scf.if %cond3A_229 {
        %add3A_335 = arith.constant 8 : i32
        %add3A_336 = arith.addi %scan3A_133, %add3A_335 : i32
        %lt3A_337 = arith.constant 125 : i32
        %lt3A_338 = arith.cmpi slt, %add3A_336, %lt3A_337 : i32
        %convert_element_type3A_339 = arith.extui %lt3A_338 : i1 to i32
        %cond3A_340 = arith.constant 0 : i32
        %cond3A_341 = arith.cmpi ne, %convert_element_type3A_339, %cond3A_340 : i32
        scf.if %cond3A_341 {
          %add3A_354 = arith.constant 8 : i32
          %add3A_355 = arith.addi %scan3A_133, %add3A_354 : i32
          %ge3A = arith.constant 10 : i32
          %ge3A_356 = arith.cmpi sge, %add3A_355, %ge3A : i32
          %convert_element_type3A_357 = arith.extui %ge3A_356 : i1 to i32
          %cond3A_358 = arith.constant 0 : i32
          %cond3A_359 = arith.cmpi ne, %convert_element_type3A_357, %cond3A_358 : i32
          scf.if %cond3A_359 {
            %add3A_368 = arith.constant 8 : i32
            %add3A_369 = arith.addi %scan3A_133, %add3A_368 : i32
            %sub3A = arith.constant 10 : i32
            %sub3A_370 = arith.subi %add3A_369, %sub3A : i32
            %dma_wait3A_371 = arith.constant 0 : i32
            %dma_wait3A_372 = tpu.memref_slice %arg8[%sub3A_370, %dma_wait3A_371] : memref<125x80xi32, #tpu.memory_space<vmem>> -> memref<1x80xi32, #tpu.memory_space<vmem>>
            %dma_wait3A_373 = tpu.memref_squeeze %dma_wait3A_372 : memref<1x80xi32, #tpu.memory_space<vmem>> -> memref<80xi32, #tpu.memory_space<vmem>>
            %dma_wait3A_374 = arith.constant 0 : i32
            %dma_wait3A_375 = arith.constant 0 : i32
            %dma_wait3A_376 = tpu.memref_slice %arg19[%dma_wait3A_374, %dma_wait3A_375] : memref<10240x16xf32, #tpu.memory_space<vmem_shared>> -> memref<10240x16xf32, #tpu.memory_space<vmem_shared>>
            tpu.wait_indirect_dma semaphore(%arg32 : memref<!tpu.dma_semaphore, #tpu.memory_space<semaphore_mem>>) src(%arg11 : memref<80x16xf32, #tpu.memory_space<vmem>>) dst(%dma_wait3A_376 : memref<10240x16xf32, #tpu.memory_space<vmem_shared>>)
          } else {
          }
          %add3A_360 = arith.constant 8 : i32
          %add3A_361 = arith.addi %scan3A_133, %add3A_360 : i32
          %dma_start3A_362 = arith.constant 0 : i32
          %dma_start3A_363 = tpu.memref_slice %arg7[%add3A_361, %dma_start3A_362] : memref<125x80xi32, #tpu.memory_space<vmem>> -> memref<1x80xi32, #tpu.memory_space<vmem>>
          %dma_start3A_364 = tpu.memref_squeeze %dma_start3A_363 : memref<1x80xi32, #tpu.memory_space<vmem>> -> memref<80xi32, #tpu.memory_space<vmem>>
          %dma_start3A_365 = arith.constant 0 : i32
          %dma_start3A_366 = arith.constant 0 : i32
          %dma_start3A_367 = tpu.memref_slice %arg2[%dma_start3A_365, %dma_start3A_366] : memref<10000x16xf32, #tpu.memory_space<hbm>> -> memref<10000x16xf32, #tpu.memory_space<hbm>>
          tpu.enqueue_indirect_dma source(%dma_start3A_367 : memref<10000x16xf32, #tpu.memory_space<hbm>>) target(%arg11 : memref<80x16xf32, #tpu.memory_space<vmem>>) offsets(%dma_start3A_364 : memref<80xi32, #tpu.memory_space<vmem>>) semaphore(%arg22 : memref<!tpu.dma_semaphore, #tpu.memory_space<semaphore_mem>>)
        } else {
        }
        %dma_wait3A_342 = arith.constant 0 : i32
        %dma_wait3A_343 = tpu.memref_slice %arg7[%scan3A_133, %dma_wait3A_342] : memref<125x80xi32, #tpu.memory_space<vmem>> -> memref<1x80xi32, #tpu.memory_space<vmem>>
        %dma_wait3A_344 = tpu.memref_squeeze %dma_wait3A_343 : memref<1x80xi32, #tpu.memory_space<vmem>> -> memref<80xi32, #tpu.memory_space<vmem>>
        %dma_wait3A_345 = arith.constant 0 : i32
        %dma_wait3A_346 = arith.constant 0 : i32
        %dma_wait3A_347 = tpu.memref_slice %arg2[%dma_wait3A_345, %dma_wait3A_346] : memref<10000x16xf32, #tpu.memory_space<hbm>> -> memref<10000x16xf32, #tpu.memory_space<hbm>>
        tpu.wait_indirect_dma semaphore(%arg24 : memref<!tpu.dma_semaphore, #tpu.memory_space<semaphore_mem>>) src(%dma_wait3A_347 : memref<10000x16xf32, #tpu.memory_space<hbm>>) dst(%arg13 : memref<80x16xf32, #tpu.memory_space<vmem>>)
        %dma_start3A_348 = arith.constant 0 : i32
        %dma_start3A_349 = tpu.memref_slice %arg8[%scan3A_133, %dma_start3A_348] : memref<125x80xi32, #tpu.memory_space<vmem>> -> memref<1x80xi32, #tpu.memory_space<vmem>>
        %dma_start3A_350 = tpu.memref_squeeze %dma_start3A_349 : memref<1x80xi32, #tpu.memory_space<vmem>> -> memref<80xi32, #tpu.memory_space<vmem>>
        %dma_start3A_351 = arith.constant 0 : i32
        %dma_start3A_352 = arith.constant 0 : i32
        %dma_start3A_353 = tpu.memref_slice %arg19[%dma_start3A_351, %dma_start3A_352] : memref<10240x16xf32, #tpu.memory_space<vmem_shared>> -> memref<10240x16xf32, #tpu.memory_space<vmem_shared>>
        tpu.enqueue_indirect_dma source(%arg13 : memref<80x16xf32, #tpu.memory_space<vmem>>) target(%dma_start3A_353 : memref<10240x16xf32, #tpu.memory_space<vmem_shared>>) offsets(%dma_start3A_350 : memref<80xi32, #tpu.memory_space<vmem>>) semaphore(%arg34 : memref<!tpu.dma_semaphore, #tpu.memory_space<semaphore_mem>>) {add = true}
      } else {
      }
      %jit3A_230 = arith.constant 10 : i32
      %eq3A_231 = arith.constant 0 : i32
      %eq3A_232 = arith.cmpi eq, %jit3A_230, %eq3A_231 : i32
      %jit3A_233 = arith.constant 1 : i32
      %select_n3A_234 = arith.select %eq3A_232, %jit3A_233, %jit3A_230 : i32
      %rem3A_235 = arith.remsi %scan3A_133, %select_n3A_234 : i32
      %ne3A_236 = arith.constant 0 : i32
      %ne3A_237 = arith.cmpi ne, %rem3A_235, %ne3A_236 : i32
      %lt3A_238 = arith.constant 0 : i32
      %lt3A_239 = arith.cmpi slt, %rem3A_235, %lt3A_238 : i32
      %lt3A_240 = arith.constant 0 : i32
      %lt3A_241 = arith.cmpi slt, %select_n3A_234, %lt3A_240 : i32
      %ne3A_242 = arith.xori %lt3A_239, %lt3A_241 : i1
      %and3A_243 = arith.andi %ne3A_242, %ne3A_237 : i1
      %add3A_244 = arith.addi %rem3A_235, %select_n3A_234 : i32
      %select_n3A_245 = arith.select %and3A_243, %add3A_244, %rem3A_235 : i32
      %eq3A_246 = arith.constant 5 : i32
      %eq3A_247 = arith.cmpi eq, %select_n3A_245, %eq3A_246 : i32
      %convert_element_type3A_248 = arith.extui %eq3A_247 : i1 to i32
      %cond3A_249 = arith.constant 0 : i32
      %cond3A_250 = arith.cmpi ne, %convert_element_type3A_248, %cond3A_249 : i32
      scf.if %cond3A_250 {
        %add3A_335 = arith.constant 8 : i32
        %add3A_336 = arith.addi %scan3A_133, %add3A_335 : i32
        %lt3A_337 = arith.constant 125 : i32
        %lt3A_338 = arith.cmpi slt, %add3A_336, %lt3A_337 : i32
        %convert_element_type3A_339 = arith.extui %lt3A_338 : i1 to i32
        %cond3A_340 = arith.constant 0 : i32
        %cond3A_341 = arith.cmpi ne, %convert_element_type3A_339, %cond3A_340 : i32
        scf.if %cond3A_341 {
          %add3A_354 = arith.constant 8 : i32
          %add3A_355 = arith.addi %scan3A_133, %add3A_354 : i32
          %ge3A = arith.constant 10 : i32
          %ge3A_356 = arith.cmpi sge, %add3A_355, %ge3A : i32
          %convert_element_type3A_357 = arith.extui %ge3A_356 : i1 to i32
          %cond3A_358 = arith.constant 0 : i32
          %cond3A_359 = arith.cmpi ne, %convert_element_type3A_357, %cond3A_358 : i32
          scf.if %cond3A_359 {
            %add3A_368 = arith.constant 8 : i32
            %add3A_369 = arith.addi %scan3A_133, %add3A_368 : i32
            %sub3A = arith.constant 10 : i32
            %sub3A_370 = arith.subi %add3A_369, %sub3A : i32
            %dma_wait3A_371 = arith.constant 0 : i32
            %dma_wait3A_372 = tpu.memref_slice %arg8[%sub3A_370, %dma_wait3A_371] : memref<125x80xi32, #tpu.memory_space<vmem>> -> memref<1x80xi32, #tpu.memory_space<vmem>>
            %dma_wait3A_373 = tpu.memref_squeeze %dma_wait3A_372 : memref<1x80xi32, #tpu.memory_space<vmem>> -> memref<80xi32, #tpu.memory_space<vmem>>
            %dma_wait3A_374 = arith.constant 0 : i32
            %dma_wait3A_375 = arith.constant 0 : i32
            %dma_wait3A_376 = tpu.memref_slice %arg19[%dma_wait3A_374, %dma_wait3A_375] : memref<10240x16xf32, #tpu.memory_space<vmem_shared>> -> memref<10240x16xf32, #tpu.memory_space<vmem_shared>>
            tpu.wait_indirect_dma semaphore(%arg33 : memref<!tpu.dma_semaphore, #tpu.memory_space<semaphore_mem>>) src(%arg12 : memref<80x16xf32, #tpu.memory_space<vmem>>) dst(%dma_wait3A_376 : memref<10240x16xf32, #tpu.memory_space<vmem_shared>>)
          } else {
          }
          %add3A_360 = arith.constant 8 : i32
          %add3A_361 = arith.addi %scan3A_133, %add3A_360 : i32
          %dma_start3A_362 = arith.constant 0 : i32
          %dma_start3A_363 = tpu.memref_slice %arg7[%add3A_361, %dma_start3A_362] : memref<125x80xi32, #tpu.memory_space<vmem>> -> memref<1x80xi32, #tpu.memory_space<vmem>>
          %dma_start3A_364 = tpu.memref_squeeze %dma_start3A_363 : memref<1x80xi32, #tpu.memory_space<vmem>> -> memref<80xi32, #tpu.memory_space<vmem>>
          %dma_start3A_365 = arith.constant 0 : i32
          %dma_start3A_366 = arith.constant 0 : i32
          %dma_start3A_367 = tpu.memref_slice %arg2[%dma_start3A_365, %dma_start3A_366] : memref<10000x16xf32, #tpu.memory_space<hbm>> -> memref<10000x16xf32, #tpu.memory_space<hbm>>
          tpu.enqueue_indirect_dma source(%dma_start3A_367 : memref<10000x16xf32, #tpu.memory_space<hbm>>) target(%arg12 : memref<80x16xf32, #tpu.memory_space<vmem>>) offsets(%dma_start3A_364 : memref<80xi32, #tpu.memory_space<vmem>>) semaphore(%arg23 : memref<!tpu.dma_semaphore, #tpu.memory_space<semaphore_mem>>)
        } else {
        }
        %dma_wait3A_342 = arith.constant 0 : i32
        %dma_wait3A_343 = tpu.memref_slice %arg7[%scan3A_133, %dma_wait3A_342] : memref<125x80xi32, #tpu.memory_space<vmem>> -> memref<1x80xi32, #tpu.memory_space<vmem>>
        %dma_wait3A_344 = tpu.memref_squeeze %dma_wait3A_343 : memref<1x80xi32, #tpu.memory_space<vmem>> -> memref<80xi32, #tpu.memory_space<vmem>>
        %dma_wait3A_345 = arith.constant 0 : i32
        %dma_wait3A_346 = arith.constant 0 : i32
        %dma_wait3A_347 = tpu.memref_slice %arg2[%dma_wait3A_345, %dma_wait3A_346] : memref<10000x16xf32, #tpu.memory_space<hbm>> -> memref<10000x16xf32, #tpu.memory_space<hbm>>
        tpu.wait_indirect_dma semaphore(%arg25 : memref<!tpu.dma_semaphore, #tpu.memory_space<semaphore_mem>>) src(%dma_wait3A_347 : memref<10000x16xf32, #tpu.memory_space<hbm>>) dst(%arg14 : memref<80x16xf32, #tpu.memory_space<vmem>>)
        %dma_start3A_348 = arith.constant 0 : i32
        %dma_start3A_349 = tpu.memref_slice %arg8[%scan3A_133, %dma_start3A_348] : memref<125x80xi32, #tpu.memory_space<vmem>> -> memref<1x80xi32, #tpu.memory_space<vmem>>
        %dma_start3A_350 = tpu.memref_squeeze %dma_start3A_349 : memref<1x80xi32, #tpu.memory_space<vmem>> -> memref<80xi32, #tpu.memory_space<vmem>>
        %dma_start3A_351 = arith.constant 0 : i32
        %dma_start3A_352 = arith.constant 0 : i32
        %dma_start3A_353 = tpu.memref_slice %arg19[%dma_start3A_351, %dma_start3A_352] : memref<10240x16xf32, #tpu.memory_space<vmem_shared>> -> memref<10240x16xf32, #tpu.memory_space<vmem_shared>>
        tpu.enqueue_indirect_dma source(%arg14 : memref<80x16xf32, #tpu.memory_space<vmem>>) target(%dma_start3A_353 : memref<10240x16xf32, #tpu.memory_space<vmem_shared>>) offsets(%dma_start3A_350 : memref<80xi32, #tpu.memory_space<vmem>>) semaphore(%arg35 : memref<!tpu.dma_semaphore, #tpu.memory_space<semaphore_mem>>) {add = true}
      } else {
      }
      %jit3A_251 = arith.constant 10 : i32
      %eq3A_252 = arith.constant 0 : i32
      %eq3A_253 = arith.cmpi eq, %jit3A_251, %eq3A_252 : i32
      %jit3A_254 = arith.constant 1 : i32
      %select_n3A_255 = arith.select %eq3A_253, %jit3A_254, %jit3A_251 : i32
      %rem3A_256 = arith.remsi %scan3A_133, %select_n3A_255 : i32
      %ne3A_257 = arith.constant 0 : i32
      %ne3A_258 = arith.cmpi ne, %rem3A_256, %ne3A_257 : i32
      %lt3A_259 = arith.constant 0 : i32
      %lt3A_260 = arith.cmpi slt, %rem3A_256, %lt3A_259 : i32
      %lt3A_261 = arith.constant 0 : i32
      %lt3A_262 = arith.cmpi slt, %select_n3A_255, %lt3A_261 : i32
      %ne3A_263 = arith.xori %lt3A_260, %lt3A_262 : i1
      %and3A_264 = arith.andi %ne3A_263, %ne3A_258 : i1
      %add3A_265 = arith.addi %rem3A_256, %select_n3A_255 : i32
      %select_n3A_266 = arith.select %and3A_264, %add3A_265, %rem3A_256 : i32
      %eq3A_267 = arith.constant 6 : i32
      %eq3A_268 = arith.cmpi eq, %select_n3A_266, %eq3A_267 : i32
      %convert_element_type3A_269 = arith.extui %eq3A_268 : i1 to i32
      %cond3A_270 = arith.constant 0 : i32
      %cond3A_271 = arith.cmpi ne, %convert_element_type3A_269, %cond3A_270 : i32
      scf.if %cond3A_271 {
        %add3A_335 = arith.constant 8 : i32
        %add3A_336 = arith.addi %scan3A_133, %add3A_335 : i32
        %lt3A_337 = arith.constant 125 : i32
        %lt3A_338 = arith.cmpi slt, %add3A_336, %lt3A_337 : i32
        %convert_element_type3A_339 = arith.extui %lt3A_338 : i1 to i32
        %cond3A_340 = arith.constant 0 : i32
        %cond3A_341 = arith.cmpi ne, %convert_element_type3A_339, %cond3A_340 : i32
        scf.if %cond3A_341 {
          %add3A_354 = arith.constant 8 : i32
          %add3A_355 = arith.addi %scan3A_133, %add3A_354 : i32
          %ge3A = arith.constant 10 : i32
          %ge3A_356 = arith.cmpi sge, %add3A_355, %ge3A : i32
          %convert_element_type3A_357 = arith.extui %ge3A_356 : i1 to i32
          %cond3A_358 = arith.constant 0 : i32
          %cond3A_359 = arith.cmpi ne, %convert_element_type3A_357, %cond3A_358 : i32
          scf.if %cond3A_359 {
            %add3A_368 = arith.constant 8 : i32
            %add3A_369 = arith.addi %scan3A_133, %add3A_368 : i32
            %sub3A = arith.constant 10 : i32
            %sub3A_370 = arith.subi %add3A_369, %sub3A : i32
            %dma_wait3A_371 = arith.constant 0 : i32
            %dma_wait3A_372 = tpu.memref_slice %arg8[%sub3A_370, %dma_wait3A_371] : memref<125x80xi32, #tpu.memory_space<vmem>> -> memref<1x80xi32, #tpu.memory_space<vmem>>
            %dma_wait3A_373 = tpu.memref_squeeze %dma_wait3A_372 : memref<1x80xi32, #tpu.memory_space<vmem>> -> memref<80xi32, #tpu.memory_space<vmem>>
            %dma_wait3A_374 = arith.constant 0 : i32
            %dma_wait3A_375 = arith.constant 0 : i32
            %dma_wait3A_376 = tpu.memref_slice %arg19[%dma_wait3A_374, %dma_wait3A_375] : memref<10240x16xf32, #tpu.memory_space<vmem_shared>> -> memref<10240x16xf32, #tpu.memory_space<vmem_shared>>
            tpu.wait_indirect_dma semaphore(%arg34 : memref<!tpu.dma_semaphore, #tpu.memory_space<semaphore_mem>>) src(%arg13 : memref<80x16xf32, #tpu.memory_space<vmem>>) dst(%dma_wait3A_376 : memref<10240x16xf32, #tpu.memory_space<vmem_shared>>)
          } else {
          }
          %add3A_360 = arith.constant 8 : i32
          %add3A_361 = arith.addi %scan3A_133, %add3A_360 : i32
          %dma_start3A_362 = arith.constant 0 : i32
          %dma_start3A_363 = tpu.memref_slice %arg7[%add3A_361, %dma_start3A_362] : memref<125x80xi32, #tpu.memory_space<vmem>> -> memref<1x80xi32, #tpu.memory_space<vmem>>
          %dma_start3A_364 = tpu.memref_squeeze %dma_start3A_363 : memref<1x80xi32, #tpu.memory_space<vmem>> -> memref<80xi32, #tpu.memory_space<vmem>>
          %dma_start3A_365 = arith.constant 0 : i32
          %dma_start3A_366 = arith.constant 0 : i32
          %dma_start3A_367 = tpu.memref_slice %arg2[%dma_start3A_365, %dma_start3A_366] : memref<10000x16xf32, #tpu.memory_space<hbm>> -> memref<10000x16xf32, #tpu.memory_space<hbm>>
          tpu.enqueue_indirect_dma source(%dma_start3A_367 : memref<10000x16xf32, #tpu.memory_space<hbm>>) target(%arg13 : memref<80x16xf32, #tpu.memory_space<vmem>>) offsets(%dma_start3A_364 : memref<80xi32, #tpu.memory_space<vmem>>) semaphore(%arg24 : memref<!tpu.dma_semaphore, #tpu.memory_space<semaphore_mem>>)
        } else {
        }
        %dma_wait3A_342 = arith.constant 0 : i32
        %dma_wait3A_343 = tpu.memref_slice %arg7[%scan3A_133, %dma_wait3A_342] : memref<125x80xi32, #tpu.memory_space<vmem>> -> memref<1x80xi32, #tpu.memory_space<vmem>>
        %dma_wait3A_344 = tpu.memref_squeeze %dma_wait3A_343 : memref<1x80xi32, #tpu.memory_space<vmem>> -> memref<80xi32, #tpu.memory_space<vmem>>
        %dma_wait3A_345 = arith.constant 0 : i32
        %dma_wait3A_346 = arith.constant 0 : i32
        %dma_wait3A_347 = tpu.memref_slice %arg2[%dma_wait3A_345, %dma_wait3A_346] : memref<10000x16xf32, #tpu.memory_space<hbm>> -> memref<10000x16xf32, #tpu.memory_space<hbm>>
        tpu.wait_indirect_dma semaphore(%arg26 : memref<!tpu.dma_semaphore, #tpu.memory_space<semaphore_mem>>) src(%dma_wait3A_347 : memref<10000x16xf32, #tpu.memory_space<hbm>>) dst(%arg15 : memref<80x16xf32, #tpu.memory_space<vmem>>)
        %dma_start3A_348 = arith.constant 0 : i32
        %dma_start3A_349 = tpu.memref_slice %arg8[%scan3A_133, %dma_start3A_348] : memref<125x80xi32, #tpu.memory_space<vmem>> -> memref<1x80xi32, #tpu.memory_space<vmem>>
        %dma_start3A_350 = tpu.memref_squeeze %dma_start3A_349 : memref<1x80xi32, #tpu.memory_space<vmem>> -> memref<80xi32, #tpu.memory_space<vmem>>
        %dma_start3A_351 = arith.constant 0 : i32
        %dma_start3A_352 = arith.constant 0 : i32
        %dma_start3A_353 = tpu.memref_slice %arg19[%dma_start3A_351, %dma_start3A_352] : memref<10240x16xf32, #tpu.memory_space<vmem_shared>> -> memref<10240x16xf32, #tpu.memory_space<vmem_shared>>
        tpu.enqueue_indirect_dma source(%arg15 : memref<80x16xf32, #tpu.memory_space<vmem>>) target(%dma_start3A_353 : memref<10240x16xf32, #tpu.memory_space<vmem_shared>>) offsets(%dma_start3A_350 : memref<80xi32, #tpu.memory_space<vmem>>) semaphore(%arg36 : memref<!tpu.dma_semaphore, #tpu.memory_space<semaphore_mem>>) {add = true}
      } else {
      }
      %jit3A_272 = arith.constant 10 : i32
      %eq3A_273 = arith.constant 0 : i32
      %eq3A_274 = arith.cmpi eq, %jit3A_272, %eq3A_273 : i32
      %jit3A_275 = arith.constant 1 : i32
      %select_n3A_276 = arith.select %eq3A_274, %jit3A_275, %jit3A_272 : i32
      %rem3A_277 = arith.remsi %scan3A_133, %select_n3A_276 : i32
      %ne3A_278 = arith.constant 0 : i32
      %ne3A_279 = arith.cmpi ne, %rem3A_277, %ne3A_278 : i32
      %lt3A_280 = arith.constant 0 : i32
      %lt3A_281 = arith.cmpi slt, %rem3A_277, %lt3A_280 : i32
      %lt3A_282 = arith.constant 0 : i32
      %lt3A_283 = arith.cmpi slt, %select_n3A_276, %lt3A_282 : i32
      %ne3A_284 = arith.xori %lt3A_281, %lt3A_283 : i1
      %and3A_285 = arith.andi %ne3A_284, %ne3A_279 : i1
      %add3A_286 = arith.addi %rem3A_277, %select_n3A_276 : i32
      %select_n3A_287 = arith.select %and3A_285, %add3A_286, %rem3A_277 : i32
      %eq3A_288 = arith.constant 7 : i32
      %eq3A_289 = arith.cmpi eq, %select_n3A_287, %eq3A_288 : i32
      %convert_element_type3A_290 = arith.extui %eq3A_289 : i1 to i32
      %cond3A_291 = arith.constant 0 : i32
      %cond3A_292 = arith.cmpi ne, %convert_element_type3A_290, %cond3A_291 : i32
      scf.if %cond3A_292 {
        %add3A_335 = arith.constant 8 : i32
        %add3A_336 = arith.addi %scan3A_133, %add3A_335 : i32
        %lt3A_337 = arith.constant 125 : i32
        %lt3A_338 = arith.cmpi slt, %add3A_336, %lt3A_337 : i32
        %convert_element_type3A_339 = arith.extui %lt3A_338 : i1 to i32
        %cond3A_340 = arith.constant 0 : i32
        %cond3A_341 = arith.cmpi ne, %convert_element_type3A_339, %cond3A_340 : i32
        scf.if %cond3A_341 {
          %add3A_354 = arith.constant 8 : i32
          %add3A_355 = arith.addi %scan3A_133, %add3A_354 : i32
          %ge3A = arith.constant 10 : i32
          %ge3A_356 = arith.cmpi sge, %add3A_355, %ge3A : i32
          %convert_element_type3A_357 = arith.extui %ge3A_356 : i1 to i32
          %cond3A_358 = arith.constant 0 : i32
          %cond3A_359 = arith.cmpi ne, %convert_element_type3A_357, %cond3A_358 : i32
          scf.if %cond3A_359 {
            %add3A_368 = arith.constant 8 : i32
            %add3A_369 = arith.addi %scan3A_133, %add3A_368 : i32
            %sub3A = arith.constant 10 : i32
            %sub3A_370 = arith.subi %add3A_369, %sub3A : i32
            %dma_wait3A_371 = arith.constant 0 : i32
            %dma_wait3A_372 = tpu.memref_slice %arg8[%sub3A_370, %dma_wait3A_371] : memref<125x80xi32, #tpu.memory_space<vmem>> -> memref<1x80xi32, #tpu.memory_space<vmem>>
            %dma_wait3A_373 = tpu.memref_squeeze %dma_wait3A_372 : memref<1x80xi32, #tpu.memory_space<vmem>> -> memref<80xi32, #tpu.memory_space<vmem>>
            %dma_wait3A_374 = arith.constant 0 : i32
            %dma_wait3A_375 = arith.constant 0 : i32
            %dma_wait3A_376 = tpu.memref_slice %arg19[%dma_wait3A_374, %dma_wait3A_375] : memref<10240x16xf32, #tpu.memory_space<vmem_shared>> -> memref<10240x16xf32, #tpu.memory_space<vmem_shared>>
            tpu.wait_indirect_dma semaphore(%arg35 : memref<!tpu.dma_semaphore, #tpu.memory_space<semaphore_mem>>) src(%arg14 : memref<80x16xf32, #tpu.memory_space<vmem>>) dst(%dma_wait3A_376 : memref<10240x16xf32, #tpu.memory_space<vmem_shared>>)
          } else {
          }
          %add3A_360 = arith.constant 8 : i32
          %add3A_361 = arith.addi %scan3A_133, %add3A_360 : i32
          %dma_start3A_362 = arith.constant 0 : i32
          %dma_start3A_363 = tpu.memref_slice %arg7[%add3A_361, %dma_start3A_362] : memref<125x80xi32, #tpu.memory_space<vmem>> -> memref<1x80xi32, #tpu.memory_space<vmem>>
          %dma_start3A_364 = tpu.memref_squeeze %dma_start3A_363 : memref<1x80xi32, #tpu.memory_space<vmem>> -> memref<80xi32, #tpu.memory_space<vmem>>
          %dma_start3A_365 = arith.constant 0 : i32
          %dma_start3A_366 = arith.constant 0 : i32
          %dma_start3A_367 = tpu.memref_slice %arg2[%dma_start3A_365, %dma_start3A_366] : memref<10000x16xf32, #tpu.memory_space<hbm>> -> memref<10000x16xf32, #tpu.memory_space<hbm>>
          tpu.enqueue_indirect_dma source(%dma_start3A_367 : memref<10000x16xf32, #tpu.memory_space<hbm>>) target(%arg14 : memref<80x16xf32, #tpu.memory_space<vmem>>) offsets(%dma_start3A_364 : memref<80xi32, #tpu.memory_space<vmem>>) semaphore(%arg25 : memref<!tpu.dma_semaphore, #tpu.memory_space<semaphore_mem>>)
        } else {
        }
        %dma_wait3A_342 = arith.constant 0 : i32
        %dma_wait3A_343 = tpu.memref_slice %arg7[%scan3A_133, %dma_wait3A_342] : memref<125x80xi32, #tpu.memory_space<vmem>> -> memref<1x80xi32, #tpu.memory_space<vmem>>
        %dma_wait3A_344 = tpu.memref_squeeze %dma_wait3A_343 : memref<1x80xi32, #tpu.memory_space<vmem>> -> memref<80xi32, #tpu.memory_space<vmem>>
        %dma_wait3A_345 = arith.constant 0 : i32
        %dma_wait3A_346 = arith.constant 0 : i32
        %dma_wait3A_347 = tpu.memref_slice %arg2[%dma_wait3A_345, %dma_wait3A_346] : memref<10000x16xf32, #tpu.memory_space<hbm>> -> memref<10000x16xf32, #tpu.memory_space<hbm>>
        tpu.wait_indirect_dma semaphore(%arg27 : memref<!tpu.dma_semaphore, #tpu.memory_space<semaphore_mem>>) src(%dma_wait3A_347 : memref<10000x16xf32, #tpu.memory_space<hbm>>) dst(%arg16 : memref<80x16xf32, #tpu.memory_space<vmem>>)
        %dma_start3A_348 = arith.constant 0 : i32
        %dma_start3A_349 = tpu.memref_slice %arg8[%scan3A_133, %dma_start3A_348] : memref<125x80xi32, #tpu.memory_space<vmem>> -> memref<1x80xi32, #tpu.memory_space<vmem>>
        %dma_start3A_350 = tpu.memref_squeeze %dma_start3A_349 : memref<1x80xi32, #tpu.memory_space<vmem>> -> memref<80xi32, #tpu.memory_space<vmem>>
        %dma_start3A_351 = arith.constant 0 : i32
        %dma_start3A_352 = arith.constant 0 : i32
        %dma_start3A_353 = tpu.memref_slice %arg19[%dma_start3A_351, %dma_start3A_352] : memref<10240x16xf32, #tpu.memory_space<vmem_shared>> -> memref<10240x16xf32, #tpu.memory_space<vmem_shared>>
        tpu.enqueue_indirect_dma source(%arg16 : memref<80x16xf32, #tpu.memory_space<vmem>>) target(%dma_start3A_353 : memref<10240x16xf32, #tpu.memory_space<vmem_shared>>) offsets(%dma_start3A_350 : memref<80xi32, #tpu.memory_space<vmem>>) semaphore(%arg37 : memref<!tpu.dma_semaphore, #tpu.memory_space<semaphore_mem>>) {add = true}
      } else {
      }
      %jit3A_293 = arith.constant 10 : i32
      %eq3A_294 = arith.constant 0 : i32
      %eq3A_295 = arith.cmpi eq, %jit3A_293, %eq3A_294 : i32
      %jit3A_296 = arith.constant 1 : i32
      %select_n3A_297 = arith.select %eq3A_295, %jit3A_296, %jit3A_293 : i32
      %rem3A_298 = arith.remsi %scan3A_133, %select_n3A_297 : i32
      %ne3A_299 = arith.constant 0 : i32
      %ne3A_300 = arith.cmpi ne, %rem3A_298, %ne3A_299 : i32
      %lt3A_301 = arith.constant 0 : i32
      %lt3A_302 = arith.cmpi slt, %rem3A_298, %lt3A_301 : i32
      %lt3A_303 = arith.constant 0 : i32
      %lt3A_304 = arith.cmpi slt, %select_n3A_297, %lt3A_303 : i32
      %ne3A_305 = arith.xori %lt3A_302, %lt3A_304 : i1
      %and3A_306 = arith.andi %ne3A_305, %ne3A_300 : i1
      %add3A_307 = arith.addi %rem3A_298, %select_n3A_297 : i32
      %select_n3A_308 = arith.select %and3A_306, %add3A_307, %rem3A_298 : i32
      %eq3A_309 = arith.constant 8 : i32
      %eq3A_310 = arith.cmpi eq, %select_n3A_308, %eq3A_309 : i32
      %convert_element_type3A_311 = arith.extui %eq3A_310 : i1 to i32
      %cond3A_312 = arith.constant 0 : i32
      %cond3A_313 = arith.cmpi ne, %convert_element_type3A_311, %cond3A_312 : i32
      scf.if %cond3A_313 {
        %add3A_335 = arith.constant 8 : i32
        %add3A_336 = arith.addi %scan3A_133, %add3A_335 : i32
        %lt3A_337 = arith.constant 125 : i32
        %lt3A_338 = arith.cmpi slt, %add3A_336, %lt3A_337 : i32
        %convert_element_type3A_339 = arith.extui %lt3A_338 : i1 to i32
        %cond3A_340 = arith.constant 0 : i32
        %cond3A_341 = arith.cmpi ne, %convert_element_type3A_339, %cond3A_340 : i32
        scf.if %cond3A_341 {
          %add3A_354 = arith.constant 8 : i32
          %add3A_355 = arith.addi %scan3A_133, %add3A_354 : i32
          %ge3A = arith.constant 10 : i32
          %ge3A_356 = arith.cmpi sge, %add3A_355, %ge3A : i32
          %convert_element_type3A_357 = arith.extui %ge3A_356 : i1 to i32
          %cond3A_358 = arith.constant 0 : i32
          %cond3A_359 = arith.cmpi ne, %convert_element_type3A_357, %cond3A_358 : i32
          scf.if %cond3A_359 {
            %add3A_368 = arith.constant 8 : i32
            %add3A_369 = arith.addi %scan3A_133, %add3A_368 : i32
            %sub3A = arith.constant 10 : i32
            %sub3A_370 = arith.subi %add3A_369, %sub3A : i32
            %dma_wait3A_371 = arith.constant 0 : i32
            %dma_wait3A_372 = tpu.memref_slice %arg8[%sub3A_370, %dma_wait3A_371] : memref<125x80xi32, #tpu.memory_space<vmem>> -> memref<1x80xi32, #tpu.memory_space<vmem>>
            %dma_wait3A_373 = tpu.memref_squeeze %dma_wait3A_372 : memref<1x80xi32, #tpu.memory_space<vmem>> -> memref<80xi32, #tpu.memory_space<vmem>>
            %dma_wait3A_374 = arith.constant 0 : i32
            %dma_wait3A_375 = arith.constant 0 : i32
            %dma_wait3A_376 = tpu.memref_slice %arg19[%dma_wait3A_374, %dma_wait3A_375] : memref<10240x16xf32, #tpu.memory_space<vmem_shared>> -> memref<10240x16xf32, #tpu.memory_space<vmem_shared>>
            tpu.wait_indirect_dma semaphore(%arg36 : memref<!tpu.dma_semaphore, #tpu.memory_space<semaphore_mem>>) src(%arg15 : memref<80x16xf32, #tpu.memory_space<vmem>>) dst(%dma_wait3A_376 : memref<10240x16xf32, #tpu.memory_space<vmem_shared>>)
          } else {
          }
          %add3A_360 = arith.constant 8 : i32
          %add3A_361 = arith.addi %scan3A_133, %add3A_360 : i32
          %dma_start3A_362 = arith.constant 0 : i32
          %dma_start3A_363 = tpu.memref_slice %arg7[%add3A_361, %dma_start3A_362] : memref<125x80xi32, #tpu.memory_space<vmem>> -> memref<1x80xi32, #tpu.memory_space<vmem>>
          %dma_start3A_364 = tpu.memref_squeeze %dma_start3A_363 : memref<1x80xi32, #tpu.memory_space<vmem>> -> memref<80xi32, #tpu.memory_space<vmem>>
          %dma_start3A_365 = arith.constant 0 : i32
          %dma_start3A_366 = arith.constant 0 : i32
          %dma_start3A_367 = tpu.memref_slice %arg2[%dma_start3A_365, %dma_start3A_366] : memref<10000x16xf32, #tpu.memory_space<hbm>> -> memref<10000x16xf32, #tpu.memory_space<hbm>>
          tpu.enqueue_indirect_dma source(%dma_start3A_367 : memref<10000x16xf32, #tpu.memory_space<hbm>>) target(%arg15 : memref<80x16xf32, #tpu.memory_space<vmem>>) offsets(%dma_start3A_364 : memref<80xi32, #tpu.memory_space<vmem>>) semaphore(%arg26 : memref<!tpu.dma_semaphore, #tpu.memory_space<semaphore_mem>>)
        } else {
        }
        %dma_wait3A_342 = arith.constant 0 : i32
        %dma_wait3A_343 = tpu.memref_slice %arg7[%scan3A_133, %dma_wait3A_342] : memref<125x80xi32, #tpu.memory_space<vmem>> -> memref<1x80xi32, #tpu.memory_space<vmem>>
        %dma_wait3A_344 = tpu.memref_squeeze %dma_wait3A_343 : memref<1x80xi32, #tpu.memory_space<vmem>> -> memref<80xi32, #tpu.memory_space<vmem>>
        %dma_wait3A_345 = arith.constant 0 : i32
        %dma_wait3A_346 = arith.constant 0 : i32
        %dma_wait3A_347 = tpu.memref_slice %arg2[%dma_wait3A_345, %dma_wait3A_346] : memref<10000x16xf32, #tpu.memory_space<hbm>> -> memref<10000x16xf32, #tpu.memory_space<hbm>>
        tpu.wait_indirect_dma semaphore(%arg28 : memref<!tpu.dma_semaphore, #tpu.memory_space<semaphore_mem>>) src(%dma_wait3A_347 : memref<10000x16xf32, #tpu.memory_space<hbm>>) dst(%arg17 : memref<80x16xf32, #tpu.memory_space<vmem>>)
        %dma_start3A_348 = arith.constant 0 : i32
        %dma_start3A_349 = tpu.memref_slice %arg8[%scan3A_133, %dma_start3A_348] : memref<125x80xi32, #tpu.memory_space<vmem>> -> memref<1x80xi32, #tpu.memory_space<vmem>>
        %dma_start3A_350 = tpu.memref_squeeze %dma_start3A_349 : memref<1x80xi32, #tpu.memory_space<vmem>> -> memref<80xi32, #tpu.memory_space<vmem>>
        %dma_start3A_351 = arith.constant 0 : i32
        %dma_start3A_352 = arith.constant 0 : i32
        %dma_start3A_353 = tpu.memref_slice %arg19[%dma_start3A_351, %dma_start3A_352] : memref<10240x16xf32, #tpu.memory_space<vmem_shared>> -> memref<10240x16xf32, #tpu.memory_space<vmem_shared>>
        tpu.enqueue_indirect_dma source(%arg17 : memref<80x16xf32, #tpu.memory_space<vmem>>) target(%dma_start3A_353 : memref<10240x16xf32, #tpu.memory_space<vmem_shared>>) offsets(%dma_start3A_350 : memref<80xi32, #tpu.memory_space<vmem>>) semaphore(%arg38 : memref<!tpu.dma_semaphore, #tpu.memory_space<semaphore_mem>>) {add = true}
      } else {
      }
      %jit3A_314 = arith.constant 10 : i32
      %eq3A_315 = arith.constant 0 : i32
      %eq3A_316 = arith.cmpi eq, %jit3A_314, %eq3A_315 : i32
      %jit3A_317 = arith.constant 1 : i32
      %select_n3A_318 = arith.select %eq3A_316, %jit3A_317, %jit3A_314 : i32
      %rem3A_319 = arith.remsi %scan3A_133, %select_n3A_318 : i32
      %ne3A_320 = arith.constant 0 : i32
      %ne3A_321 = arith.cmpi ne, %rem3A_319, %ne3A_320 : i32
      %lt3A_322 = arith.constant 0 : i32
      %lt3A_323 = arith.cmpi slt, %rem3A_319, %lt3A_322 : i32
      %lt3A_324 = arith.constant 0 : i32
      %lt3A_325 = arith.cmpi slt, %select_n3A_318, %lt3A_324 : i32
      %ne3A_326 = arith.xori %lt3A_323, %lt3A_325 : i1
      %and3A_327 = arith.andi %ne3A_326, %ne3A_321 : i1
      %add3A_328 = arith.addi %rem3A_319, %select_n3A_318 : i32
      %select_n3A_329 = arith.select %and3A_327, %add3A_328, %rem3A_319 : i32
      %eq3A_330 = arith.constant 9 : i32
      %eq3A_331 = arith.cmpi eq, %select_n3A_329, %eq3A_330 : i32
      %convert_element_type3A_332 = arith.extui %eq3A_331 : i1 to i32
      %cond3A_333 = arith.constant 0 : i32
      %cond3A_334 = arith.cmpi ne, %convert_element_type3A_332, %cond3A_333 : i32
      scf.if %cond3A_334 {
        %add3A_335 = arith.constant 8 : i32
        %add3A_336 = arith.addi %scan3A_133, %add3A_335 : i32
        %lt3A_337 = arith.constant 125 : i32
        %lt3A_338 = arith.cmpi slt, %add3A_336, %lt3A_337 : i32
        %convert_element_type3A_339 = arith.extui %lt3A_338 : i1 to i32
        %cond3A_340 = arith.constant 0 : i32
        %cond3A_341 = arith.cmpi ne, %convert_element_type3A_339, %cond3A_340 : i32
        scf.if %cond3A_341 {
          %add3A_354 = arith.constant 8 : i32
          %add3A_355 = arith.addi %scan3A_133, %add3A_354 : i32
          %ge3A = arith.constant 10 : i32
          %ge3A_356 = arith.cmpi sge, %add3A_355, %ge3A : i32
          %convert_element_type3A_357 = arith.extui %ge3A_356 : i1 to i32
          %cond3A_358 = arith.constant 0 : i32
          %cond3A_359 = arith.cmpi ne, %convert_element_type3A_357, %cond3A_358 : i32
          scf.if %cond3A_359 {
            %add3A_368 = arith.constant 8 : i32
            %add3A_369 = arith.addi %scan3A_133, %add3A_368 : i32
            %sub3A = arith.constant 10 : i32
            %sub3A_370 = arith.subi %add3A_369, %sub3A : i32
            %dma_wait3A_371 = arith.constant 0 : i32
            %dma_wait3A_372 = tpu.memref_slice %arg8[%sub3A_370, %dma_wait3A_371] : memref<125x80xi32, #tpu.memory_space<vmem>> -> memref<1x80xi32, #tpu.memory_space<vmem>>
            %dma_wait3A_373 = tpu.memref_squeeze %dma_wait3A_372 : memref<1x80xi32, #tpu.memory_space<vmem>> -> memref<80xi32, #tpu.memory_space<vmem>>
            %dma_wait3A_374 = arith.constant 0 : i32
            %dma_wait3A_375 = arith.constant 0 : i32
            %dma_wait3A_376 = tpu.memref_slice %arg19[%dma_wait3A_374, %dma_wait3A_375] : memref<10240x16xf32, #tpu.memory_space<vmem_shared>> -> memref<10240x16xf32, #tpu.memory_space<vmem_shared>>
            tpu.wait_indirect_dma semaphore(%arg37 : memref<!tpu.dma_semaphore, #tpu.memory_space<semaphore_mem>>) src(%arg16 : memref<80x16xf32, #tpu.memory_space<vmem>>) dst(%dma_wait3A_376 : memref<10240x16xf32, #tpu.memory_space<vmem_shared>>)
          } else {
          }
          %add3A_360 = arith.constant 8 : i32
          %add3A_361 = arith.addi %scan3A_133, %add3A_360 : i32
          %dma_start3A_362 = arith.constant 0 : i32
          %dma_start3A_363 = tpu.memref_slice %arg7[%add3A_361, %dma_start3A_362] : memref<125x80xi32, #tpu.memory_space<vmem>> -> memref<1x80xi32, #tpu.memory_space<vmem>>
          %dma_start3A_364 = tpu.memref_squeeze %dma_start3A_363 : memref<1x80xi32, #tpu.memory_space<vmem>> -> memref<80xi32, #tpu.memory_space<vmem>>
          %dma_start3A_365 = arith.constant 0 : i32
          %dma_start3A_366 = arith.constant 0 : i32
          %dma_start3A_367 = tpu.memref_slice %arg2[%dma_start3A_365, %dma_start3A_366] : memref<10000x16xf32, #tpu.memory_space<hbm>> -> memref<10000x16xf32, #tpu.memory_space<hbm>>
          tpu.enqueue_indirect_dma source(%dma_start3A_367 : memref<10000x16xf32, #tpu.memory_space<hbm>>) target(%arg16 : memref<80x16xf32, #tpu.memory_space<vmem>>) offsets(%dma_start3A_364 : memref<80xi32, #tpu.memory_space<vmem>>) semaphore(%arg27 : memref<!tpu.dma_semaphore, #tpu.memory_space<semaphore_mem>>)
        } else {
        }
        %dma_wait3A_342 = arith.constant 0 : i32
        %dma_wait3A_343 = tpu.memref_slice %arg7[%scan3A_133, %dma_wait3A_342] : memref<125x80xi32, #tpu.memory_space<vmem>> -> memref<1x80xi32, #tpu.memory_space<vmem>>
        %dma_wait3A_344 = tpu.memref_squeeze %dma_wait3A_343 : memref<1x80xi32, #tpu.memory_space<vmem>> -> memref<80xi32, #tpu.memory_space<vmem>>
        %dma_wait3A_345 = arith.constant 0 : i32
        %dma_wait3A_346 = arith.constant 0 : i32
        %dma_wait3A_347 = tpu.memref_slice %arg2[%dma_wait3A_345, %dma_wait3A_346] : memref<10000x16xf32, #tpu.memory_space<hbm>> -> memref<10000x16xf32, #tpu.memory_space<hbm>>
        tpu.wait_indirect_dma semaphore(%arg29 : memref<!tpu.dma_semaphore, #tpu.memory_space<semaphore_mem>>) src(%dma_wait3A_347 : memref<10000x16xf32, #tpu.memory_space<hbm>>) dst(%arg18 : memref<80x16xf32, #tpu.memory_space<vmem>>)
        %dma_start3A_348 = arith.constant 0 : i32
        %dma_start3A_349 = tpu.memref_slice %arg8[%scan3A_133, %dma_start3A_348] : memref<125x80xi32, #tpu.memory_space<vmem>> -> memref<1x80xi32, #tpu.memory_space<vmem>>
        %dma_start3A_350 = tpu.memref_squeeze %dma_start3A_349 : memref<1x80xi32, #tpu.memory_space<vmem>> -> memref<80xi32, #tpu.memory_space<vmem>>
        %dma_start3A_351 = arith.constant 0 : i32
        %dma_start3A_352 = arith.constant 0 : i32
        %dma_start3A_353 = tpu.memref_slice %arg19[%dma_start3A_351, %dma_start3A_352] : memref<10240x16xf32, #tpu.memory_space<vmem_shared>> -> memref<10240x16xf32, #tpu.memory_space<vmem_shared>>
        tpu.enqueue_indirect_dma source(%arg18 : memref<80x16xf32, #tpu.memory_space<vmem>>) target(%dma_start3A_353 : memref<10240x16xf32, #tpu.memory_space<vmem_shared>>) offsets(%dma_start3A_350 : memref<80xi32, #tpu.memory_space<vmem>>) semaphore(%arg39 : memref<!tpu.dma_semaphore, #tpu.memory_space<semaphore_mem>>) {add = true}
      } else {
      }
    }
    %scan3A_62 = arith.constant 125 : i32
    %dma_wait3A = arith.constant 115 : i32
    %dma_wait3A_63 = arith.constant 0 : i32
    %dma_wait3A_64 = tpu.memref_slice %arg8[%dma_wait3A, %dma_wait3A_63] : memref<125x80xi32, #tpu.memory_space<vmem>> -> memref<1x80xi32, #tpu.memory_space<vmem>>
    %dma_wait3A_65 = tpu.memref_squeeze %dma_wait3A_64 : memref<1x80xi32, #tpu.memory_space<vmem>> -> memref<80xi32, #tpu.memory_space<vmem>>
    %dma_wait3A_66 = arith.constant 0 : i32
    %dma_wait3A_67 = arith.constant 0 : i32
    %dma_wait3A_68 = tpu.memref_slice %arg19[%dma_wait3A_66, %dma_wait3A_67] : memref<10240x16xf32, #tpu.memory_space<vmem_shared>> -> memref<10240x16xf32, #tpu.memory_space<vmem_shared>>
    tpu.wait_indirect_dma semaphore(%arg35 : memref<!tpu.dma_semaphore, #tpu.memory_space<semaphore_mem>>) src(%arg14 : memref<80x16xf32, #tpu.memory_space<vmem>>) dst(%dma_wait3A_68 : memref<10240x16xf32, #tpu.memory_space<vmem_shared>>)
    %dma_wait3A_69 = arith.constant 116 : i32
    %dma_wait3A_70 = arith.constant 0 : i32
    %dma_wait3A_71 = tpu.memref_slice %arg8[%dma_wait3A_69, %dma_wait3A_70] : memref<125x80xi32, #tpu.memory_space<vmem>> -> memref<1x80xi32, #tpu.memory_space<vmem>>
    %dma_wait3A_72 = tpu.memref_squeeze %dma_wait3A_71 : memref<1x80xi32, #tpu.memory_space<vmem>> -> memref<80xi32, #tpu.memory_space<vmem>>
    %dma_wait3A_73 = arith.constant 0 : i32
    %dma_wait3A_74 = arith.constant 0 : i32
    %dma_wait3A_75 = tpu.memref_slice %arg19[%dma_wait3A_73, %dma_wait3A_74] : memref<10240x16xf32, #tpu.memory_space<vmem_shared>> -> memref<10240x16xf32, #tpu.memory_space<vmem_shared>>
    tpu.wait_indirect_dma semaphore(%arg36 : memref<!tpu.dma_semaphore, #tpu.memory_space<semaphore_mem>>) src(%arg15 : memref<80x16xf32, #tpu.memory_space<vmem>>) dst(%dma_wait3A_75 : memref<10240x16xf32, #tpu.memory_space<vmem_shared>>)
    %dma_wait3A_76 = arith.constant 117 : i32
    %dma_wait3A_77 = arith.constant 0 : i32
    %dma_wait3A_78 = tpu.memref_slice %arg8[%dma_wait3A_76, %dma_wait3A_77] : memref<125x80xi32, #tpu.memory_space<vmem>> -> memref<1x80xi32, #tpu.memory_space<vmem>>
    %dma_wait3A_79 = tpu.memref_squeeze %dma_wait3A_78 : memref<1x80xi32, #tpu.memory_space<vmem>> -> memref<80xi32, #tpu.memory_space<vmem>>
    %dma_wait3A_80 = arith.constant 0 : i32
    %dma_wait3A_81 = arith.constant 0 : i32
    %dma_wait3A_82 = tpu.memref_slice %arg19[%dma_wait3A_80, %dma_wait3A_81] : memref<10240x16xf32, #tpu.memory_space<vmem_shared>> -> memref<10240x16xf32, #tpu.memory_space<vmem_shared>>
    tpu.wait_indirect_dma semaphore(%arg37 : memref<!tpu.dma_semaphore, #tpu.memory_space<semaphore_mem>>) src(%arg16 : memref<80x16xf32, #tpu.memory_space<vmem>>) dst(%dma_wait3A_82 : memref<10240x16xf32, #tpu.memory_space<vmem_shared>>)
    %dma_wait3A_83 = arith.constant 118 : i32
    %dma_wait3A_84 = arith.constant 0 : i32
    %dma_wait3A_85 = tpu.memref_slice %arg8[%dma_wait3A_83, %dma_wait3A_84] : memref<125x80xi32, #tpu.memory_space<vmem>> -> memref<1x80xi32, #tpu.memory_space<vmem>>
    %dma_wait3A_86 = tpu.memref_squeeze %dma_wait3A_85 : memref<1x80xi32, #tpu.memory_space<vmem>> -> memref<80xi32, #tpu.memory_space<vmem>>
    %dma_wait3A_87 = arith.constant 0 : i32
    %dma_wait3A_88 = arith.constant 0 : i32
    %dma_wait3A_89 = tpu.memref_slice %arg19[%dma_wait3A_87, %dma_wait3A_88] : memref<10240x16xf32, #tpu.memory_space<vmem_shared>> -> memref<10240x16xf32, #tpu.memory_space<vmem_shared>>
    tpu.wait_indirect_dma semaphore(%arg38 : memref<!tpu.dma_semaphore, #tpu.memory_space<semaphore_mem>>) src(%arg17 : memref<80x16xf32, #tpu.memory_space<vmem>>) dst(%dma_wait3A_89 : memref<10240x16xf32, #tpu.memory_space<vmem_shared>>)
    %dma_wait3A_90 = arith.constant 119 : i32
    %dma_wait3A_91 = arith.constant 0 : i32
    %dma_wait3A_92 = tpu.memref_slice %arg8[%dma_wait3A_90, %dma_wait3A_91] : memref<125x80xi32, #tpu.memory_space<vmem>> -> memref<1x80xi32, #tpu.memory_space<vmem>>
    %dma_wait3A_93 = tpu.memref_squeeze %dma_wait3A_92 : memref<1x80xi32, #tpu.memory_space<vmem>> -> memref<80xi32, #tpu.memory_space<vmem>>
    %dma_wait3A_94 = arith.constant 0 : i32
    %dma_wait3A_95 = arith.constant 0 : i32
    %dma_wait3A_96 = tpu.memref_slice %arg19[%dma_wait3A_94, %dma_wait3A_95] : memref<10240x16xf32, #tpu.memory_space<vmem_shared>> -> memref<10240x16xf32, #tpu.memory_space<vmem_shared>>
    tpu.wait_indirect_dma semaphore(%arg39 : memref<!tpu.dma_semaphore, #tpu.memory_space<semaphore_mem>>) src(%arg18 : memref<80x16xf32, #tpu.memory_space<vmem>>) dst(%dma_wait3A_96 : memref<10240x16xf32, #tpu.memory_space<vmem_shared>>)
    %dma_wait3A_97 = arith.constant 120 : i32
    %dma_wait3A_98 = arith.constant 0 : i32
    %dma_wait3A_99 = tpu.memref_slice %arg8[%dma_wait3A_97, %dma_wait3A_98] : memref<125x80xi32, #tpu.memory_space<vmem>> -> memref<1x80xi32, #tpu.memory_space<vmem>>
    %dma_wait3A_100 = tpu.memref_squeeze %dma_wait3A_99 : memref<1x80xi32, #tpu.memory_space<vmem>> -> memref<80xi32, #tpu.memory_space<vmem>>
    %dma_wait3A_101 = arith.constant 0 : i32
    %dma_wait3A_102 = arith.constant 0 : i32
    %dma_wait3A_103 = tpu.memref_slice %arg19[%dma_wait3A_101, %dma_wait3A_102] : memref<10240x16xf32, #tpu.memory_space<vmem_shared>> -> memref<10240x16xf32, #tpu.memory_space<vmem_shared>>
    tpu.wait_indirect_dma semaphore(%arg30 : memref<!tpu.dma_semaphore, #tpu.memory_space<semaphore_mem>>) src(%arg9 : memref<80x16xf32, #tpu.memory_space<vmem>>) dst(%dma_wait3A_103 : memref<10240x16xf32, #tpu.memory_space<vmem_shared>>)
    %dma_wait3A_104 = arith.constant 121 : i32
    %dma_wait3A_105 = arith.constant 0 : i32
    %dma_wait3A_106 = tpu.memref_slice %arg8[%dma_wait3A_104, %dma_wait3A_105] : memref<125x80xi32, #tpu.memory_space<vmem>> -> memref<1x80xi32, #tpu.memory_space<vmem>>
    %dma_wait3A_107 = tpu.memref_squeeze %dma_wait3A_106 : memref<1x80xi32, #tpu.memory_space<vmem>> -> memref<80xi32, #tpu.memory_space<vmem>>
    %dma_wait3A_108 = arith.constant 0 : i32
    %dma_wait3A_109 = arith.constant 0 : i32
    %dma_wait3A_110 = tpu.memref_slice %arg19[%dma_wait3A_108, %dma_wait3A_109] : memref<10240x16xf32, #tpu.memory_space<vmem_shared>> -> memref<10240x16xf32, #tpu.memory_space<vmem_shared>>
    tpu.wait_indirect_dma semaphore(%arg31 : memref<!tpu.dma_semaphore, #tpu.memory_space<semaphore_mem>>) src(%arg10 : memref<80x16xf32, #tpu.memory_space<vmem>>) dst(%dma_wait3A_110 : memref<10240x16xf32, #tpu.memory_space<vmem_shared>>)
    %dma_wait3A_111 = arith.constant 122 : i32
    %dma_wait3A_112 = arith.constant 0 : i32
    %dma_wait3A_113 = tpu.memref_slice %arg8[%dma_wait3A_111, %dma_wait3A_112] : memref<125x80xi32, #tpu.memory_space<vmem>> -> memref<1x80xi32, #tpu.memory_space<vmem>>
    %dma_wait3A_114 = tpu.memref_squeeze %dma_wait3A_113 : memref<1x80xi32, #tpu.memory_space<vmem>> -> memref<80xi32, #tpu.memory_space<vmem>>
    %dma_wait3A_115 = arith.constant 0 : i32
    %dma_wait3A_116 = arith.constant 0 : i32
    %dma_wait3A_117 = tpu.memref_slice %arg19[%dma_wait3A_115, %dma_wait3A_116] : memref<10240x16xf32, #tpu.memory_space<vmem_shared>> -> memref<10240x16xf32, #tpu.memory_space<vmem_shared>>
    tpu.wait_indirect_dma semaphore(%arg32 : memref<!tpu.dma_semaphore, #tpu.memory_space<semaphore_mem>>) src(%arg11 : memref<80x16xf32, #tpu.memory_space<vmem>>) dst(%dma_wait3A_117 : memref<10240x16xf32, #tpu.memory_space<vmem_shared>>)
    %dma_wait3A_118 = arith.constant 123 : i32
    %dma_wait3A_119 = arith.constant 0 : i32
    %dma_wait3A_120 = tpu.memref_slice %arg8[%dma_wait3A_118, %dma_wait3A_119] : memref<125x80xi32, #tpu.memory_space<vmem>> -> memref<1x80xi32, #tpu.memory_space<vmem>>
    %dma_wait3A_121 = tpu.memref_squeeze %dma_wait3A_120 : memref<1x80xi32, #tpu.memory_space<vmem>> -> memref<80xi32, #tpu.memory_space<vmem>>
    %dma_wait3A_122 = arith.constant 0 : i32
    %dma_wait3A_123 = arith.constant 0 : i32
    %dma_wait3A_124 = tpu.memref_slice %arg19[%dma_wait3A_122, %dma_wait3A_123] : memref<10240x16xf32, #tpu.memory_space<vmem_shared>> -> memref<10240x16xf32, #tpu.memory_space<vmem_shared>>
    tpu.wait_indirect_dma semaphore(%arg33 : memref<!tpu.dma_semaphore, #tpu.memory_space<semaphore_mem>>) src(%arg12 : memref<80x16xf32, #tpu.memory_space<vmem>>) dst(%dma_wait3A_124 : memref<10240x16xf32, #tpu.memory_space<vmem_shared>>)
    %dma_wait3A_125 = arith.constant 124 : i32
    %dma_wait3A_126 = arith.constant 0 : i32
    %dma_wait3A_127 = tpu.memref_slice %arg8[%dma_wait3A_125, %dma_wait3A_126] : memref<125x80xi32, #tpu.memory_space<vmem>> -> memref<1x80xi32, #tpu.memory_space<vmem>>
    %dma_wait3A_128 = tpu.memref_squeeze %dma_wait3A_127 : memref<1x80xi32, #tpu.memory_space<vmem>> -> memref<80xi32, #tpu.memory_space<vmem>>
    %dma_wait3A_129 = arith.constant 0 : i32
    %dma_wait3A_130 = arith.constant 0 : i32
    %dma_wait3A_131 = tpu.memref_slice %arg19[%dma_wait3A_129, %dma_wait3A_130] : memref<10240x16xf32, #tpu.memory_space<vmem_shared>> -> memref<10240x16xf32, #tpu.memory_space<vmem_shared>>
    tpu.wait_indirect_dma semaphore(%arg34 : memref<!tpu.dma_semaphore, #tpu.memory_space<semaphore_mem>>) src(%arg13 : memref<80x16xf32, #tpu.memory_space<vmem>>) dst(%dma_wait3A_131 : memref<10240x16xf32, #tpu.memory_space<vmem_shared>>)
    %barrier3A_132 = arith.constant 0 : index
    tpu.barrier barrier_id(%barrier3A_132)
    "tpu.region"() ({
      %run_scoped3A = tpu.sem_alloc : memref<!tpu.dma_semaphore, #tpu.memory_space<semaphore_mem>>
      %dma_start3A_133 = arith.constant 0 : i32
      %dma_start3A_134 = tpu.memref_slice %arg6[%arg0, %mul3A_2, %dma_start3A_133] : memref<2x10240x16xf32, #tpu.memory_space<hbm>> -> memref<1x640x16xf32, #tpu.memory_space<hbm>>
      %dma_start3A_135 = tpu.memref_squeeze %dma_start3A_134 : memref<1x640x16xf32, #tpu.memory_space<hbm>> -> memref<640x16xf32, #tpu.memory_space<hbm>>
      %dma_start3A_136 = arith.constant 0 : i32
      %dma_start3A_137 = tpu.memref_slice %arg19[%mul3A_2, %dma_start3A_136] : memref<10240x16xf32, #tpu.memory_space<vmem_shared>> -> memref<640x16xf32, #tpu.memory_space<vmem_shared>>
      tpu.enqueue_dma source(%dma_start3A_137 : memref<640x16xf32, #tpu.memory_space<vmem_shared>>) target(%dma_start3A_135 : memref<640x16xf32, #tpu.memory_space<hbm>>) target_semaphore(%run_scoped3A : memref<!tpu.dma_semaphore, #tpu.memory_space<semaphore_mem>>)
      %dma_wait3A_138 = arith.constant 0 : i32
      %dma_wait3A_139 = tpu.memref_slice %arg6[%arg0, %mul3A_2, %dma_wait3A_138] : memref<2x10240x16xf32, #tpu.memory_space<hbm>> -> memref<1x640x16xf32, #tpu.memory_space<hbm>>
      %dma_wait3A_140 = tpu.memref_squeeze %dma_wait3A_139 : memref<1x640x16xf32, #tpu.memory_space<hbm>> -> memref<640x16xf32, #tpu.memory_space<hbm>>
      %dma_wait3A_141 = arith.constant 0 : i32
      %dma_wait3A_142 = tpu.memref_slice %arg19[%mul3A_2, %dma_wait3A_141] : memref<10240x16xf32, #tpu.memory_space<vmem_shared>> -> memref<640x16xf32, #tpu.memory_space<vmem_shared>>
      tpu.wait_dma2 semaphore(%run_scoped3A : memref<!tpu.dma_semaphore, #tpu.memory_space<semaphore_mem>>) src(%dma_wait3A_142 : memref<640x16xf32, #tpu.memory_space<vmem_shared>>) dst(%dma_wait3A_140 : memref<640x16xf32, #tpu.memory_space<hbm>>)
      tpu.yield
    }) : () -> ()
    return
  }
}

#map = affine_map<(d0, d1) -> (0, 0, 0)>
#map1 = affine_map<(d0, d1) -> (0, 0)>
#map2 = affine_map<(d0, d1) -> (0, 0, 0, 0)>
module attributes {stable_mosaic.version = 14 : i64} {
  func.func @_hist_kernel(%arg0: i32, %arg1: i32, %arg2: memref<32x125x80xi32, #tpu.memory_space<hbm>>, %arg3: memref<32x125x80xi32, #tpu.memory_space<hbm>>, %arg4: memref<80x16xf32, #tpu.memory_space<hbm>>, %arg5: memref<640x16xf32, #tpu.memory_space<hbm>>, %arg6: memref<2x2x10240x16xf32, #tpu.memory_space<hbm>>, %arg7: memref<125x80xi32, #tpu.memory_space<vmem>>, %arg8: memref<125x80xi32, #tpu.memory_space<vmem>>, %arg9: memref<80x16xf32, #tpu.memory_space<vmem>>, %arg10: memref<10240x16xf32, #tpu.memory_space<vmem_shared>>, %arg11: memref<10240x16xf32, #tpu.memory_space<vmem_shared>>, %arg12: memref<!tpu.dma_semaphore, #tpu.memory_space<semaphore_mem>>) attributes {dimension_semantics = [#tpu.dimension_semantics<core_parallel>, #tpu.dimension_semantics<subcore_parallel>], iteration_bounds = array<i64: 2, 16>, scalar_prefetch = 0 : i64, scratch_operands = 6 : i64, tpu.core_type = #tpu.core_type<sc_vector_subcore>, window_params = [{transform_indices = #map}, {transform_indices = #map}, {transform_indices = #map1}, {transform_indices = #map1}, {transform_indices = #map2}]} {
    %mul3A = arith.constant 16 : i32
    %mul3A_0 = arith.muli %arg0, %mul3A : i32
    %add3A = arith.addi %mul3A_0, %arg1 : i32
    "tpu.region"() ({
      %run_scoped3A_16 = tpu.sem_alloc : memref<!tpu.dma_semaphore, #tpu.memory_space<semaphore_mem>>
      %dma_start3A = arith.constant 0 : i32
      %dma_start3A_17 = arith.constant 0 : i32
      %dma_start3A_18 = tpu.memref_slice %arg2[%add3A, %dma_start3A, %dma_start3A_17] : memref<32x125x80xi32, #tpu.memory_space<hbm>> -> memref<1x125x80xi32, #tpu.memory_space<hbm>>
      %dma_start3A_19 = tpu.memref_squeeze %dma_start3A_18 : memref<1x125x80xi32, #tpu.memory_space<hbm>> -> memref<125x80xi32, #tpu.memory_space<hbm>>
      %dma_start3A_20 = arith.constant 0 : i32
      %dma_start3A_21 = arith.constant 0 : i32
      %dma_start3A_22 = tpu.memref_slice %arg2[%add3A, %dma_start3A_20, %dma_start3A_21] : memref<32x125x80xi32, #tpu.memory_space<hbm>> -> memref<1x125x80xi32, #tpu.memory_space<hbm>>
      %dma_start3A_23 = tpu.memref_squeeze %dma_start3A_22 : memref<1x125x80xi32, #tpu.memory_space<hbm>> -> memref<125x80xi32, #tpu.memory_space<hbm>>
      tpu.enqueue_dma source(%dma_start3A_23 : memref<125x80xi32, #tpu.memory_space<hbm>>) target(%arg7 : memref<125x80xi32, #tpu.memory_space<vmem>>) target_semaphore(%run_scoped3A_16 : memref<!tpu.dma_semaphore, #tpu.memory_space<semaphore_mem>>)
      %dma_wait3A = arith.constant 0 : i32
      %dma_wait3A_24 = arith.constant 0 : i32
      %dma_wait3A_25 = tpu.memref_slice %arg2[%add3A, %dma_wait3A, %dma_wait3A_24] : memref<32x125x80xi32, #tpu.memory_space<hbm>> -> memref<1x125x80xi32, #tpu.memory_space<hbm>>
      %dma_wait3A_26 = tpu.memref_squeeze %dma_wait3A_25 : memref<1x125x80xi32, #tpu.memory_space<hbm>> -> memref<125x80xi32, #tpu.memory_space<hbm>>
      %dma_wait3A_27 = arith.constant 0 : i32
      %dma_wait3A_28 = arith.constant 0 : i32
      %dma_wait3A_29 = tpu.memref_slice %arg2[%add3A, %dma_wait3A_27, %dma_wait3A_28] : memref<32x125x80xi32, #tpu.memory_space<hbm>> -> memref<1x125x80xi32, #tpu.memory_space<hbm>>
      %dma_wait3A_30 = tpu.memref_squeeze %dma_wait3A_29 : memref<1x125x80xi32, #tpu.memory_space<hbm>> -> memref<125x80xi32, #tpu.memory_space<hbm>>
      tpu.wait_dma2 semaphore(%run_scoped3A_16 : memref<!tpu.dma_semaphore, #tpu.memory_space<semaphore_mem>>) src(%dma_wait3A_30 : memref<125x80xi32, #tpu.memory_space<hbm>>) dst(%arg7 : memref<125x80xi32, #tpu.memory_space<vmem>>)
      tpu.yield
    }) : () -> ()
    "tpu.region"() ({
      %run_scoped3A_16 = tpu.sem_alloc : memref<!tpu.dma_semaphore, #tpu.memory_space<semaphore_mem>>
      %dma_start3A = arith.constant 0 : i32
      %dma_start3A_17 = arith.constant 0 : i32
      %dma_start3A_18 = tpu.memref_slice %arg3[%add3A, %dma_start3A, %dma_start3A_17] : memref<32x125x80xi32, #tpu.memory_space<hbm>> -> memref<1x125x80xi32, #tpu.memory_space<hbm>>
      %dma_start3A_19 = tpu.memref_squeeze %dma_start3A_18 : memref<1x125x80xi32, #tpu.memory_space<hbm>> -> memref<125x80xi32, #tpu.memory_space<hbm>>
      %dma_start3A_20 = arith.constant 0 : i32
      %dma_start3A_21 = arith.constant 0 : i32
      %dma_start3A_22 = tpu.memref_slice %arg3[%add3A, %dma_start3A_20, %dma_start3A_21] : memref<32x125x80xi32, #tpu.memory_space<hbm>> -> memref<1x125x80xi32, #tpu.memory_space<hbm>>
      %dma_start3A_23 = tpu.memref_squeeze %dma_start3A_22 : memref<1x125x80xi32, #tpu.memory_space<hbm>> -> memref<125x80xi32, #tpu.memory_space<hbm>>
      tpu.enqueue_dma source(%dma_start3A_23 : memref<125x80xi32, #tpu.memory_space<hbm>>) target(%arg8 : memref<125x80xi32, #tpu.memory_space<vmem>>) target_semaphore(%run_scoped3A_16 : memref<!tpu.dma_semaphore, #tpu.memory_space<semaphore_mem>>)
      %dma_wait3A = arith.constant 0 : i32
      %dma_wait3A_24 = arith.constant 0 : i32
      %dma_wait3A_25 = tpu.memref_slice %arg3[%add3A, %dma_wait3A, %dma_wait3A_24] : memref<32x125x80xi32, #tpu.memory_space<hbm>> -> memref<1x125x80xi32, #tpu.memory_space<hbm>>
      %dma_wait3A_26 = tpu.memref_squeeze %dma_wait3A_25 : memref<1x125x80xi32, #tpu.memory_space<hbm>> -> memref<125x80xi32, #tpu.memory_space<hbm>>
      %dma_wait3A_27 = arith.constant 0 : i32
      %dma_wait3A_28 = arith.constant 0 : i32
      %dma_wait3A_29 = tpu.memref_slice %arg3[%add3A, %dma_wait3A_27, %dma_wait3A_28] : memref<32x125x80xi32, #tpu.memory_space<hbm>> -> memref<1x125x80xi32, #tpu.memory_space<hbm>>
      %dma_wait3A_30 = tpu.memref_squeeze %dma_wait3A_29 : memref<1x125x80xi32, #tpu.memory_space<hbm>> -> memref<125x80xi32, #tpu.memory_space<hbm>>
      tpu.wait_dma2 semaphore(%run_scoped3A_16 : memref<!tpu.dma_semaphore, #tpu.memory_space<semaphore_mem>>) src(%dma_wait3A_30 : memref<125x80xi32, #tpu.memory_space<hbm>>) dst(%arg8 : memref<125x80xi32, #tpu.memory_space<vmem>>)
      tpu.yield
    }) : () -> ()
    "tpu.region"() ({
      %run_scoped3A_16 = tpu.sem_alloc : memref<!tpu.dma_semaphore, #tpu.memory_space<semaphore_mem>>
      tpu.enqueue_dma source(%arg4 : memref<80x16xf32, #tpu.memory_space<hbm>>) target(%arg9 : memref<80x16xf32, #tpu.memory_space<vmem>>) target_semaphore(%run_scoped3A_16 : memref<!tpu.dma_semaphore, #tpu.memory_space<semaphore_mem>>)
      tpu.wait_dma2 semaphore(%run_scoped3A_16 : memref<!tpu.dma_semaphore, #tpu.memory_space<semaphore_mem>>) src(%arg4 : memref<80x16xf32, #tpu.memory_space<hbm>>) dst(%arg9 : memref<80x16xf32, #tpu.memory_space<vmem>>)
      tpu.yield
    }) : () -> ()
    %mul3A_1 = arith.constant 640 : i32
    %mul3A_2 = arith.muli %arg1, %mul3A_1 : i32
    "tpu.region"() ({
      %run_scoped3A_16 = tpu.sem_alloc : memref<!tpu.dma_semaphore, #tpu.memory_space<semaphore_mem>>
      %dma_start3A = arith.constant 0 : i32
      %dma_start3A_17 = tpu.memref_slice %arg10[%mul3A_2, %dma_start3A] : memref<10240x16xf32, #tpu.memory_space<vmem_shared>> -> memref<640x16xf32, #tpu.memory_space<vmem_shared>>
      tpu.enqueue_dma source(%arg5 : memref<640x16xf32, #tpu.memory_space<hbm>>) target(%dma_start3A_17 : memref<640x16xf32, #tpu.memory_space<vmem_shared>>) target_semaphore(%run_scoped3A_16 : memref<!tpu.dma_semaphore, #tpu.memory_space<semaphore_mem>>)
      %dma_wait3A = arith.constant 0 : i32
      %dma_wait3A_18 = tpu.memref_slice %arg10[%mul3A_2, %dma_wait3A] : memref<10240x16xf32, #tpu.memory_space<vmem_shared>> -> memref<640x16xf32, #tpu.memory_space<vmem_shared>>
      tpu.wait_dma2 semaphore(%run_scoped3A_16 : memref<!tpu.dma_semaphore, #tpu.memory_space<semaphore_mem>>) src(%arg5 : memref<640x16xf32, #tpu.memory_space<hbm>>) dst(%dma_wait3A_18 : memref<640x16xf32, #tpu.memory_space<vmem_shared>>)
      tpu.yield
    }) : () -> ()
    "tpu.region"() ({
      %run_scoped3A_16 = tpu.sem_alloc : memref<!tpu.dma_semaphore, #tpu.memory_space<semaphore_mem>>
      %dma_start3A = arith.constant 0 : i32
      %dma_start3A_17 = tpu.memref_slice %arg11[%mul3A_2, %dma_start3A] : memref<10240x16xf32, #tpu.memory_space<vmem_shared>> -> memref<640x16xf32, #tpu.memory_space<vmem_shared>>
      tpu.enqueue_dma source(%arg5 : memref<640x16xf32, #tpu.memory_space<hbm>>) target(%dma_start3A_17 : memref<640x16xf32, #tpu.memory_space<vmem_shared>>) target_semaphore(%run_scoped3A_16 : memref<!tpu.dma_semaphore, #tpu.memory_space<semaphore_mem>>)
      %dma_wait3A = arith.constant 0 : i32
      %dma_wait3A_18 = tpu.memref_slice %arg11[%mul3A_2, %dma_wait3A] : memref<10240x16xf32, #tpu.memory_space<vmem_shared>> -> memref<640x16xf32, #tpu.memory_space<vmem_shared>>
      tpu.wait_dma2 semaphore(%run_scoped3A_16 : memref<!tpu.dma_semaphore, #tpu.memory_space<semaphore_mem>>) src(%arg5 : memref<640x16xf32, #tpu.memory_space<hbm>>) dst(%dma_wait3A_18 : memref<640x16xf32, #tpu.memory_space<vmem_shared>>)
      tpu.yield
    }) : () -> ()
    %barrier3A = arith.constant 0 : index
    tpu.barrier barrier_id(%barrier3A)
    %scan3A = arith.constant 0 : i32
    %scan3A_3 = arith.constant 0 : i32
    %scan3A_4 = arith.constant 125 : i32
    %scan3A_5 = arith.addi %scan3A_3, %scan3A_4 : i32
    %scan3A_6 = arith.constant 1 : i32
    scf.for %scan3A_16 = %scan3A_3 to %scan3A_5 step %scan3A_6  : i32 {
      %dma_start3A = arith.constant 0 : i32
      %dma_start3A_17 = tpu.memref_slice %arg7[%scan3A_16, %dma_start3A] : memref<125x80xi32, #tpu.memory_space<vmem>> -> memref<1x80xi32, #tpu.memory_space<vmem>>
      %dma_start3A_18 = tpu.memref_squeeze %dma_start3A_17 : memref<1x80xi32, #tpu.memory_space<vmem>> -> memref<80xi32, #tpu.memory_space<vmem>>
      %dma_start3A_19 = arith.constant 0 : i32
      %dma_start3A_20 = arith.constant 0 : i32
      %dma_start3A_21 = tpu.memref_slice %arg10[%dma_start3A_19, %dma_start3A_20] : memref<10240x16xf32, #tpu.memory_space<vmem_shared>> -> memref<10240x16xf32, #tpu.memory_space<vmem_shared>>
      tpu.enqueue_indirect_dma source(%arg9 : memref<80x16xf32, #tpu.memory_space<vmem>>) target(%dma_start3A_21 : memref<10240x16xf32, #tpu.memory_space<vmem_shared>>) offsets(%dma_start3A_18 : memref<80xi32, #tpu.memory_space<vmem>>) semaphore(%arg12 : memref<!tpu.dma_semaphore, #tpu.memory_space<semaphore_mem>>) {add = true}
      %dma_start3A_22 = arith.constant 0 : i32
      %dma_start3A_23 = tpu.memref_slice %arg8[%scan3A_16, %dma_start3A_22] : memref<125x80xi32, #tpu.memory_space<vmem>> -> memref<1x80xi32, #tpu.memory_space<vmem>>
      %dma_start3A_24 = tpu.memref_squeeze %dma_start3A_23 : memref<1x80xi32, #tpu.memory_space<vmem>> -> memref<80xi32, #tpu.memory_space<vmem>>
      %dma_start3A_25 = arith.constant 0 : i32
      %dma_start3A_26 = arith.constant 0 : i32
      %dma_start3A_27 = tpu.memref_slice %arg11[%dma_start3A_25, %dma_start3A_26] : memref<10240x16xf32, #tpu.memory_space<vmem_shared>> -> memref<10240x16xf32, #tpu.memory_space<vmem_shared>>
      tpu.enqueue_indirect_dma source(%arg9 : memref<80x16xf32, #tpu.memory_space<vmem>>) target(%dma_start3A_27 : memref<10240x16xf32, #tpu.memory_space<vmem_shared>>) offsets(%dma_start3A_24 : memref<80xi32, #tpu.memory_space<vmem>>) semaphore(%arg12 : memref<!tpu.dma_semaphore, #tpu.memory_space<semaphore_mem>>) {add = true}
    }
    %scan3A_7 = arith.constant 125 : i32
    %scan3A_8 = arith.constant 0 : i32
    %scan3A_9 = arith.constant 0 : i32
    %scan3A_10 = arith.constant 125 : i32
    %scan3A_11 = arith.addi %scan3A_9, %scan3A_10 : i32
    %scan3A_12 = arith.constant 1 : i32
    scf.for %scan3A_16 = %scan3A_9 to %scan3A_11 step %scan3A_12  : i32 {
      %dma_wait3A = arith.constant 0 : i32
      %dma_wait3A_17 = tpu.memref_slice %arg7[%scan3A_16, %dma_wait3A] : memref<125x80xi32, #tpu.memory_space<vmem>> -> memref<1x80xi32, #tpu.memory_space<vmem>>
      %dma_wait3A_18 = tpu.memref_squeeze %dma_wait3A_17 : memref<1x80xi32, #tpu.memory_space<vmem>> -> memref<80xi32, #tpu.memory_space<vmem>>
      %dma_wait3A_19 = arith.constant 0 : i32
      %dma_wait3A_20 = arith.constant 0 : i32
      %dma_wait3A_21 = tpu.memref_slice %arg10[%dma_wait3A_19, %dma_wait3A_20] : memref<10240x16xf32, #tpu.memory_space<vmem_shared>> -> memref<10240x16xf32, #tpu.memory_space<vmem_shared>>
      tpu.wait_indirect_dma semaphore(%arg12 : memref<!tpu.dma_semaphore, #tpu.memory_space<semaphore_mem>>) src(%arg9 : memref<80x16xf32, #tpu.memory_space<vmem>>) dst(%dma_wait3A_21 : memref<10240x16xf32, #tpu.memory_space<vmem_shared>>)
      %dma_wait3A_22 = arith.constant 0 : i32
      %dma_wait3A_23 = tpu.memref_slice %arg8[%scan3A_16, %dma_wait3A_22] : memref<125x80xi32, #tpu.memory_space<vmem>> -> memref<1x80xi32, #tpu.memory_space<vmem>>
      %dma_wait3A_24 = tpu.memref_squeeze %dma_wait3A_23 : memref<1x80xi32, #tpu.memory_space<vmem>> -> memref<80xi32, #tpu.memory_space<vmem>>
      %dma_wait3A_25 = arith.constant 0 : i32
      %dma_wait3A_26 = arith.constant 0 : i32
      %dma_wait3A_27 = tpu.memref_slice %arg11[%dma_wait3A_25, %dma_wait3A_26] : memref<10240x16xf32, #tpu.memory_space<vmem_shared>> -> memref<10240x16xf32, #tpu.memory_space<vmem_shared>>
      tpu.wait_indirect_dma semaphore(%arg12 : memref<!tpu.dma_semaphore, #tpu.memory_space<semaphore_mem>>) src(%arg9 : memref<80x16xf32, #tpu.memory_space<vmem>>) dst(%dma_wait3A_27 : memref<10240x16xf32, #tpu.memory_space<vmem_shared>>)
    }
    %scan3A_13 = arith.constant 125 : i32
    %barrier3A_14 = arith.constant 0 : index
    tpu.barrier barrier_id(%barrier3A_14)
    %run_scoped3A = arith.constant 0 : i32
    "tpu.region"() ({
      %run_scoped3A_16 = tpu.sem_alloc : memref<!tpu.dma_semaphore, #tpu.memory_space<semaphore_mem>>
      %dma_start3A = arith.constant 0 : i32
      %dma_start3A_17 = tpu.memref_slice %arg6[%arg0, %run_scoped3A, %mul3A_2, %dma_start3A] : memref<2x2x10240x16xf32, #tpu.memory_space<hbm>> -> memref<1x1x640x16xf32, #tpu.memory_space<hbm>>
      %dma_start3A_18 = tpu.memref_squeeze %dma_start3A_17 : memref<1x1x640x16xf32, #tpu.memory_space<hbm>> -> memref<640x16xf32, #tpu.memory_space<hbm>>
      %dma_start3A_19 = arith.constant 0 : i32
      %dma_start3A_20 = tpu.memref_slice %arg10[%mul3A_2, %dma_start3A_19] : memref<10240x16xf32, #tpu.memory_space<vmem_shared>> -> memref<640x16xf32, #tpu.memory_space<vmem_shared>>
      tpu.enqueue_dma source(%dma_start3A_20 : memref<640x16xf32, #tpu.memory_space<vmem_shared>>) target(%dma_start3A_18 : memref<640x16xf32, #tpu.memory_space<hbm>>) target_semaphore(%run_scoped3A_16 : memref<!tpu.dma_semaphore, #tpu.memory_space<semaphore_mem>>)
      %dma_wait3A = arith.constant 0 : i32
      %dma_wait3A_21 = tpu.memref_slice %arg6[%arg0, %run_scoped3A, %mul3A_2, %dma_wait3A] : memref<2x2x10240x16xf32, #tpu.memory_space<hbm>> -> memref<1x1x640x16xf32, #tpu.memory_space<hbm>>
      %dma_wait3A_22 = tpu.memref_squeeze %dma_wait3A_21 : memref<1x1x640x16xf32, #tpu.memory_space<hbm>> -> memref<640x16xf32, #tpu.memory_space<hbm>>
      %dma_wait3A_23 = arith.constant 0 : i32
      %dma_wait3A_24 = tpu.memref_slice %arg10[%mul3A_2, %dma_wait3A_23] : memref<10240x16xf32, #tpu.memory_space<vmem_shared>> -> memref<640x16xf32, #tpu.memory_space<vmem_shared>>
      tpu.wait_dma2 semaphore(%run_scoped3A_16 : memref<!tpu.dma_semaphore, #tpu.memory_space<semaphore_mem>>) src(%dma_wait3A_24 : memref<640x16xf32, #tpu.memory_space<vmem_shared>>) dst(%dma_wait3A_22 : memref<640x16xf32, #tpu.memory_space<hbm>>)
      tpu.yield
    }) : () -> ()
    %run_scoped3A_15 = arith.constant 1 : i32
    "tpu.region"() ({
      %run_scoped3A_16 = tpu.sem_alloc : memref<!tpu.dma_semaphore, #tpu.memory_space<semaphore_mem>>
      %dma_start3A = arith.constant 0 : i32
      %dma_start3A_17 = tpu.memref_slice %arg6[%arg0, %run_scoped3A_15, %mul3A_2, %dma_start3A] : memref<2x2x10240x16xf32, #tpu.memory_space<hbm>> -> memref<1x1x640x16xf32, #tpu.memory_space<hbm>>
      %dma_start3A_18 = tpu.memref_squeeze %dma_start3A_17 : memref<1x1x640x16xf32, #tpu.memory_space<hbm>> -> memref<640x16xf32, #tpu.memory_space<hbm>>
      %dma_start3A_19 = arith.constant 0 : i32
      %dma_start3A_20 = tpu.memref_slice %arg11[%mul3A_2, %dma_start3A_19] : memref<10240x16xf32, #tpu.memory_space<vmem_shared>> -> memref<640x16xf32, #tpu.memory_space<vmem_shared>>
      tpu.enqueue_dma source(%dma_start3A_20 : memref<640x16xf32, #tpu.memory_space<vmem_shared>>) target(%dma_start3A_18 : memref<640x16xf32, #tpu.memory_space<hbm>>) target_semaphore(%run_scoped3A_16 : memref<!tpu.dma_semaphore, #tpu.memory_space<semaphore_mem>>)
      %dma_wait3A = arith.constant 0 : i32
      %dma_wait3A_21 = tpu.memref_slice %arg6[%arg0, %run_scoped3A_15, %mul3A_2, %dma_wait3A] : memref<2x2x10240x16xf32, #tpu.memory_space<hbm>> -> memref<1x1x640x16xf32, #tpu.memory_space<hbm>>
      %dma_wait3A_22 = tpu.memref_squeeze %dma_wait3A_21 : memref<1x1x640x16xf32, #tpu.memory_space<hbm>> -> memref<640x16xf32, #tpu.memory_space<hbm>>
      %dma_wait3A_23 = arith.constant 0 : i32
      %dma_wait3A_24 = tpu.memref_slice %arg11[%mul3A_2, %dma_wait3A_23] : memref<10240x16xf32, #tpu.memory_space<vmem_shared>> -> memref<640x16xf32, #tpu.memory_space<vmem_shared>>
      tpu.wait_dma2 semaphore(%run_scoped3A_16 : memref<!tpu.dma_semaphore, #tpu.memory_space<semaphore_mem>>) src(%dma_wait3A_24 : memref<640x16xf32, #tpu.memory_space<vmem_shared>>) dst(%dma_wait3A_22 : memref<640x16xf32, #tpu.memory_space<hbm>>)
      tpu.yield
    }) : () -> ()
    return
  }
}

module attributes {stable_mosaic.version = 14 : i64} {
  func.func @_tc1_body(%arg0: memref<10000x128xf32, #tpu.memory_space<vmem>>, %arg1: memref<128x128xf32, #tpu.memory_space<vmem>>, %arg2: memref<2x2x10240x16xf32, #tpu.memory_space<vmem>>, %arg3: memref<2x10000x64xbf16, #tpu.memory_space<vmem>>, %arg4: memref<10000x2xf32, #tpu.memory_space<vmem>>) attributes {dimension_semantics = [], scalar_prefetch = 0 : i64, scratch_operands = 0 : i64, tpu.core_type = #tpu.core_type<tc>} {
    %get3A = arith.constant 0 : index
    %get3A_0 = arith.constant 0 : index
    %get3A_1 = arith.constant 0 : index
    %get3A_2 = arith.constant 0 : index
    %get3A_3 = vector.load %arg2[%get3A, %get3A_0, %get3A_1, %get3A_2] : memref<2x2x10240x16xf32, #tpu.memory_space<vmem>>, vector<1x1x10000x1xf32>
    %get3A_4 = vector.shape_cast %get3A_3 : vector<1x1x10000x1xf32> to vector<10000x1xf32>
    %get3A_5 = arith.constant 1 : index
    %get3A_6 = arith.constant 0 : index
    %get3A_7 = arith.constant 0 : index
    %get3A_8 = arith.constant 0 : index
    %get3A_9 = vector.load %arg2[%get3A_5, %get3A_6, %get3A_7, %get3A_8] : memref<2x2x10240x16xf32, #tpu.memory_space<vmem>>, vector<1x1x10000x1xf32>
    %get3A_10 = vector.shape_cast %get3A_9 : vector<1x1x10000x1xf32> to vector<10000x1xf32>
    %add3A = arith.addf %get3A_4, %get3A_10 : vector<10000x1xf32>
    %get3A_11 = arith.constant 0 : index
    %get3A_12 = arith.constant 1 : index
    %get3A_13 = arith.constant 0 : index
    %get3A_14 = arith.constant 0 : index
    %get3A_15 = vector.load %arg2[%get3A_11, %get3A_12, %get3A_13, %get3A_14] : memref<2x2x10240x16xf32, #tpu.memory_space<vmem>>, vector<1x1x10000x1xf32>
    %get3A_16 = vector.shape_cast %get3A_15 : vector<1x1x10000x1xf32> to vector<10000x1xf32>
    %get3A_17 = arith.constant 1 : index
    %get3A_18 = arith.constant 1 : index
    %get3A_19 = arith.constant 0 : index
    %get3A_20 = arith.constant 0 : index
    %get3A_21 = vector.load %arg2[%get3A_17, %get3A_18, %get3A_19, %get3A_20] : memref<2x2x10240x16xf32, #tpu.memory_space<vmem>>, vector<1x1x10000x1xf32>
    %get3A_22 = vector.shape_cast %get3A_21 : vector<1x1x10000x1xf32> to vector<10000x1xf32>
    %add3A_23 = arith.addf %get3A_16, %get3A_22 : vector<10000x1xf32>
    %max3A = arith.constant 1.000000e+00 : f32
    %max3A_24 = vector.broadcast %max3A : f32 to vector<10000x1xf32>
    %max3A_25 = arith.maximumf %add3A, %max3A_24 : vector<10000x1xf32>
    %rsqrt3A = math.rsqrt %max3A_25 : vector<10000x1xf32>
    %max3A_26 = arith.constant 1.000000e+00 : f32
    %max3A_27 = vector.broadcast %max3A_26 : f32 to vector<10000x1xf32>
    %max3A_28 = arith.maximumf %add3A_23, %max3A_27 : vector<10000x1xf32>
    %rsqrt3A_29 = math.rsqrt %max3A_28 : vector<10000x1xf32>
    %get3A_30 = arith.constant 0 : index
    %get3A_31 = arith.constant 0 : index
    %get3A_32 = vector.load %arg0[%get3A_30, %get3A_31] : memref<10000x128xf32, #tpu.memory_space<vmem>>, vector<10000x128xf32>
    %get3A_33 = arith.constant 0 : index
    %get3A_34 = arith.constant 0 : index
    %get3A_35 = vector.load %arg1[%get3A_33, %get3A_34] : memref<128x128xf32, #tpu.memory_space<vmem>>, vector<128x128xf32>
    %dot_general3A = arith.constant dense<0.000000e+00> : vector<10000x128xf32>
    %dot_general3A_36 = tpu.matmul %get3A_32, %get3A_35, %dot_general3A {dimension_numbers = #tpu.dot_dimension_numbers<[1], [0], [0], [1], [0, 0, 1, 1], [], []>, transpose_lhs_hint = false} : vector<10000x128xf32>, vector<128x128xf32>, vector<10000x128xf32> -> vector<10000x128xf32>
    %mul3A = vector.broadcast %rsqrt3A : vector<10000x1xf32> to vector<10000x128xf32>
    %mul3A_37 = arith.mulf %dot_general3A_36, %mul3A : vector<10000x128xf32>
    %slice3A = vector.extract_strided_slice %mul3A_37 {offsets = [0, 0], sizes = [10000, 64], strides = [1, 1]} : vector<10000x128xf32> to vector<10000x64xf32>
    %convert_element_type3A = arith.truncf %slice3A : vector<10000x64xf32> to vector<10000x64xbf16>
    %swap3A = arith.constant 0 : index
    %swap3A_38 = arith.constant 0 : index
    %swap3A_39 = arith.constant 0 : index
    %swap3A_40 = vector.load %arg3[%swap3A, %swap3A_38, %swap3A_39] : memref<2x10000x64xbf16, #tpu.memory_space<vmem>>, vector<1x10000x64xbf16>
    %swap3A_41 = vector.shape_cast %swap3A_40 : vector<1x10000x64xbf16> to vector<10000x64xbf16>
    %swap3A_42 = vector.shape_cast %convert_element_type3A : vector<10000x64xbf16> to vector<1x10000x64xbf16>
    tpu.vector_store %arg3[%swap3A, %swap3A_38, %swap3A_39], %swap3A_42 {strides = array<i32>} : memref<2x10000x64xbf16, #tpu.memory_space<vmem>>, vector<1x10000x64xbf16>,
    %slice3A_43 = vector.extract_strided_slice %mul3A_37 {offsets = [0, 64], sizes = [10000, 64], strides = [1, 1]} : vector<10000x128xf32> to vector<10000x64xf32>
    %convert_element_type3A_44 = arith.truncf %slice3A_43 : vector<10000x64xf32> to vector<10000x64xbf16>
    %swap3A_45 = arith.constant 1 : index
    %swap3A_46 = arith.constant 0 : index
    %swap3A_47 = arith.constant 0 : index
    %swap3A_48 = vector.load %arg3[%swap3A_45, %swap3A_46, %swap3A_47] : memref<2x10000x64xbf16, #tpu.memory_space<vmem>>, vector<1x10000x64xbf16>
    %swap3A_49 = vector.shape_cast %swap3A_48 : vector<1x10000x64xbf16> to vector<10000x64xbf16>
    %swap3A_50 = vector.shape_cast %convert_element_type3A_44 : vector<10000x64xbf16> to vector<1x10000x64xbf16>
    tpu.vector_store %arg3[%swap3A_45, %swap3A_46, %swap3A_47], %swap3A_50 {strides = array<i32>} : memref<2x10000x64xbf16, #tpu.memory_space<vmem>>, vector<1x10000x64xbf16>,
    %concatenate3A = tpu.concatenate %rsqrt3A, %rsqrt3A_29 in 1 : vector<10000x1xf32>, vector<10000x1xf32> -> vector<10000x2xf32>
    %swap3A_51 = arith.constant 0 : index
    %swap3A_52 = arith.constant 0 : index
    %swap3A_53 = vector.load %arg4[%swap3A_51, %swap3A_52] : memref<10000x2xf32, #tpu.memory_space<vmem>>, vector<10000x2xf32>
    tpu.vector_store %arg4[%swap3A_51, %swap3A_52], %concatenate3A {strides = array<i32>} : memref<10000x2xf32, #tpu.memory_space<vmem>>, vector<10000x2xf32>,
    return
  }
}

module attributes {stable_mosaic.version = 14 : i64} {
  func.func @_tc2_body(%arg0: memref<2x10240x64xbf16, #tpu.memory_space<vmem>>, %arg1: memref<10000x2xf32, #tpu.memory_space<vmem>>, %arg2: memref<128xf32, #tpu.memory_space<vmem>>, %arg3: memref<128x16xf32, #tpu.memory_space<vmem>>, %arg4: memref<10000x16xf32, #tpu.memory_space<vmem>>) attributes {dimension_semantics = [], scalar_prefetch = 0 : i64, scratch_operands = 0 : i64, tpu.core_type = #tpu.core_type<tc>} {
    %get3A = arith.constant 0 : index
    %get3A_0 = arith.constant 0 : index
    %get3A_1 = vector.load %arg1[%get3A, %get3A_0] : memref<10000x2xf32, #tpu.memory_space<vmem>>, vector<10000x1xf32>
    %get3A_2 = arith.constant 0 : index
    %get3A_3 = arith.constant 1 : index
    %get3A_4 = vector.load %arg1[%get3A_2, %get3A_3] : memref<10000x2xf32, #tpu.memory_space<vmem>>, vector<10000x1xf32>
    %get3A_5 = arith.constant 0 : index
    %get3A_6 = arith.constant 0 : index
    %get3A_7 = arith.constant 0 : index
    %get3A_8 = vector.load %arg0[%get3A_5, %get3A_6, %get3A_7] : memref<2x10240x64xbf16, #tpu.memory_space<vmem>>, vector<1x10000x64xbf16>
    %get3A_9 = vector.shape_cast %get3A_8 : vector<1x10000x64xbf16> to vector<10000x64xbf16>
    %get3A_10 = arith.constant 1 : index
    %get3A_11 = arith.constant 0 : index
    %get3A_12 = arith.constant 0 : index
    %get3A_13 = vector.load %arg0[%get3A_10, %get3A_11, %get3A_12] : memref<2x10240x64xbf16, #tpu.memory_space<vmem>>, vector<1x10000x64xbf16>
    %get3A_14 = vector.shape_cast %get3A_13 : vector<1x10000x64xbf16> to vector<10000x64xbf16>
    %concatenate3A = tpu.concatenate %get3A_9, %get3A_14 in 1 : vector<10000x64xbf16>, vector<10000x64xbf16> -> vector<10000x128xbf16>
    %convert_element_type3A = arith.extf %concatenate3A : vector<10000x128xbf16> to vector<10000x128xf32>
    %mul3A = vector.broadcast %get3A_4 : vector<10000x1xf32> to vector<10000x128xf32>
    %mul3A_15 = arith.mulf %convert_element_type3A, %mul3A : vector<10000x128xf32>
    %get3A_16 = arith.constant 0 : index
    %get3A_17 = vector.load %arg2[%get3A_16] : memref<128xf32, #tpu.memory_space<vmem>>, vector<128xf32>
    %reshape3A = vector.shape_cast %get3A_17 : vector<128xf32> to vector<1x128xf32>
    %add3A = vector.broadcast %reshape3A : vector<1x128xf32> to vector<10000x128xf32>
    %add3A_18 = arith.addf %mul3A_15, %add3A : vector<10000x128xf32>
    %max3A = arith.constant 0.000000e+00 : f32
    %max3A_19 = vector.broadcast %max3A : f32 to vector<10000x128xf32>
    %max3A_20 = arith.maximumf %add3A_18, %max3A_19 : vector<10000x128xf32>
    %get3A_21 = arith.constant 0 : index
    %get3A_22 = arith.constant 0 : index
    %get3A_23 = vector.load %arg3[%get3A_21, %get3A_22] : memref<128x16xf32, #tpu.memory_space<vmem>>, vector<128x16xf32>
    %dot_general3A = arith.constant dense<0.000000e+00> : vector<10000x16xf32>
    %dot_general3A_24 = tpu.matmul %max3A_20, %get3A_23, %dot_general3A {dimension_numbers = #tpu.dot_dimension_numbers<[1], [0], [0], [1], [0, 0, 1, 1], [], []>, transpose_lhs_hint = false} : vector<10000x128xf32>, vector<128x16xf32>, vector<10000x16xf32> -> vector<10000x16xf32>
    %mul3A_25 = vector.broadcast %get3A_1 : vector<10000x1xf32> to vector<10000x16xf32>
    %mul3A_26 = arith.mulf %dot_general3A_24, %mul3A_25 : vector<10000x16xf32>
    %swap3A = arith.constant 0 : index
    %swap3A_27 = arith.constant 0 : index
    %swap3A_28 = vector.load %arg4[%swap3A, %swap3A_27] : memref<10000x16xf32, #tpu.memory_space<vmem>>, vector<10000x16xf32>
    tpu.vector_store %arg4[%swap3A, %swap3A_27], %mul3A_26 {strides = array<i32>} : memref<10000x16xf32, #tpu.memory_space<vmem>>, vector<10000x16xf32>,
    return
  }
}

module attributes {stable_mosaic.version = 14 : i64} {
  func.func @_tc3_body(%arg0: memref<2x10240x16xf32, #tpu.memory_space<vmem>>, %arg1: memref<10000x2xf32, #tpu.memory_space<vmem>>, %arg2: memref<16xf32, #tpu.memory_space<vmem>>, %arg3: memref<10000x16xf32, #tpu.memory_space<vmem>>) attributes {dimension_semantics = [], scalar_prefetch = 0 : i64, scratch_operands = 0 : i64, tpu.core_type = #tpu.core_type<tc>} {
    %get3A = arith.constant 0 : index
    %get3A_0 = arith.constant 1 : index
    %get3A_1 = vector.load %arg1[%get3A, %get3A_0] : memref<10000x2xf32, #tpu.memory_space<vmem>>, vector<10000x1xf32>
    %get3A_2 = arith.constant 0 : index
    %get3A_3 = arith.constant 0 : index
    %get3A_4 = arith.constant 0 : index
    %get3A_5 = vector.load %arg0[%get3A_2, %get3A_3, %get3A_4] : memref<2x10240x16xf32, #tpu.memory_space<vmem>>, vector<1x10000x16xf32>
    %get3A_6 = vector.shape_cast %get3A_5 : vector<1x10000x16xf32> to vector<10000x16xf32>
    %get3A_7 = arith.constant 1 : index
    %get3A_8 = arith.constant 0 : index
    %get3A_9 = arith.constant 0 : index
    %get3A_10 = vector.load %arg0[%get3A_7, %get3A_8, %get3A_9] : memref<2x10240x16xf32, #tpu.memory_space<vmem>>, vector<1x10000x16xf32>
    %get3A_11 = vector.shape_cast %get3A_10 : vector<1x10000x16xf32> to vector<10000x16xf32>
    %add3A = arith.addf %get3A_6, %get3A_11 : vector<10000x16xf32>
    %mul3A = vector.broadcast %get3A_1 : vector<10000x1xf32> to vector<10000x16xf32>
    %mul3A_12 = arith.mulf %add3A, %mul3A : vector<10000x16xf32>
    %get3A_13 = arith.constant 0 : index
    %get3A_14 = vector.load %arg2[%get3A_13] : memref<16xf32, #tpu.memory_space<vmem>>, vector<16xf32>
    %reshape3A = vector.shape_cast %get3A_14 : vector<16xf32> to vector<1x16xf32>
    %add3A_15 = vector.broadcast %reshape3A : vector<1x16xf32> to vector<10000x16xf32>
    %add3A_16 = arith.addf %mul3A_12, %add3A_15 : vector<10000x16xf32>
    %swap3A = arith.constant 0 : index
    %swap3A_17 = arith.constant 0 : index
    %swap3A_18 = vector.load %arg3[%swap3A, %swap3A_17] : memref<10000x16xf32, #tpu.memory_space<vmem>>, vector<10000x16xf32>
    tpu.vector_store %arg3[%swap3A, %swap3A_17], %add3A_16 {strides = array<i32>} : memref<10000x16xf32, #tpu.memory_space<vmem>>, vector<10000x16xf32>,
    return
  }
}

</mosaic_0001>

<sc_bundles>
// kernel: kernel.11.cloned.1.call-start
scs
__scs_entry_jumppad:
0x0: {  	(pc) =	sbr.rel $0x88, $3  }
0x1: {  	(tag) =	ssettag $0x0;
	lr =	simm.s32 $0x1  }
0x2: {  	[smem:$0x3F9B] =	sst lr;
	_ =	strace $0xD0000000  }
0x3: {  	_ = 	snop  }
0x4: {  	_ = 	snop  }
0x5: {  	_ = 	snop  }
0x6: {  	_ = 	snop  }
0x7: {  	_ = 	snop  }
__scs_overlays_trampoline_lowered:
0x8: {  	[smem:$0x3FAA] =	sst s0  }
0x9: {  	[smem:$0x3FAB] =	sst s1  }
0xa: {  	[smem:$0x3FAC] =	sst s2  }
0xb: {  	[smem:$0x3FAD] =	sst s3  }
0xc: {  	[smem:$0x3FAE] =	sst s4  }
0xd: {  	[smem:$0x3FAF] =	sst s5  }
0xe: {  	[smem:$0x3FB0] =	sst s6  }
0xf: {  	[smem:$0x3FB1] =	sst s7  }
0x10: {  	[smem:$0x3FB2] =	sst s8  }
0x11: {  	[smem:$0x3FB3] =	sst s9;
	s0 =	simm.s32 @!p0 $0x0  }
0x12: {  	s1 =	sld [smem:$0x3F99];
	s0 =	simm.s32 @p0 $0x1  }
0x13: {  	[smem:$0x3FB4] =	sst s0;
	s0 =	simm.s32 @!p1 $0x0  }
0x14: {  	s2 =	sld [smem:$0x3F98];
	s0 =	simm.s32 @p1 $0x1  }
0x15: {  	[smem:$0x3FB5] =	sst s0;
	s0 =	simm.s32 @!p2 $0x0  }
0x16: {  	s3 =	sld [smem:$0x3FDB];
	s0 =	simm.s32 @p2 $0x1  }
0x17: {  	s4 =	simm.s32 $0x1BF5;
	[smem:$0x3FB7] =	sst s0  }
0x18: {  	s0 =	sld [smem:$0x3F9A];
	_ =	swait.ge [sflag:s4], $0x0  }
0x19: {  	s7 =	sld [smem:$0x3F9B]  }
0x1a: {  	s8 =	sadd.s32 $0xFFFFE003, lr  }
0x1b: {  	s9 =	sadd.s32 $0xFFFFFEF7, lr;
	s5 =	simm.s32 $0xFFFFFFFF;
	p2 =	slt.u32 s8, $0xFFFFF086  }
0x1c: {  	p1 =	slt.u32 s9, $0xF7A;
	s5 =	simm.s32 @!p2 $0x0  }
0x1d: {  	s5 =	simm.s32 @p1 $0x1;
	p0 =	seq.s32 s7, s2  }
0x1e: {  	s7 =	smul.u32 @!p0 $0xF7A, s2;
	p2 =	seq.s32 @!p0 s5, $0x0  }
0x1f: {  	s9 =	smul.u32 $0xF7A, s1;
	s8 =	simm.s32 @!p0 $0x1BF5;
	p2 =	por !p2, p0  }
0x20: {  	[sflag:s8] =	ssyncset.s32 @!p0 $0xFFFFF086;
	s6 =	sadd.s32 @!p0 s3, s7;
	s7 =	simm.s32 @!p0 $0x108  }
0x21: {  	s3 =	sadd.s32 s3, s9;
	s6 =	sadd.s32 @!p0 $0x88, s6;
	s7 =	simm.s32 @p2 $0x1082  }
0x22: {  	[simem:s7], [sflag:s8] =	dma.local @!p0 [hbm:s6], $0xF7A  }
0x23: {  	s9 =	sor.u32 $0xD0000000, s2;
	s6 =	simm.s32 $0x108;
	_ =	swait.ge @!p0 [sflag:s8], $0x0  }
0x24: {  	s3 =	sadd.s32 $0x88, s3;
	s6 =	simm.s32 @!p1 $0x1082;
	[sflag:s4] =	ssyncset.s32 $0xFFFFF086  }
0x25: {  	[simem:s6], [sflag:s4] =	dma.local [hbm:s3], $0xF7A  }
0x26: {  	[smem:$0x3F9B] =	sst s1;
	(tag) =	ssettag s2;
	_ =	strace s9  }
0x27: {  	s1 =	sld [smem:$0x3FAB]  }
0x28: {  	s2 =	sld [smem:$0x3FAC]  }
0x29: {  	s4 =	sld [smem:$0x3FAE]  }
0x2a: {  	p0 =	seq.s32 s5, $0x0;
	s5 =	sld [smem:$0x3FAF]  }
0x2b: {  	s6 =	sld [smem:$0x3FB0]  }
0x2c: {  	s7 =	sld [smem:$0x3FB1]  }
0x2d: {  	s3 =	simm.s32 $0x108;
	s8 =	sld [smem:$0x3FB2]  }
0x2e: {  	s3 =	simm.s32 @!p0 $0x1082;
	s9 =	sld [smem:$0x3FB3]  }
0x2f: {  	lr =	sadd.s32 s0, s3;
	s0 =	sld [smem:$0x3FAA]  }
0x30: {  	s3 =	sld [smem:$0x3FAD]  }
0x31: {  	[smem:$0x3FB6] =	sst s10  }
0x32: {  	s10 =	sld [smem:$0x3FB4];
	_ =	sdelay $0x3  }
0x33: {  	p0 =	seq.s32 s10, $0x1;
	s10 =	sld [smem:$0x3FB6];
	_ =	sdelay $0x3  }
0x34: {  	[smem:$0x3FB6] =	sst s10  }
0x35: {  	s10 =	sld [smem:$0x3FB5];
	_ =	sdelay $0x3  }
0x36: {  	p1 =	seq.s32 s10, $0x1;
	s10 =	sld [smem:$0x3FB6];
	_ =	sdelay $0x3  }
0x37: {  	[smem:$0x3FB6] =	sst s10  }
0x38: {  	s10 =	sld [smem:$0x3FB7]  }
0x39: {  	_ = 	snop;
	(pc) =	sbr.ind lr, $3  }
0x3a: {  	_ = 	snop  }
0x3b: {  	_ = 	snop  }
0x3c: {  	p2 =	seq.s32 s10, $0x1;
	s10 =	sld [smem:$0x3FB6]  }
0x3d: {  	_ =	shalt  }
0x3e: {  	_ =	shalt  }
0x3f: {  	_ =	shalt  }
0x40: {  	_ =	shalt  }
0x41: {  	_ =	shalt  }
0x42: {  	_ =	shalt  }
0x43: {  	_ =	shalt  }
0x44: {  	_ =	shalt  }
0x45: {  	_ =	shalt  }
0x46: {  	_ =	shalt  }
0x47: {  	_ =	shalt  }
0x48: {  	_ =	shalt  }
0x49: {  	_ =	shalt  }
0x4a: {  	_ =	shalt  }
0x4b: {  	_ =	shalt  }
0x4c: {  	_ =	shalt  }
0x4d: {  	_ =	shalt  }
0x4e: {  	_ =	shalt  }
0x4f: {  	_ =	shalt  }
0x50: {  	_ =	shalt  }
0x51: {  	_ =	shalt  }
0x52: {  	_ =	shalt  }
0x53: {  	_ =	shalt  }
0x54: {  	_ =	shalt  }
0x55: {  	_ =	shalt  }
0x56: {  	_ =	shalt  }
0x57: {  	_ =	shalt  }
0x58: {  	_ =	shalt  }
0x59: {  	_ =	shalt  }
0x5a: {  	_ =	shalt  }
0x5b: {  	_ =	shalt  }
0x5c: {  	_ =	shalt  }
0x5d: {  	_ =	shalt  }
0x5e: {  	_ =	shalt  }
0x5f: {  	_ =	shalt  }
0x60: {  	_ =	shalt  }
0x61: {  	_ =	shalt  }
0x62: {  	_ =	shalt  }
0x63: {  	_ =	shalt  }
0x64: {  	_ =	shalt  }
0x65: {  	_ =	shalt  }
0x66: {  	_ =	shalt  }
0x67: {  	_ =	shalt  }
0x68: {  	_ =	shalt  }
0x69: {  	_ =	shalt  }
0x6a: {  	_ =	shalt  }
0x6b: {  	_ =	shalt  }
0x6c: {  	_ =	shalt  }
0x6d: {  	_ =	shalt  }
0x6e: {  	_ =	shalt  }
0x6f: {  	_ =	shalt  }
0x70: {  	_ =	shalt  }
0x71: {  	_ =	shalt  }
0x72: {  	_ =	shalt  }
0x73: {  	_ =	shalt  }
0x74: {  	_ =	shalt  }
0x75: {  	_ =	shalt  }
0x76: {  	_ =	shalt  }
0x77: {  	_ =	shalt  }
0x78: {  	_ =	shalt  }
0x79: {  	_ =	shalt  }
0x7a: {  	_ =	shalt  }
0x7b: {  	_ =	shalt  }
0x7c: {  	_ =	shalt  }
0x7d: {  	_ =	shalt  }
0x7e: {  	_ =	shalt  }
0x7f: {  	_ =	shalt  }
0x80: {  	_ =	shalt  }
0x81: {  	_ =	shalt  }
0x82: {  	_ =	shalt  }
0x83: {  	_ =	shalt  }
0x84: {  	_ =	shalt  }
0x85: {  	_ =	shalt  }
0x86: {  	_ =	shalt  }
0x87: {  	_ =	shalt  }
.Lfunc_end0:
.L_simem_size_0:
called_computation.1_lowered:
.L_overlay_start_0:
0x88: {  	s2 =	sld [smem:$0x3FD9]  }
0x89: {  	s3 =	sld [smem:$0x3FFE];
	_ =	sdelay $0x1  }
0x8a: {  	s1 =	srdreg.scid  }
0x8b: {  	s0 =	sand.u32 $0x1, s1  }
0x8c: {  	s17 =	sshll.u32 s0, $0xA;
	s2 =	sadd.s32 s3, s2  }
0x8d: {  	s2 =	sadd.s32 s2, s17  }
0x8e: {  	[smem:$0x3FC2] =	sst s2  }
0x8f: {  	_ = 	snop  }
0x90: {  	s2 =	sld [smem:$0x3FD0];
	(tm) =	ssettm $0x1  }
0x91: {  	s18 =	sld [smem:$0x3FFB];
	_ =	sdelay $0x3  }
0x92: {  	_ =	strace s18  }
0x93: {  	s3 =	sld [smem:$0x3FFC];
	_ =	sdelay $0x3  }
0x94: {  	_ =	strace s3  }
0x95: {  	s3 =	sld [smem:$0x3FFD];
	_ =	sdelay $0x3  }
0x96: {  	_ =	strace s3  }
0x97: {  	_ =	strace $0x8FFFFFFF  }
0x98: {  	s19 =	sld [smem:$0x3FDB];
	_ =	sdelay $0x1  }
0x99: {  	s4 =	simm.s32 $_scs_section_size  }
0x9a: {  	s5 =	simm.s32 $_size__tile_overlayer_lowered;
	s6 =	simm.s32 $_tile_overlayer_lowered  }
0x9b: {  	s22 =	simm.s32 $0x1BFF;
	s21 =	sshll.u32 s6, $0x1;
	s3 =	sadd.s32 s4, s19  }
0x9c: {  	s7 =	simm.s32 $0x0;
	s20 =	sshll.u32 s5, $0x1;
	s5 =	sadd.s32 s21, s3  }
0x9d: {  	[timem:s7], [sflag:s22] =	dma.local [hbm:s5], s20  }
0x9e: {  	_ =	swait.ge [sflag:s22], s20  }
0x9f: {  	s4 =	ssub.s32 $0x0, s20;
	[sflag:s22] =	ssyncset.done $0x0  }
0xa0: {  	[sflag:s22] =	ssyncadd.s32 s4;
	_ =	sdelay $0x1  }
0xa1: {  	s23 =	simm.s32 $0x1B8B  }
0xa2: {  	_ =	swait.ge [sflag:s23], $0x1  }
0xa3: {  	[sflag:s23] =	ssyncset.done $0x0  }
0xa4: {  	s25 =	simm.s32 $0x1B8E;
	s24 =	sld [smem:$0x3FFE];
	[sflag:s23] =	ssyncadd.s32 $0xFFFFFFFF  }
0xa5: {  	s26 =	simm.s32 $execute0_lowered;
	[smem:$0x3FD2] =	sst s25  }
0xa6: {  	s5 =	sshll.u32 s26, $0x1;
	_ =	strace $0x80000049;
	[dreg:$0x1] =	wrdreg $0xFFFFFFFF  }
0xa7: {  	s28 =	simm.s32 $_size_execute0_lowered;
	s3 =	sadd.s32 s3, s5;
	[dreg:$0x0] =	wrdreg $0x0  }
0xa8: {  	s5 =	sshll.u32 s28, $0x1;
	[dreg:$0x2] =	wrdreg s3  }
0xa9: {  	[dreg:$0x3] =	wrdreg s5  }
0xaa: {  	[dreg:$0x4] =	wrdreg $0xC0  }
0xab: {  	_ =	task [dreg:s7], $0x5FFFF  }
0xac: {  	[dreg:$0x1] =	wrdreg $0xFFFFFFFF  }
0xad: {  	[dreg:$0x0] =	wrdreg $0x60  }
0xae: {  	[dreg:$0x2] =	wrdreg s24  }
0xaf: {  	[dreg:$0x3] =	wrdreg s2  }
0xb0: {  	[dreg:$0x4] =	wrdreg $0xEC400  }
0xb1: {  	[dreg:$0x5] =	wrdreg $0x9  }
0xb2: {  	_ =	task.clear_ibuf [dreg:s7], $0x6FFFF;
	_ =	strace $0x90000049  }
0xb3: {  	s29 =	simm.s32 $0x9;
	_ =	strace $0x8000004B  }
0xb4: {  	_ =	swait.ge [sflag:s29], $0x1  }
0xb5: {  	[sflag:s29] =	ssyncadd.s32 $0xFFFFFFFF  }
0xb6: {  	_ =	strace $0x9000004B  }
0xb7: {  	_ =	sfence  }
0xb8: {  	s30 =	sld [smem:$0x0];
	_ =	sdelay $0x2  }
0xb9: {  	s31 =	sshll.u32 s1, $0xD;
	s1 =	sshrl.u32 s1, $0x2  }
0xba: {  	s3 =	sand.u32 $0x4000, s31;
	s1 =	sadd.s32 s1, s30  }
0xbb: {  	s0 =	sor.u32 s3, s0;
	s1 =	sshll.u32 s1, $0x11  }
0xbc: {  	s0 =	sor.u32 s1, s0  }
0xbd: {  	s0 =	sadd.s32 $0x8F2B, s0  }
0xbe: {  	[sflag:s0] =	ssyncadd.remote.s32 $0x1  }
0xbf: {  	_ =	sfence.sel $0xFFFF  }
0xc0: {  	[dreg:$0x0] =	wrdreg $0xFFFFFFFF;
	(pc) =	sbr.abs _section_cstart, $3  }
0xc1: {  	[dreg:$0x1] =	wrdreg $0xFFFFFFFF  }
0xc2: {  	_ =	task.clear_ibuf [dreg:s7], $0x2FFFF;
	_ =	strace $0x9FFFFFFF  }
0xc3: {  	(tm) =	ssettm $0x7FFFFFFF  }
tec
execute0_lowered:
.L_overlay_start_1:
0x0: {  	(tag) =	ssettag $0x1  }
0x1: {  	s0 =	rddreg [dreg:$0x0];
	s1 =	srdreg.scid  }
0x2: {  	s3 =	rddreg [dreg:$0x2];
	s9 =	stileid.u32;
	s4 =	simm.s32 $0x0  }
0x3: {  	s10 =	simm.s32 $0x11;
	s13 =	simm.s32 $0x50;
	s19 =	simm.s32 $0xBA40  }
0x4: {  	s20 =	simm.s32 $0x140;
	s21 =	simm.s32 $0xC440;
	s22 =	simm.s32 $0x190  }
0x5: {  	s23 =	simm.s32 $0xCE40;
	s24 =	simm.s32 $0xB;
	s28 =	simm.s32 $0xE  }
0x6: {  	s29 =	simm.s32 $0xF;
	s30 =	simm.s32 $0x10;
	s5 =	smul.u32 $0xA000, s9  }
0x7: {  	s31 =	simm.s32 $0x9;
	s1 =	sand.u32 $0x1, s1;
	s7 =	smul.u32 $0x9C4, s9  }
0x8: {  	[smem:$0x7FF] =	sst s4;
	s26 =	sshll.u32 s9, $0x6;
	s2 =	smul.u32 $0x9C40, s1  }
0x9: {  	s6 =	smul.u32 $0xA0000, s1;
	_ =	strace $0x8000004A;
	s1 =	ssub.s32 $0x2, s1  }
0xa: {  	s11 =	sor.u32 $0x1C11, s26;
	s26 =	simm.s32 $0xD;
	s7 =	sadd.s32 s7, s0  }
0xb: {  	s8 =	sshrl.u32 s1, $0x1;
	s25 =	sshrl.u32 s5, $0x1;
	s2 =	sadd.s32 s2, s0  }
.Ltmp0:
0xc: {  	s6 =	sadd.s32 s5, s6;
	s1 =	ssub.s32 s1, s8;
	(pc) =	sbr.rel .LBB2_1-.Ltmp0, $4  }
0xd: {  	s5 =	sadd.s32 $0xB400, s7;
	s12 =	sadd.s32 s25, s3;
	s25 =	simm.s32 $0xC  }
0xe: {  	s6 =	sshrl.u32 s6, $0x4;
	s9 =	smax.u32 s1, $0x1;
	s12 =	sshrl.u32 s12, $0x3  }
0xf: {  	s0 =	sadd.s32 s6, s0;
	s6 =	sadd.s32 $0x1600, s7;
	s7 =	sadd.s32 $0x15800, s2  }
0x10: {  	s2 =	simm.s32 $0x0;
	s8 =	sadd.s32 $0x29200, s0;
	s0 =	simm.s32 $0xA  }
.LBB2_6:
0x11: {  	_ =	swait.ge [sflag:s24], $0xA00  }
0x12: {  	[sflag:s24] =	ssyncset.done $0x0  }
0x13: {  	[sflag:s24] =	ssyncadd.s32 $0xFFFFF600  }
0x14: {  	_ =	swait.ge [sflag:s25], $0xA00  }
0x15: {  	[sflag:s25] =	ssyncset.done $0x0  }
0x16: {  	[sflag:s25] =	ssyncadd.s32 $0xFFFFF600  }
0x17: {  	_ =	swait.ge [sflag:s26], $0xA00  }
0x18: {  	[sflag:s26] =	ssyncset.done $0x0  }
0x19: {  	[sflag:s26] =	ssyncadd.s32 $0xFFFFF600  }
0x1a: {  	_ =	swait.ge [sflag:s28], $0xA00  }
0x1b: {  	[sflag:s28] =	ssyncset.done $0x0  }
0x1c: {  	[sflag:s28] =	ssyncadd.s32 $0xFFFFF600  }
0x1d: {  	_ =	swait.ge [sflag:s29], $0xA00  }
0x1e: {  	[sflag:s29] =	ssyncset.done $0x0  }
0x1f: {  	[sflag:s29] =	ssyncadd.s32 $0xFFFFF600  }
0x20: {  	_ =	swait.ge [sflag:s30], $0xA00  }
0x21: {  	[sflag:s30] =	ssyncset.done $0x0  }
0x22: {  	[sflag:s30] =	ssyncadd.s32 $0xFFFFF600  }
0x23: {  	_ =	swait.ge [sflag:s31], $0xA00  }
0x24: {  	[sflag:s31] =	ssyncset.done $0x0  }
0x25: {  	[sflag:s31] =	ssyncadd.s32 $0xFFFFF600  }
0x26: {  	_ =	swait.ge [sflag:s0], $0xA00  }
0x27: {  	s2 =	sadd.s32 $0x1, s2;
	[sflag:s0] =	ssyncset.done $0x0  }
0x28: {  	p0 =	sne.s32 s2, s9;
	[sflag:s0] =	ssyncadd.s32 $0xFFFFF600  }
.Ltmp1:
0x29: {  	[bflag:$0x0] =	sbarrier.arrive $0xFFFF;
	(pc) =	sbr.rel @!p0 .LBB2_7-.Ltmp1, $4  }
0x2a: {  	[hbm:s8], [sflag:s11] =	dma.local [spmem:s12], $0xA00  }
0x2b: {  	_ =	swait.ge [sflag:s10], $0xA00  }
0x2c: {  	[sflag:s10] =	ssyncset.done $0x0  }
0x2d: {  	[sflag:s10] =	ssyncadd.s32 $0xFFFFF600  }
.LBB2_1:
0x2e: {  	[tilespmem:s4], [sflag:$0x11] =	stream.linear.gather [hbm4b:s5+s4], $0x4E20, $0x38;
	[tilespmem:$0x13C40] =	vst v63  }
0x2f: {  	_ =	swait.ge [sflag:s10], $0x4E20  }
0x30: {  	[sflag:s10] =	ssyncset.done $0x0  }
0x31: {  	s1 =	simm.s32 $0x4E20;
	[sflag:s10] =	ssyncadd.s32 $0xFFFFB1E0  }
0x32: {  	[tilespmem:s1], [sflag:$0x11] =	stream.linear.gather [hbm4b:s6+s4], $0x4E20, $0x38;
	[tilespmem:$0x13C40] =	vst v63  }
0x33: {  	_ =	swait.ge [sflag:s10], $0x4E20  }
0x34: {  	[sflag:s10] =	ssyncset.done $0x0  }
0x35: {  	[sflag:s10] =	ssyncadd.s32 $0xFFFFB1E0  }
0x36: {  	s14 =	rddreg [dreg:$0x1]  }
0x37: {  	[spmem:s12], [sflag:s11] =	dma.local [hbm:s14], $0xA00  }
0x38: {  	_ =	swait.ge [sflag:s10], $0xA00  }
0x39: {  	[sflag:s10] =	ssyncset.done $0x0  }
0x3a: {  	[sflag:s10] =	ssyncadd.s32 $0xFFFFF600  }
0x3b: {  	s15 =	simm.s32 $0x9C40;
	[bflag:$0x0] =	sbarrier.arrive $0xFFFF  }
0x3c: {  	[tilespmem:s15], [sflag:$0x1] =	stream.indirect.gather [hbm4b:s7+s13], $0x20, s4, s13, $0xb8;
	[tilespmem:$0x13C40] =	vst v63  }
0x3d: {  	s16 =	simm.s32 $0xA640  }
0x3e: {  	[tilespmem:s16], [sflag:$0x2] =	stream.indirect.gather [hbm4b:s7+s13], $0x20, s13, s13, $0xb8;
	[tilespmem:$0x13C40] =	vst v63  }
0x3f: {  	s17 =	simm.s32 $0xA0;
	s15 =	simm.s32 $0xB040  }
0x40: {  	[tilespmem:s15], [sflag:$0x3] =	stream.indirect.gather [hbm4b:s7+s13], $0x20, s17, s13, $0xb8;
	[tilespmem:$0x13C40] =	vst v63  }
0x41: {  	s18 =	simm.s32 $0xF0  }
0x42: {  	[tilespmem:s19], [sflag:$0x4] =	stream.indirect.gather [hbm4b:s7+s13], $0x20, s18, s13, $0xb8;
	[tilespmem:$0x13C40] =	vst v63  }
.Ltmp2:
0x43: {  	_ = 	snop;
	(pc) =	sbr.rel .LBB2_2-.Ltmp2, $4  }
0x44: {  	_ = 	snop  }
0x45: {  	[tilespmem:s21], [sflag:$0x5] =	stream.indirect.gather [hbm4b:s7+s13], $0x20, s20, s13, $0xb8;
	[tilespmem:$0x13C40] =	vst v63  }
0x46: {  	s14 =	simm.s32 $0x1E0;
	s15 =	simm.s32 $0x0  }
0x47: {  	[tilespmem:s23], [sflag:$0x6] =	stream.indirect.gather [hbm4b:s7+s13], $0x20, s22, s13, $0xb8;
	[tilespmem:$0x13C40] =	vst v63  }
.LBB2_4:
0x48: {  	p0 =	sgt.s32 s16, $0x5  }
0x49: {  	p1 =	seq.s32 @p0 s16, $0x6  }
0x4a: {  	p2 =	por !p1, !p0  }
0x4b: {  	p3 =	sgt.u32 @!p2 s15, $0xF3  }
0x4c: {  	p4 =	por @p0 p3, !p1  }
0x4d: {  	p4 =	por p4, !p0  }
0x4e: {  	p5 =	slt.u32 @!p4 s15, $0x2  }
0x4f: {  	p3 =	por @!p2 p5, p3  }
0x50: {  	p3 =	por @p0 p3, !p1  }
0x51: {  	p3 =	por p3, !p0  }
0x52: {  	s17 =	simm.s32 @!p3 $0xD  }
0x53: {  	_ =	swait.ge @!p3 [sflag:s17], $0xA00  }
0x54: {  	[sflag:s17] =	ssyncset.done @!p3 $0x0  }
0x55: {  	s18 =	simm.s32 @!p4 $0xC440;
	[sflag:s17] =	ssyncadd.s32 @!p3 $0xFFFFF600;
	s17 =	simm.s32 @!p4 $0x50  }
0x56: {  	[tilespmem:s18], [sflag:$0x5] =	stream.indirect.gather @!p4 [hbm4b:s7+s17], $0x20, s14, s17, $0xb8;
	[tilespmem:$0x13C40] =	vst v63  }
0x57: {  	s17 =	simm.s32 @!p2 $0x7  }
0x58: {  	_ =	swait.ge @!p2 [sflag:s17], $0xA00  }
0x59: {  	[sflag:s17] =	ssyncset.done @!p2 $0x0  }
0x5a: {  	s18 =	simm.s32 @!p2 $0xD840;
	[sflag:s17] =	ssyncadd.s32 @!p2 $0xFFFFF600;
	s17 =	simm.s32 @!p2 $0x50  }
0x5b: {  	[spmem:s3] =	stream.indirect.scatter.add.bf16 @!p2 [tilespmem:s18], [sflag:$0xF], $0x20, s1, s17, $0xb8;
	[tilespmem:$0x13C40] =	vst v63  }
0x5c: {  	p2 =	por p1, !p0  }
0x5d: {  	p3 =	sgt.u32 @!p2 s15, $0xF3  }
0x5e: {  	p4 =	por @p0 p3, p1  }
0x5f: {  	p4 =	por p4, !p0  }
0x60: {  	p5 =	slt.u32 @!p4 s15, $0x2  }
0x61: {  	p3 =	por @!p2 p5, p3  }
0x62: {  	p1 =	por @p0 p3, p1  }
0x63: {  	p1 =	por p1, !p0  }
0x64: {  	s17 =	simm.s32 @!p1 $0xE  }
0x65: {  	_ =	swait.ge @!p1 [sflag:s17], $0xA00  }
0x66: {  	[sflag:s17] =	ssyncset.done @!p1 $0x0  }
0x67: {  	s18 =	simm.s32 @!p4 $0xCE40;
	[sflag:s17] =	ssyncadd.s32 @!p1 $0xFFFFF600;
	s17 =	simm.s32 @!p4 $0x50  }
0x68: {  	[tilespmem:s18], [sflag:$0x6] =	stream.indirect.gather @!p4 [hbm4b:s7+s17], $0x20, s14, s17, $0xb8;
	[tilespmem:$0x13C40] =	vst v63  }
0x69: {  	s17 =	simm.s32 @!p2 $0x8  }
0x6a: {  	_ =	swait.ge @!p2 [sflag:s17], $0xA00  }
0x6b: {  	p1 =	seq.s32 @!p0 s16, $0x4;
	[sflag:s17] =	ssyncset.done @!p2 $0x0  }
0x6c: {  	s18 =	simm.s32 @!p2 $0xE240;
	[sflag:s17] =	ssyncadd.s32 @!p2 $0xFFFFF600;
	s17 =	simm.s32 @!p2 $0x50  }
0x6d: {  	[spmem:s3] =	stream.indirect.scatter.add.bf16 @!p2 [tilespmem:s18], [sflag:$0x10], $0x20, s1, s17, $0xb8;
	[tilespmem:$0x13C40] =	vst v63  }
0x6e: {  	p2 =	por !p1, p0  }
0x6f: {  	p3 =	sgt.u32 @!p2 s15, $0xF3  }
0x70: {  	p4 =	por @!p0 p3, !p1  }
0x71: {  	p4 =	por p4, p0  }
0x72: {  	p5 =	slt.u32 @!p4 s15, $0x2  }
0x73: {  	p3 =	por @!p2 p5, p3  }
0x74: {  	p3 =	por @!p0 p3, !p1  }
0x75: {  	p3 =	por p3, p0  }
0x76: {  	s16 =	simm.s32 @!p3 $0xB  }
0x77: {  	_ =	swait.ge @!p3 [sflag:s16], $0xA00  }
0x78: {  	[sflag:s16] =	ssyncset.done @!p3 $0x0  }
0x79: {  	s17 =	simm.s32 @!p4 $0xB040;
	[sflag:s16] =	ssyncadd.s32 @!p3 $0xFFFFF600;
	s16 =	simm.s32 @!p4 $0x50  }
0x7a: {  	[tilespmem:s17], [sflag:$0x3] =	stream.indirect.gather @!p4 [hbm4b:s7+s16], $0x20, s14, s16, $0xb8;
	[tilespmem:$0x13C40] =	vst v63  }
0x7b: {  	s16 =	simm.s32 @!p2 $0x5  }
0x7c: {  	_ =	swait.ge @!p2 [sflag:s16], $0xA00  }
0x7d: {  	[sflag:s16] =	ssyncset.done @!p2 $0x0  }
0x7e: {  	s17 =	simm.s32 @!p2 $0xC440;
	[sflag:s16] =	ssyncadd.s32 @!p2 $0xFFFFF600;
	s16 =	simm.s32 @!p2 $0x50  }
0x7f: {  	[spmem:s3] =	stream.indirect.scatter.add.bf16 @!p2 [tilespmem:s17], [sflag:$0xD], $0x20, s1, s16, $0xb8;
	[tilespmem:$0x13C40] =	vst v63  }
0x80: {  	p2 =	por p1, p0  }
0x81: {  	p3 =	sgt.u32 @!p2 s15, $0xF3  }
0x82: {  	p4 =	por @!p0 p3, p1  }
0x83: {  	p4 =	por p4, p0  }
0x84: {  	p5 =	slt.u32 @!p4 s15, $0x2  }
0x85: {  	p3 =	por @!p2 p5, p3  }
0x86: {  	p1 =	por @!p0 p3, p1  }
0x87: {  	p0 =	por p1, p0  }
0x88: {  	s16 =	simm.s32 @!p0 $0xC  }
0x89: {  	_ =	swait.ge @!p0 [sflag:s16], $0xA00  }
0x8a: {  	[sflag:s16] =	ssyncset.done @!p0 $0x0  }
0x8b: {  	s17 =	simm.s32 @!p4 $0xBA40;
	[sflag:s16] =	ssyncadd.s32 @!p0 $0xFFFFF600;
	s16 =	simm.s32 @!p4 $0x50  }
0x8c: {  	[tilespmem:s17], [sflag:$0x4] =	stream.indirect.gather @!p4 [hbm4b:s7+s16], $0x20, s14, s16, $0xb8;
	[tilespmem:$0x13C40] =	vst v63  }
0x8d: {  	s16 =	simm.s32 @!p2 $0x6  }
0x8e: {  	_ =	swait.ge @!p2 [sflag:s16], $0xA00  }
0x8f: {  	[sflag:s16] =	ssyncset.done @!p2 $0x0  }
0x90: {  	s17 =	simm.s32 @!p2 $0xCE40;
	[sflag:s16] =	ssyncadd.s32 @!p2 $0xFFFFF600;
	s16 =	simm.s32 @!p2 $0x50  }
0x91: {  	[spmem:s3] =	stream.indirect.scatter.add.bf16 @!p2 [tilespmem:s17], [sflag:$0xE], $0x20, s1, s16, $0xb8;
	[tilespmem:$0x13C40] =	vst v63  }
.LBB2_5:
0x92: {  	s15 =	sadd.s32 $0x1, s15  }
0x93: {  	p0 =	sne.s32 s15, $0xFA  }
.Ltmp3:
0x94: {  	_ = 	snop;
	(pc) =	sbr.rel @!p0 .LBB2_6-.Ltmp3, $2  }
0x95: {  	_ =	sdelay $0x2  }
0x96: {  	s1 =	sadd.s32 $0x50, s1;
	s14 =	sadd.s32 $0x50, s14  }
.LBB2_2:
0x97: {  	s16 =	sand.u32 $0x7, s15  }
0x98: {  	p0 =	sgt.s32 s16, $0x3  }
.Ltmp4:
0x99: {  	_ = 	snop;
	(pc) =	sbr.rel @p0 .LBB2_4-.Ltmp4, $1  }
0x9a: {  	_ =	sdelay $0x3  }
0x9b: {  	p0 =	sgt.s32 s16, $0x1  }
0x9c: {  	p1 =	seq.s32 @p0 s16, $0x2  }
0x9d: {  	p2 =	por !p1, !p0  }
0x9e: {  	p3 =	sgt.u32 @!p2 s15, $0xF3  }
0x9f: {  	p4 =	por @p0 p3, !p1  }
0xa0: {  	p4 =	por p4, !p0  }
0xa1: {  	p5 =	slt.u32 @!p4 s15, $0x2  }
0xa2: {  	p3 =	por @!p2 p5, p3  }
0xa3: {  	p3 =	por @p0 p3, !p1  }
0xa4: {  	p3 =	por p3, !p0  }
0xa5: {  	s17 =	simm.s32 @!p3 $0x9  }
0xa6: {  	_ =	swait.ge @!p3 [sflag:s17], $0xA00  }
0xa7: {  	[sflag:s17] =	ssyncset.done @!p3 $0x0  }
0xa8: {  	s18 =	simm.s32 @!p4 $0x9C40;
	[sflag:s17] =	ssyncadd.s32 @!p3 $0xFFFFF600;
	s17 =	simm.s32 @!p4 $0x50  }
0xa9: {  	[tilespmem:s18], [sflag:$0x1] =	stream.indirect.gather @!p4 [hbm4b:s7+s17], $0x20, s14, s17, $0xb8;
	[tilespmem:$0x13C40] =	vst v63  }
0xaa: {  	s17 =	simm.s32 @!p2 $0x3  }
0xab: {  	_ =	swait.ge @!p2 [sflag:s17], $0xA00  }
0xac: {  	[sflag:s17] =	ssyncset.done @!p2 $0x0  }
0xad: {  	s18 =	simm.s32 @!p2 $0xB040;
	[sflag:s17] =	ssyncadd.s32 @!p2 $0xFFFFF600;
	s17 =	simm.s32 @!p2 $0x50  }
0xae: {  	[spmem:s3] =	stream.indirect.scatter.add.bf16 @!p2 [tilespmem:s18], [sflag:$0xB], $0x20, s1, s17, $0xb8;
	[tilespmem:$0x13C40] =	vst v63  }
0xaf: {  	p2 =	por p1, !p0  }
0xb0: {  	p3 =	sgt.u32 @!p2 s15, $0xF3  }
0xb1: {  	p4 =	por @p0 p3, p1  }
0xb2: {  	p4 =	por p4, !p0  }
0xb3: {  	p5 =	slt.u32 @!p4 s15, $0x2  }
0xb4: {  	p3 =	por @!p2 p5, p3  }
0xb5: {  	p1 =	por @p0 p3, p1  }
0xb6: {  	p1 =	por p1, !p0  }
0xb7: {  	s17 =	simm.s32 @!p1 $0xA  }
0xb8: {  	_ =	swait.ge @!p1 [sflag:s17], $0xA00  }
0xb9: {  	[sflag:s17] =	ssyncset.done @!p1 $0x0  }
0xba: {  	s18 =	simm.s32 @!p4 $0xA640;
	[sflag:s17] =	ssyncadd.s32 @!p1 $0xFFFFF600;
	s17 =	simm.s32 @!p4 $0x50  }
0xbb: {  	[tilespmem:s18], [sflag:$0x2] =	stream.indirect.gather @!p4 [hbm4b:s7+s17], $0x20, s14, s17, $0xb8;
	[tilespmem:$0x13C40] =	vst v63  }
0xbc: {  	s17 =	simm.s32 @!p2 $0x4  }
0xbd: {  	_ =	swait.ge @!p2 [sflag:s17], $0xA00  }
0xbe: {  	p1 =	seq.s32 @!p0 s16, $0x0;
	[sflag:s17] =	ssyncset.done @!p2 $0x0  }
0xbf: {  	s18 =	simm.s32 @!p2 $0xBA40;
	[sflag:s17] =	ssyncadd.s32 @!p2 $0xFFFFF600;
	s17 =	simm.s32 @!p2 $0x50  }
0xc0: {  	[spmem:s3] =	stream.indirect.scatter.add.bf16 @!p2 [tilespmem:s18], [sflag:$0xC], $0x20, s1, s17, $0xb8;
	[tilespmem:$0x13C40] =	vst v63  }
0xc1: {  	p2 =	por !p1, p0  }
0xc2: {  	p3 =	sgt.u32 @!p2 s15, $0xF3  }
0xc3: {  	p4 =	por @!p0 p3, !p1  }
0xc4: {  	p4 =	por p4, p0  }
0xc5: {  	p5 =	slt.u32 @!p4 s15, $0x2  }
0xc6: {  	p3 =	por @!p2 p5, p3  }
0xc7: {  	p3 =	por @!p0 p3, !p1  }
0xc8: {  	p3 =	por p3, p0  }
0xc9: {  	s16 =	simm.s32 @!p3 $0xF  }
0xca: {  	_ =	swait.ge @!p3 [sflag:s16], $0xA00  }
0xcb: {  	[sflag:s16] =	ssyncset.done @!p3 $0x0  }
0xcc: {  	s17 =	simm.s32 @!p4 $0xD840;
	[sflag:s16] =	ssyncadd.s32 @!p3 $0xFFFFF600;
	s16 =	simm.s32 @!p4 $0x50  }
0xcd: {  	[tilespmem:s17], [sflag:$0x7] =	stream.indirect.gather @!p4 [hbm4b:s7+s16], $0x20, s14, s16, $0xb8;
	[tilespmem:$0x13C40] =	vst v63  }
0xce: {  	s16 =	simm.s32 @!p2 $0x1  }
0xcf: {  	_ =	swait.ge @!p2 [sflag:s16], $0xA00  }
0xd0: {  	[sflag:s16] =	ssyncset.done @!p2 $0x0  }
0xd1: {  	s17 =	simm.s32 @!p2 $0x9C40;
	[sflag:s16] =	ssyncadd.s32 @!p2 $0xFFFFF600;
	s16 =	simm.s32 @!p2 $0x50  }
0xd2: {  	[spmem:s3] =	stream.indirect.scatter.add.bf16 @!p2 [tilespmem:s17], [sflag:$0x9], $0x20, s1, s16, $0xb8;
	[tilespmem:$0x13C40] =	vst v63  }
0xd3: {  	p2 =	por p1, p0  }
0xd4: {  	p3 =	sgt.u32 @!p2 s15, $0xF3  }
0xd5: {  	p4 =	por @!p0 p3, p1  }
0xd6: {  	p4 =	por p4, p0  }
0xd7: {  	p5 =	slt.u32 @!p4 s15, $0x2  }
0xd8: {  	p3 =	por @!p2 p5, p3  }
0xd9: {  	p1 =	por @!p0 p3, p1  }
0xda: {  	p0 =	por p1, p0  }
0xdb: {  	s16 =	simm.s32 @!p0 $0x10  }
0xdc: {  	_ =	swait.ge @!p0 [sflag:s16], $0xA00  }
0xdd: {  	[sflag:s16] =	ssyncset.done @!p0 $0x0  }
0xde: {  	s17 =	simm.s32 @!p4 $0xE240;
	[sflag:s16] =	ssyncadd.s32 @!p0 $0xFFFFF600;
	s16 =	simm.s32 @!p4 $0x50  }
0xdf: {  	[tilespmem:s17], [sflag:$0x8] =	stream.indirect.gather @!p4 [hbm4b:s7+s16], $0x20, s14, s16, $0xb8;
	[tilespmem:$0x13C40] =	vst v63  }
.Ltmp5:
0xe0: {  	s16 =	simm.s32 @!p2 $0x2;
	(pc) =	sbr.rel .LBB2_5-.Ltmp5, $4  }
0xe1: {  	_ =	swait.ge @!p2 [sflag:s16], $0xA00  }
0xe2: {  	[sflag:s16] =	ssyncset.done @!p2 $0x0  }
0xe3: {  	s17 =	simm.s32 @!p2 $0xA640;
	[sflag:s16] =	ssyncadd.s32 @!p2 $0xFFFFF600;
	s16 =	simm.s32 @!p2 $0x50  }
0xe4: {  	[spmem:s3] =	stream.indirect.scatter.add.bf16 @!p2 [tilespmem:s17], [sflag:$0xA], $0x20, s1, s16, $0xb8;
	[tilespmem:$0x13C40] =	vst v63  }
.LBB2_7:
0xe5: {  	_ =	sfence.sel $0x180000  }
0xe6: {  	[bflag:$0x0] =	sbarrier.arrive $0xFFFF  }
0xe7: {  	_ =	strace $0x9000004A  }
0xe8: {  	s0 =	stileid.u32;
	[bflag:$0x2] =	sbarrier.arrive $0xFFFF  }
0xe9: {  	p0 =	sne.s32 s0, $0x0;
	s0 =	rddreg [dreg:$0x3]  }
0xea: {  	s0 =	sadd.s32 @!p0 $0x100000, s0  }
0xeb: {  	[sflag:s0] =	ssyncadd.tile.s32 @!p0 $0x1;
	_ =	shalt  }
.Lfunc_end2:
_tile_overlayer_lowered:
.L_overlay_start_2:
0xec: {  	(tag) =	ssettag $0x2  }
0xed: {  	s0 =	rddreg [dreg:$0x0];
	s2 =	stileid.u32  }
0xee: {  	s1 =	rddreg [dreg:$0x1];
	p0 =	sne.s32 s2, $0x0  }
0xef: {  	s3 =	rddreg [dreg:$0x2];
	[bflag:$0x3] =	sbarrier.arrive $0xFFFF;
	s2 =	simm.s32 @!p0 $0x1C11  }
0xf0: {  	[timem:s3], [sflag:s2] =	dma.local @!p0 [hbm:s0], s1  }
0xf1: {  	s0 =	simm.s32 @!p0 $0x11  }
0xf2: {  	_ =	swait.ge @!p0 [sflag:s0], s1  }
0xf3: {  	s1 =	ssub.s32 @!p0 $0x0, s1;
	[sflag:s0] =	ssyncset.done @!p0 $0x0  }
0xf4: {  	[sflag:s0] =	ssyncadd.s32 @!p0 s1  }
0xf5: {  	[bflag:$0x3] =	sbarrier.arrive $0xFFFF  }
0xf6: {  	_ =	shalt  }

// kernel: kernel.14.cloned.1.call-start
scs
__scs_entry_jumppad:
0x0: {  	(pc) =	sbr.rel $0x88, $3  }
0x1: {  	(tag) =	ssettag $0x0;
	lr =	simm.s32 $0x1  }
0x2: {  	[smem:$0x3F9B] =	sst lr;
	_ =	strace $0xD0000000  }
0x3: {  	_ = 	snop  }
0x4: {  	_ = 	snop  }
0x5: {  	_ = 	snop  }
0x6: {  	_ = 	snop  }
0x7: {  	_ = 	snop  }
__scs_overlays_trampoline_lowered:
0x8: {  	[smem:$0x3FAA] =	sst s0  }
0x9: {  	[smem:$0x3FAB] =	sst s1  }
0xa: {  	[smem:$0x3FAC] =	sst s2  }
0xb: {  	[smem:$0x3FAD] =	sst s3  }
0xc: {  	[smem:$0x3FAE] =	sst s4  }
0xd: {  	[smem:$0x3FAF] =	sst s5  }
0xe: {  	[smem:$0x3FB0] =	sst s6  }
0xf: {  	[smem:$0x3FB1] =	sst s7  }
0x10: {  	[smem:$0x3FB2] =	sst s8  }
0x11: {  	[smem:$0x3FB3] =	sst s9;
	s0 =	simm.s32 @!p0 $0x0  }
0x12: {  	s1 =	sld [smem:$0x3F99];
	s0 =	simm.s32 @p0 $0x1  }
0x13: {  	[smem:$0x3FB4] =	sst s0;
	s0 =	simm.s32 @!p1 $0x0  }
0x14: {  	s2 =	sld [smem:$0x3F98];
	s0 =	simm.s32 @p1 $0x1  }
0x15: {  	[smem:$0x3FB5] =	sst s0;
	s0 =	simm.s32 @!p2 $0x0  }
0x16: {  	s3 =	sld [smem:$0x3FDB];
	s0 =	simm.s32 @p2 $0x1  }
0x17: {  	s4 =	simm.s32 $0x1BF5;
	[smem:$0x3FB7] =	sst s0  }
0x18: {  	s0 =	sld [smem:$0x3F9A];
	_ =	swait.ge [sflag:s4], $0x0  }
0x19: {  	s7 =	sld [smem:$0x3F9B]  }
0x1a: {  	s8 =	sadd.s32 $0xFFFFE003, lr  }
0x1b: {  	s9 =	sadd.s32 $0xFFFFFEF7, lr;
	s5 =	simm.s32 $0xFFFFFFFF;
	p2 =	slt.u32 s8, $0xFFFFF086  }
0x1c: {  	p1 =	slt.u32 s9, $0xF7A;
	s5 =	simm.s32 @!p2 $0x0  }
0x1d: {  	s5 =	simm.s32 @p1 $0x1;
	p0 =	seq.s32 s7, s2  }
0x1e: {  	s7 =	smul.u32 @!p0 $0xF7A, s2;
	p2 =	seq.s32 @!p0 s5, $0x0  }
0x1f: {  	s9 =	smul.u32 $0xF7A, s1;
	s8 =	simm.s32 @!p0 $0x1BF5;
	p2 =	por !p2, p0  }
0x20: {  	[sflag:s8] =	ssyncset.s32 @!p0 $0xFFFFF086;
	s6 =	sadd.s32 @!p0 s3, s7;
	s7 =	simm.s32 @!p0 $0x108  }
0x21: {  	s3 =	sadd.s32 s3, s9;
	s6 =	sadd.s32 @!p0 $0x88, s6;
	s7 =	simm.s32 @p2 $0x1082  }
0x22: {  	[simem:s7], [sflag:s8] =	dma.local @!p0 [hbm:s6], $0xF7A  }
0x23: {  	s9 =	sor.u32 $0xD0000000, s2;
	s6 =	simm.s32 $0x108;
	_ =	swait.ge @!p0 [sflag:s8], $0x0  }
0x24: {  	s3 =	sadd.s32 $0x88, s3;
	s6 =	simm.s32 @!p1 $0x1082;
	[sflag:s4] =	ssyncset.s32 $0xFFFFF086  }
0x25: {  	[simem:s6], [sflag:s4] =	dma.local [hbm:s3], $0xF7A  }
0x26: {  	[smem:$0x3F9B] =	sst s1;
	(tag) =	ssettag s2;
	_ =	strace s9  }
0x27: {  	s1 =	sld [smem:$0x3FAB]  }
0x28: {  	s2 =	sld [smem:$0x3FAC]  }
0x29: {  	s4 =	sld [smem:$0x3FAE]  }
0x2a: {  	p0 =	seq.s32 s5, $0x0;
	s5 =	sld [smem:$0x3FAF]  }
0x2b: {  	s6 =	sld [smem:$0x3FB0]  }
0x2c: {  	s7 =	sld [smem:$0x3FB1]  }
0x2d: {  	s3 =	simm.s32 $0x108;
	s8 =	sld [smem:$0x3FB2]  }
0x2e: {  	s3 =	simm.s32 @!p0 $0x1082;
	s9 =	sld [smem:$0x3FB3]  }
0x2f: {  	lr =	sadd.s32 s0, s3;
	s0 =	sld [smem:$0x3FAA]  }
0x30: {  	s3 =	sld [smem:$0x3FAD]  }
0x31: {  	[smem:$0x3FB6] =	sst s10  }
0x32: {  	s10 =	sld [smem:$0x3FB4];
	_ =	sdelay $0x3  }
0x33: {  	p0 =	seq.s32 s10, $0x1;
	s10 =	sld [smem:$0x3FB6];
	_ =	sdelay $0x3  }
0x34: {  	[smem:$0x3FB6] =	sst s10  }
0x35: {  	s10 =	sld [smem:$0x3FB5];
	_ =	sdelay $0x3  }
0x36: {  	p1 =	seq.s32 s10, $0x1;
	s10 =	sld [smem:$0x3FB6];
	_ =	sdelay $0x3  }
0x37: {  	[smem:$0x3FB6] =	sst s10  }
0x38: {  	s10 =	sld [smem:$0x3FB7]  }
0x39: {  	_ = 	snop;
	(pc) =	sbr.ind lr, $3  }
0x3a: {  	_ = 	snop  }
0x3b: {  	_ = 	snop  }
0x3c: {  	p2 =	seq.s32 s10, $0x1;
	s10 =	sld [smem:$0x3FB6]  }
0x3d: {  	_ =	shalt  }
0x3e: {  	_ =	shalt  }
0x3f: {  	_ =	shalt  }
0x40: {  	_ =	shalt  }
0x41: {  	_ =	shalt  }
0x42: {  	_ =	shalt  }
0x43: {  	_ =	shalt  }
0x44: {  	_ =	shalt  }
0x45: {  	_ =	shalt  }
0x46: {  	_ =	shalt  }
0x47: {  	_ =	shalt  }
0x48: {  	_ =	shalt  }
0x49: {  	_ =	shalt  }
0x4a: {  	_ =	shalt  }
0x4b: {  	_ =	shalt  }
0x4c: {  	_ =	shalt  }
0x4d: {  	_ =	shalt  }
0x4e: {  	_ =	shalt  }
0x4f: {  	_ =	shalt  }
0x50: {  	_ =	shalt  }
0x51: {  	_ =	shalt  }
0x52: {  	_ =	shalt  }
0x53: {  	_ =	shalt  }
0x54: {  	_ =	shalt  }
0x55: {  	_ =	shalt  }
0x56: {  	_ =	shalt  }
0x57: {  	_ =	shalt  }
0x58: {  	_ =	shalt  }
0x59: {  	_ =	shalt  }
0x5a: {  	_ =	shalt  }
0x5b: {  	_ =	shalt  }
0x5c: {  	_ =	shalt  }
0x5d: {  	_ =	shalt  }
0x5e: {  	_ =	shalt  }
0x5f: {  	_ =	shalt  }
0x60: {  	_ =	shalt  }
0x61: {  	_ =	shalt  }
0x62: {  	_ =	shalt  }
0x63: {  	_ =	shalt  }
0x64: {  	_ =	shalt  }
0x65: {  	_ =	shalt  }
0x66: {  	_ =	shalt  }
0x67: {  	_ =	shalt  }
0x68: {  	_ =	shalt  }
0x69: {  	_ =	shalt  }
0x6a: {  	_ =	shalt  }
0x6b: {  	_ =	shalt  }
0x6c: {  	_ =	shalt  }
0x6d: {  	_ =	shalt  }
0x6e: {  	_ =	shalt  }
0x6f: {  	_ =	shalt  }
0x70: {  	_ =	shalt  }
0x71: {  	_ =	shalt  }
0x72: {  	_ =	shalt  }
0x73: {  	_ =	shalt  }
0x74: {  	_ =	shalt  }
0x75: {  	_ =	shalt  }
0x76: {  	_ =	shalt  }
0x77: {  	_ =	shalt  }
0x78: {  	_ =	shalt  }
0x79: {  	_ =	shalt  }
0x7a: {  	_ =	shalt  }
0x7b: {  	_ =	shalt  }
0x7c: {  	_ =	shalt  }
0x7d: {  	_ =	shalt  }
0x7e: {  	_ =	shalt  }
0x7f: {  	_ =	shalt  }
0x80: {  	_ =	shalt  }
0x81: {  	_ =	shalt  }
0x82: {  	_ =	shalt  }
0x83: {  	_ =	shalt  }
0x84: {  	_ =	shalt  }
0x85: {  	_ =	shalt  }
0x86: {  	_ =	shalt  }
0x87: {  	_ =	shalt  }
.Lfunc_end0:
.L_simem_size_0:
called_computation.2_lowered:
.L_overlay_start_0:
0x88: {  	s2 =	sld [smem:$0x3FD9]  }
0x89: {  	s3 =	sld [smem:$0x3FFE];
	_ =	sdelay $0x1  }
0x8a: {  	s1 =	srdreg.scid  }
0x8b: {  	s0 =	sand.u32 $0x1, s1  }
0x8c: {  	s17 =	sshll.u32 s0, $0xA;
	s2 =	sadd.s32 s3, s2  }
0x8d: {  	s2 =	sadd.s32 s2, s17  }
0x8e: {  	[smem:$0x3FC2] =	sst s2  }
0x8f: {  	_ = 	snop  }
0x90: {  	s2 =	sld [smem:$0x3FD0];
	(tm) =	ssettm $0x1  }
0x91: {  	s18 =	sld [smem:$0x3FFB];
	_ =	sdelay $0x3  }
0x92: {  	_ =	strace s18  }
0x93: {  	s3 =	sld [smem:$0x3FFC];
	_ =	sdelay $0x3  }
0x94: {  	_ =	strace s3  }
0x95: {  	s3 =	sld [smem:$0x3FFD];
	_ =	sdelay $0x3  }
0x96: {  	_ =	strace s3  }
0x97: {  	_ =	strace $0x8FFFFFFF  }
0x98: {  	s19 =	sld [smem:$0x3FDB];
	_ =	sdelay $0x1  }
0x99: {  	s4 =	simm.s32 $_scs_section_size  }
0x9a: {  	s5 =	simm.s32 $_size__tile_overlayer_lowered;
	s6 =	simm.s32 $_tile_overlayer_lowered  }
0x9b: {  	s22 =	simm.s32 $0x1BFF;
	s21 =	sshll.u32 s6, $0x1;
	s3 =	sadd.s32 s4, s19  }
0x9c: {  	s7 =	simm.s32 $0x0;
	s20 =	sshll.u32 s5, $0x1;
	s5 =	sadd.s32 s21, s3  }
0x9d: {  	[timem:s7], [sflag:s22] =	dma.local [hbm:s5], s20  }
0x9e: {  	_ =	swait.ge [sflag:s22], s20  }
0x9f: {  	s4 =	ssub.s32 $0x0, s20;
	[sflag:s22] =	ssyncset.done $0x0  }
0xa0: {  	[sflag:s22] =	ssyncadd.s32 s4;
	_ =	sdelay $0x1  }
0xa1: {  	s23 =	simm.s32 $0x1B8B  }
0xa2: {  	_ =	swait.ge [sflag:s23], $0x1  }
0xa3: {  	[sflag:s23] =	ssyncset.done $0x0  }
0xa4: {  	s25 =	simm.s32 $0x1B8E;
	s24 =	sld [smem:$0x3FFE];
	[sflag:s23] =	ssyncadd.s32 $0xFFFFFFFF  }
0xa5: {  	s26 =	simm.s32 $execute0_lowered;
	[smem:$0x3FD2] =	sst s25  }
0xa6: {  	s5 =	sshll.u32 s26, $0x1;
	_ =	strace $0x8000004C;
	[dreg:$0x1] =	wrdreg $0xFFFFFFFF  }
0xa7: {  	s28 =	simm.s32 $_size_execute0_lowered;
	s3 =	sadd.s32 s3, s5;
	[dreg:$0x0] =	wrdreg $0x0  }
0xa8: {  	s5 =	sshll.u32 s28, $0x1;
	[dreg:$0x2] =	wrdreg s3  }
0xa9: {  	[dreg:$0x3] =	wrdreg s5  }
0xaa: {  	[dreg:$0x4] =	wrdreg $0xC0  }
0xab: {  	_ =	task [dreg:s7], $0x5FFFF  }
0xac: {  	[dreg:$0x1] =	wrdreg $0xFFFFFFFF  }
0xad: {  	[dreg:$0x0] =	wrdreg $0x60  }
0xae: {  	[dreg:$0x2] =	wrdreg s2  }
0xaf: {  	[dreg:$0x3] =	wrdreg s24  }
0xb0: {  	[dreg:$0x4] =	wrdreg $0x80200  }
0xb1: {  	[dreg:$0x5] =	wrdreg $0x9  }
0xb2: {  	_ =	task.clear_ibuf [dreg:s7], $0x6FFFF;
	_ =	strace $0x9000004C  }
0xb3: {  	s29 =	simm.s32 $0x9;
	_ =	strace $0x8000004E  }
0xb4: {  	_ =	swait.ge [sflag:s29], $0x1  }
0xb5: {  	[sflag:s29] =	ssyncadd.s32 $0xFFFFFFFF  }
0xb6: {  	_ =	strace $0x9000004E  }
0xb7: {  	_ =	sfence  }
0xb8: {  	s30 =	sld [smem:$0x0];
	_ =	sdelay $0x2  }
0xb9: {  	s31 =	sshll.u32 s1, $0xD;
	s1 =	sshrl.u32 s1, $0x2  }
0xba: {  	s3 =	sand.u32 $0x4000, s31;
	s1 =	sadd.s32 s1, s30  }
0xbb: {  	s0 =	sor.u32 s3, s0;
	s1 =	sshll.u32 s1, $0x11  }
0xbc: {  	s0 =	sor.u32 s1, s0  }
0xbd: {  	s0 =	sadd.s32 $0x8F2B, s0  }
0xbe: {  	[sflag:s0] =	ssyncadd.remote.s32 $0x1  }
0xbf: {  	_ =	sfence.sel $0xFFFF  }
0xc0: {  	[dreg:$0x0] =	wrdreg $0xFFFFFFFF;
	(pc) =	sbr.abs _section_cstart, $3  }
0xc1: {  	[dreg:$0x1] =	wrdreg $0xFFFFFFFF  }
0xc2: {  	_ =	task.clear_ibuf [dreg:s7], $0x2FFFF;
	_ =	strace $0x9FFFFFFF  }
0xc3: {  	(tm) =	ssettm $0x7FFFFFFF  }
tec
execute0_lowered:
.L_overlay_start_1:
0x0: {  	(tag) =	ssettag $0x1  }
0x1: {  	s2 =	rddreg [dreg:$0x0]  }
0x2: {  	s0 =	rddreg [dreg:$0x1]  }
0x3: {  	s1 =	srdreg.scid;
	s3 =	rddreg [dreg:$0x2]  }
0x4: {  	s9 =	stileid.u32;
	s4 =	simm.s32 $0x0;
	s10 =	simm.s32 $0x15  }
0x5: {  	s13 =	simm.s32 $0x50;
	s28 =	simm.s32 $0x7120;
	s29 =	simm.s32 $0x10  }
0x6: {  	s30 =	simm.s32 $0x11;
	s31 =	simm.s32 $0x12;
	s14 =	simm.s32 $0xB  }
0x7: {  	s15 =	simm.s32 $0xC;
	s16 =	simm.s32 $0xD;
	s17 =	simm.s32 $0xE  }
0x8: {  	s18 =	simm.s32 $0xF;
	s19 =	simm.s32 $0x0;
	s1 =	sand.u32 $0x1, s1  }
0x9: {  	s8 =	smul.u32 $0x2800, s9;
	[smem:$0x7FF] =	sst s4;
	s26 =	sshll.u32 s9, $0x6  }
0xa: {  	s5 =	sshll.u32 s1, $0x4;
	s6 =	smul.u32 $0x28000, s1;
	_ =	strace $0x8000004D  }
0xb: {  	s1 =	ssub.s32 $0x2, s1;
	s11 =	sor.u32 $0x1C15, s26;
	s5 =	sor.u32 s9, s5  }
0xc: {  	s26 =	simm.s32 $0x230;
	s25 =	sshrl.u32 s1, $0x1;
	s5 =	smul.u32 $0x4E2, s5  }
.Ltmp0:
0xd: {  	s12 =	sadd.s32 s8, s3;
	s6 =	sadd.s32 s8, s6;
	(pc) =	sbr.rel .LBB2_1-.Ltmp0, $4  }
0xe: {  	s1 =	ssub.s32 s1, s25;
	s12 =	sshrl.u32 s12, $0x3;
	s6 =	sshrl.u32 s6, $0x3  }
0xf: {  	s9 =	smax.u32 s1, $0x1;
	s1 =	simm.s32 $0x14;
	s7 =	sadd.s32 s5, s0  }
0x10: {  	s5 =	sadd.s32 $0x15200, s0;
	s0 =	sadd.s32 s6, s0;
	s6 =	sadd.s32 $0xB400, s7  }
0x11: {  	s7 =	sadd.s32 $0x1600, s7;
	s8 =	sadd.s32 $0x15800, s0;
	s0 =	simm.s32 $0x13  }
.LBB2_10:
0x12: {  	_ =	swait.ge [sflag:s29], $0x500  }
0x13: {  	[sflag:s29] =	ssyncset.done $0x0  }
0x14: {  	[sflag:s29] =	ssyncadd.s32 $0xFFFFFB00  }
0x15: {  	_ =	swait.ge [sflag:s30], $0x500  }
0x16: {  	[sflag:s30] =	ssyncset.done $0x0  }
0x17: {  	[sflag:s30] =	ssyncadd.s32 $0xFFFFFB00  }
0x18: {  	_ =	swait.ge [sflag:s31], $0x500  }
0x19: {  	[sflag:s31] =	ssyncset.done $0x0  }
0x1a: {  	[sflag:s31] =	ssyncadd.s32 $0xFFFFFB00  }
0x1b: {  	_ =	swait.ge [sflag:s0], $0x500  }
0x1c: {  	[sflag:s0] =	ssyncset.done $0x0  }
0x1d: {  	[sflag:s0] =	ssyncadd.s32 $0xFFFFFB00  }
0x1e: {  	_ =	swait.ge [sflag:s1], $0x500  }
0x1f: {  	[sflag:s1] =	ssyncset.done $0x0  }
0x20: {  	[sflag:s1] =	ssyncadd.s32 $0xFFFFFB00  }
0x21: {  	_ =	swait.ge [sflag:s14], $0x500  }
0x22: {  	[sflag:s14] =	ssyncset.done $0x0  }
0x23: {  	[sflag:s14] =	ssyncadd.s32 $0xFFFFFB00  }
0x24: {  	_ =	swait.ge [sflag:s15], $0x500  }
0x25: {  	[sflag:s15] =	ssyncset.done $0x0  }
0x26: {  	[sflag:s15] =	ssyncadd.s32 $0xFFFFFB00  }
0x27: {  	_ =	swait.ge [sflag:s16], $0x500  }
0x28: {  	[sflag:s16] =	ssyncset.done $0x0  }
0x29: {  	[sflag:s16] =	ssyncadd.s32 $0xFFFFFB00  }
0x2a: {  	_ =	swait.ge [sflag:s17], $0x500  }
0x2b: {  	[sflag:s17] =	ssyncset.done $0x0  }
0x2c: {  	[sflag:s17] =	ssyncadd.s32 $0xFFFFFB00  }
0x2d: {  	_ =	swait.ge [sflag:s18], $0x500  }
0x2e: {  	s19 =	sadd.s32 $0x1, s19;
	[sflag:s18] =	ssyncset.done $0x0  }
0x2f: {  	p0 =	sne.s32 s19, s9;
	[sflag:s18] =	ssyncadd.s32 $0xFFFFFB00  }
.Ltmp1:
0x30: {  	[bflag:$0x0] =	sbarrier.arrive $0xFFFF;
	(pc) =	sbr.rel @!p0 .LBB2_11-.Ltmp1, $4  }
0x31: {  	[hbm:s8], [sflag:s11] =	dma.local [spmem:s12], $0x500  }
0x32: {  	_ =	swait.ge [sflag:s10], $0x500  }
0x33: {  	[sflag:s10] =	ssyncset.done $0x0  }
0x34: {  	[sflag:s10] =	ssyncadd.s32 $0xFFFFFB00  }
.LBB2_1:
0x35: {  	[tilespmem:s4], [sflag:$0x15] =	stream.linear.gather [hbm4b:s6+s4], $0x2710, $0x38;
	[tilespmem:$0xA820] =	vst v63  }
0x36: {  	_ =	swait.ge [sflag:s10], $0x2710  }
0x37: {  	[sflag:s10] =	ssyncset.done $0x0  }
0x38: {  	s20 =	simm.s32 $0x2710;
	[sflag:s10] =	ssyncadd.s32 $0xFFFFD8F0  }
0x39: {  	[tilespmem:s20], [sflag:$0x15] =	stream.linear.gather [hbm4b:s7+s4], $0x2710, $0x38;
	[tilespmem:$0xA820] =	vst v63  }
0x3a: {  	_ =	swait.ge [sflag:s10], $0x2710  }
0x3b: {  	[sflag:s10] =	ssyncset.done $0x0  }
0x3c: {  	[sflag:s10] =	ssyncadd.s32 $0xFFFFD8F0  }
0x3d: {  	[spmem:s12], [sflag:s11] =	dma.local [hbm:s5], $0x500  }
0x3e: {  	_ =	swait.ge [sflag:s10], $0x500  }
0x3f: {  	[sflag:s10] =	ssyncset.done $0x0  }
0x40: {  	[sflag:s10] =	ssyncadd.s32 $0xFFFFFB00  }
0x41: {  	s21 =	simm.s32 $0x4E20;
	[bflag:$0x0] =	sbarrier.arrive $0xFFFF  }
0x42: {  	[tilespmem:s21], [sflag:$0x1] =	stream.indirect.gather [hbm4b:s2+s13], $0x10, s4, s13, $0xb8;
	[tilespmem:$0xA820] =	vst v63  }
0x43: {  	s24 =	simm.s32 $0x5320  }
0x44: {  	[tilespmem:s24], [sflag:$0x2] =	stream.indirect.gather [hbm4b:s2+s13], $0x10, s13, s13, $0xb8;
	[tilespmem:$0xA820] =	vst v63  }
0x45: {  	s25 =	simm.s32 $0xA0;
	s22 =	simm.s32 $0x5820  }
0x46: {  	[tilespmem:s22], [sflag:$0x3] =	stream.indirect.gather [hbm4b:s2+s13], $0x10, s25, s13, $0xb8;
	[tilespmem:$0xA820] =	vst v63  }
0x47: {  	s23 =	simm.s32 $0x5D20;
	s22 =	simm.s32 $0xF0  }
0x48: {  	[tilespmem:s23], [sflag:$0x4] =	stream.indirect.gather [hbm4b:s2+s13], $0x10, s22, s13, $0xb8;
	[tilespmem:$0xA820] =	vst v63  }
0x49: {  	s24 =	simm.s32 $0x140;
	s25 =	simm.s32 $0x6220  }
0x4a: {  	[tilespmem:s25], [sflag:$0x5] =	stream.indirect.gather [hbm4b:s2+s13], $0x10, s24, s13, $0xb8;
	[tilespmem:$0xA820] =	vst v63  }
0x4b: {  	s22 =	simm.s32 $0x190;
	s23 =	simm.s32 $0x6720  }
0x4c: {  	[tilespmem:s23], [sflag:$0x6] =	stream.indirect.gather [hbm4b:s2+s13], $0x10, s22, s13, $0xb8;
	[tilespmem:$0xA820] =	vst v63  }
.Ltmp2:
0x4d: {  	_ = 	snop;
	(pc) =	sbr.rel .LBB2_2-.Ltmp2, $4  }
0x4e: {  	s24 =	simm.s32 $0x1E0;
	s25 =	simm.s32 $0x6C20  }
0x4f: {  	[tilespmem:s25], [sflag:$0x7] =	stream.indirect.gather [hbm4b:s2+s13], $0x10, s24, s13, $0xb8;
	[tilespmem:$0xA820] =	vst v63  }
0x50: {  	s21 =	simm.s32 $0x280;
	s22 =	simm.s32 $0x0  }
0x51: {  	[tilespmem:s28], [sflag:$0x8] =	stream.indirect.gather [hbm4b:s2+s13], $0x10, s26, s13, $0xb8;
	[tilespmem:$0xA820] =	vst v63  }
.LBB2_6:
0x52: {  	p0 =	sgt.s32 s23, $0x6  }
.Ltmp3:
0x53: {  	_ = 	snop;
	(pc) =	sbr.rel @!p0 .LBB2_7-.Ltmp3, $1  }
0x54: {  	_ =	sdelay $0x3  }
0x55: {  	p0 =	seq.s32 s23, $0x7  }
0x56: {  	p1 =	sgt.u32 @p0 s22, $0x74  }
0x57: {  	p1 =	por p1, !p0  }
0x58: {  	s24 =	simm.s32 @!p1 $0x10  }
0x59: {  	_ =	swait.ge @!p1 [sflag:s24], $0x500  }
0x5a: {  	[sflag:s24] =	ssyncset.done @!p1 $0x0  }
0x5b: {  	s25 =	simm.s32 @!p1 $0x6720;
	[sflag:s24] =	ssyncadd.s32 @!p1 $0xFFFFFB00;
	s24 =	simm.s32 @!p1 $0x50  }
0x5c: {  	[tilespmem:s25], [sflag:$0x6] =	stream.indirect.gather @!p1 [hbm4b:s2+s24], $0x10, s21, s24, $0xb8;
	[tilespmem:$0xA820] =	vst v63  }
0x5d: {  	s24 =	simm.s32 @p0 $0x8;
	p1 =	seq.s32 @!p0 s23, $0x8  }
0x5e: {  	_ =	swait.ge @p0 [sflag:s24], $0x500;
	p2 =	por !p1, p0  }
0x5f: {  	s25 =	simm.s32 @p0 $0x7120;
	[sflag:s24] =	ssyncset.done @p0 $0x0;
	p3 =	sgt.u32 @!p2 s22, $0x74  }
0x60: {  	[sflag:s24] =	ssyncadd.s32 @p0 $0xFFFFFB00;
	s24 =	simm.s32 @p0 $0x50;
	p3 =	por @!p0 p3, !p1  }
0x61: {  	[spmem:s3] =	stream.indirect.scatter.add.f32 @p0 [tilespmem:s25], [sflag:$0x12], $0x10, s20, s24, $0xb8;
	[tilespmem:$0xA820] =	vst v63  }
0x62: {  	p3 =	por p3, p0  }
0x63: {  	s23 =	simm.s32 @!p3 $0x11  }
0x64: {  	_ =	swait.ge @!p3 [sflag:s23], $0x500  }
0x65: {  	[sflag:s23] =	ssyncset.done @!p3 $0x0  }
0x66: {  	s24 =	simm.s32 @!p3 $0x6C20;
	[sflag:s23] =	ssyncadd.s32 @!p3 $0xFFFFFB00;
	s23 =	simm.s32 @!p3 $0x50  }
0x67: {  	[tilespmem:s24], [sflag:$0x7] =	stream.indirect.gather @!p3 [hbm4b:s2+s23], $0x10, s21, s23, $0xb8;
	[tilespmem:$0xA820] =	vst v63  }
0x68: {  	s23 =	simm.s32 @!p2 $0x9  }
0x69: {  	_ =	swait.ge @!p2 [sflag:s23], $0x500  }
0x6a: {  	[sflag:s23] =	ssyncset.done @!p2 $0x0  }
0x6b: {  	s24 =	simm.s32 @!p2 $0x7620;
	[sflag:s23] =	ssyncadd.s32 @!p2 $0xFFFFFB00;
	s23 =	simm.s32 @!p2 $0x50  }
0x6c: {  	[spmem:s3] =	stream.indirect.scatter.add.f32 @!p2 [tilespmem:s24], [sflag:$0x13], $0x10, s20, s23, $0xb8;
	[tilespmem:$0xA820] =	vst v63  }
0x6d: {  	p2 =	por p1, p0  }
0x6e: {  	p3 =	sgt.u32 @!p2 s22, $0x74  }
0x6f: {  	p1 =	por @!p0 p3, p1  }
0x70: {  	p0 =	por p1, p0  }
0x71: {  	s23 =	simm.s32 @!p0 $0x12  }
0x72: {  	_ =	swait.ge @!p0 [sflag:s23], $0x500  }
0x73: {  	[sflag:s23] =	ssyncset.done @!p0 $0x0  }
0x74: {  	s24 =	simm.s32 @!p0 $0x7120;
	[sflag:s23] =	ssyncadd.s32 @!p0 $0xFFFFFB00;
	s23 =	simm.s32 @!p0 $0x50  }
0x75: {  	[tilespmem:s24], [sflag:$0x8] =	stream.indirect.gather @!p0 [hbm4b:s2+s23], $0x10, s21, s23, $0xb8;
	[tilespmem:$0xA820] =	vst v63  }
0x76: {  	s23 =	simm.s32 @!p2 $0xA  }
0x77: {  	_ =	swait.ge @!p2 [sflag:s23], $0x500  }
0x78: {  	[sflag:s23] =	ssyncset.done @!p2 $0x0  }
0x79: {  	s24 =	simm.s32 @!p2 $0x7B20;
	[sflag:s23] =	ssyncadd.s32 @!p2 $0xFFFFFB00;
	s23 =	simm.s32 @!p2 $0x50  }
0x7a: {  	[spmem:s3] =	stream.indirect.scatter.add.f32 @!p2 [tilespmem:s24], [sflag:$0x14], $0x10, s20, s23, $0xb8;
	[tilespmem:$0xA820] =	vst v63  }
.LBB2_9:
0x7b: {  	s22 =	sadd.s32 $0x1, s22  }
0x7c: {  	p0 =	sne.s32 s22, $0x7D  }
.Ltmp4:
0x7d: {  	_ = 	snop;
	(pc) =	sbr.rel @!p0 .LBB2_10-.Ltmp4, $2  }
0x7e: {  	_ =	sdelay $0x2  }
0x7f: {  	s20 =	sadd.s32 $0x50, s20;
	s21 =	sadd.s32 $0x50, s21  }
.LBB2_2:
0x80: {  	s23 =	smul.u32 $0xCD, s22;
	_ =	sdelay $0x1  }
0x81: {  	s23 =	sshrl.u32 s23, $0xB  }
0x82: {  	s23 =	sand.u32 $0x1F, s23  }
0x83: {  	s23 =	smul.u32 $0xA, s23;
	_ =	sdelay $0x1  }
0x84: {  	s23 =	ssub.s32 s22, s23  }
0x85: {  	s23 =	sand.u32 $0xFF, s23  }
0x86: {  	p0 =	sgt.s32 s23, $0x4  }
.Ltmp5:
0x87: {  	_ = 	snop;
	(pc) =	sbr.rel @p0 .LBB2_6-.Ltmp5, $1  }
0x88: {  	_ =	sdelay $0x3  }
0x89: {  	p0 =	sgt.s32 s23, $0x1  }
.Ltmp6:
0x8a: {  	_ = 	snop;
	(pc) =	sbr.rel @!p0 .LBB2_4-.Ltmp6, $1  }
0x8b: {  	_ =	sdelay $0x3  }
0x8c: {  	p0 =	seq.s32 s23, $0x2  }
0x8d: {  	p1 =	sgt.u32 @p0 s22, $0x74  }
0x8e: {  	p1 =	por p1, !p0  }
0x8f: {  	s24 =	simm.s32 @!p1 $0xB  }
0x90: {  	_ =	swait.ge @!p1 [sflag:s24], $0x500  }
0x91: {  	[sflag:s24] =	ssyncset.done @!p1 $0x0  }
0x92: {  	s25 =	simm.s32 @!p1 $0x4E20;
	[sflag:s24] =	ssyncadd.s32 @!p1 $0xFFFFFB00;
	s24 =	simm.s32 @!p1 $0x50  }
0x93: {  	[tilespmem:s25], [sflag:$0x1] =	stream.indirect.gather @!p1 [hbm4b:s2+s24], $0x10, s21, s24, $0xb8;
	[tilespmem:$0xA820] =	vst v63  }
0x94: {  	s24 =	simm.s32 @p0 $0x3;
	p1 =	seq.s32 @!p0 s23, $0x3  }
0x95: {  	_ =	swait.ge @p0 [sflag:s24], $0x500;
	p2 =	por !p1, p0  }
0x96: {  	s25 =	simm.s32 @p0 $0x5820;
	[sflag:s24] =	ssyncset.done @p0 $0x0;
	p3 =	sgt.u32 @!p2 s22, $0x74  }
0x97: {  	[sflag:s24] =	ssyncadd.s32 @p0 $0xFFFFFB00;
	s24 =	simm.s32 @p0 $0x50;
	p3 =	por @!p0 p3, !p1  }
0x98: {  	[spmem:s3] =	stream.indirect.scatter.add.f32 @p0 [tilespmem:s25], [sflag:$0xD], $0x10, s20, s24, $0xb8;
	[tilespmem:$0xA820] =	vst v63  }
0x99: {  	p3 =	por p3, p0  }
0x9a: {  	s23 =	simm.s32 @!p3 $0xC  }
0x9b: {  	_ =	swait.ge @!p3 [sflag:s23], $0x500  }
0x9c: {  	[sflag:s23] =	ssyncset.done @!p3 $0x0  }
0x9d: {  	s24 =	simm.s32 @!p3 $0x5320;
	[sflag:s23] =	ssyncadd.s32 @!p3 $0xFFFFFB00;
	s23 =	simm.s32 @!p3 $0x50  }
0x9e: {  	[tilespmem:s24], [sflag:$0x2] =	stream.indirect.gather @!p3 [hbm4b:s2+s23], $0x10, s21, s23, $0xb8;
	[tilespmem:$0xA820] =	vst v63  }
0x9f: {  	s23 =	simm.s32 @!p2 $0x4  }
0xa0: {  	_ =	swait.ge @!p2 [sflag:s23], $0x500  }
0xa1: {  	[sflag:s23] =	ssyncset.done @!p2 $0x0  }
0xa2: {  	s24 =	simm.s32 @!p2 $0x5D20;
	[sflag:s23] =	ssyncadd.s32 @!p2 $0xFFFFFB00;
	s23 =	simm.s32 @!p2 $0x50  }
0xa3: {  	[spmem:s3] =	stream.indirect.scatter.add.f32 @!p2 [tilespmem:s24], [sflag:$0xE], $0x10, s20, s23, $0xb8;
	[tilespmem:$0xA820] =	vst v63  }
0xa4: {  	p2 =	por p1, p0  }
0xa5: {  	p3 =	sgt.u32 @!p2 s22, $0x74  }
0xa6: {  	p1 =	por @!p0 p3, p1  }
0xa7: {  	p0 =	por p1, p0  }
0xa8: {  	s23 =	simm.s32 @!p0 $0xD  }
0xa9: {  	_ =	swait.ge @!p0 [sflag:s23], $0x500  }
0xaa: {  	[sflag:s23] =	ssyncset.done @!p0 $0x0  }
0xab: {  	s24 =	simm.s32 @!p0 $0x5820;
	[sflag:s23] =	ssyncadd.s32 @!p0 $0xFFFFFB00;
	s23 =	simm.s32 @!p0 $0x50  }
0xac: {  	[tilespmem:s24], [sflag:$0x3] =	stream.indirect.gather @!p0 [hbm4b:s2+s23], $0x10, s21, s23, $0xb8;
	[tilespmem:$0xA820] =	vst v63  }
.Ltmp7:
0xad: {  	s23 =	simm.s32 @!p2 $0x5;
	(pc) =	sbr.rel .LBB2_9-.Ltmp7, $4  }
0xae: {  	_ =	swait.ge @!p2 [sflag:s23], $0x500  }
0xaf: {  	[sflag:s23] =	ssyncset.done @!p2 $0x0  }
0xb0: {  	s24 =	simm.s32 @!p2 $0x6220;
	[sflag:s23] =	ssyncadd.s32 @!p2 $0xFFFFFB00;
	s23 =	simm.s32 @!p2 $0x50  }
0xb1: {  	[spmem:s3] =	stream.indirect.scatter.add.f32 @!p2 [tilespmem:s24], [sflag:$0xF], $0x10, s20, s23, $0xb8;
	[tilespmem:$0xA820] =	vst v63  }
.LBB2_7:
0xb2: {  	p0 =	seq.s32 s23, $0x5  }
0xb3: {  	p1 =	sgt.u32 @p0 s22, $0x74  }
0xb4: {  	p1 =	por p1, !p0  }
0xb5: {  	s23 =	simm.s32 @!p1 $0xE  }
0xb6: {  	_ =	swait.ge @!p1 [sflag:s23], $0x500  }
0xb7: {  	[sflag:s23] =	ssyncset.done @!p1 $0x0  }
0xb8: {  	s24 =	simm.s32 @!p1 $0x5D20;
	[sflag:s23] =	ssyncadd.s32 @!p1 $0xFFFFFB00;
	s23 =	simm.s32 @!p1 $0x50  }
0xb9: {  	[tilespmem:s24], [sflag:$0x4] =	stream.indirect.gather @!p1 [hbm4b:s2+s23], $0x10, s21, s23, $0xb8;
	[tilespmem:$0xA820] =	vst v63  }
0xba: {  	s23 =	simm.s32 @p0 $0x6  }
0xbb: {  	_ =	swait.ge @p0 [sflag:s23], $0x500  }
0xbc: {  	s24 =	simm.s32 @p0 $0x6720;
	p1 =	sgt.u32 @!p0 s22, $0x74;
	[sflag:s23] =	ssyncset.done @p0 $0x0  }
0xbd: {  	p1 =	por p1, p0;
	[sflag:s23] =	ssyncadd.s32 @p0 $0xFFFFFB00;
	s23 =	simm.s32 @p0 $0x50  }
0xbe: {  	[spmem:s3] =	stream.indirect.scatter.add.f32 @p0 [tilespmem:s24], [sflag:$0x10], $0x10, s20, s23, $0xb8;
	[tilespmem:$0xA820] =	vst v63  }
0xbf: {  	s23 =	simm.s32 @!p1 $0xF  }
0xc0: {  	_ =	swait.ge @!p1 [sflag:s23], $0x500  }
0xc1: {  	[sflag:s23] =	ssyncset.done @!p1 $0x0  }
0xc2: {  	s24 =	simm.s32 @!p1 $0x6220;
	[sflag:s23] =	ssyncadd.s32 @!p1 $0xFFFFFB00;
	s23 =	simm.s32 @!p1 $0x50  }
0xc3: {  	[tilespmem:s24], [sflag:$0x5] =	stream.indirect.gather @!p1 [hbm4b:s2+s23], $0x10, s21, s23, $0xb8;
	[tilespmem:$0xA820] =	vst v63  }
.Ltmp8:
0xc4: {  	s23 =	simm.s32 @!p0 $0x7;
	(pc) =	sbr.rel .LBB2_9-.Ltmp8, $4  }
0xc5: {  	_ =	swait.ge @!p0 [sflag:s23], $0x500  }
0xc6: {  	[sflag:s23] =	ssyncset.done @!p0 $0x0  }
0xc7: {  	s24 =	simm.s32 @!p0 $0x6C20;
	[sflag:s23] =	ssyncadd.s32 @!p0 $0xFFFFFB00;
	s23 =	simm.s32 @!p0 $0x50  }
0xc8: {  	[spmem:s3] =	stream.indirect.scatter.add.f32 @!p0 [tilespmem:s24], [sflag:$0x11], $0x10, s20, s23, $0xb8;
	[tilespmem:$0xA820] =	vst v63  }
.LBB2_4:
0xc9: {  	p0 =	seq.s32 s23, $0x0  }
0xca: {  	p1 =	sgt.u32 @p0 s22, $0x74  }
0xcb: {  	p2 =	por p1, !p0  }
0xcc: {  	p3 =	slt.u32 @!p2 s22, $0x2  }
0xcd: {  	p1 =	por @p0 p3, p1  }
0xce: {  	p1 =	por p1, !p0  }
0xcf: {  	s23 =	simm.s32 @!p1 $0x13  }
0xd0: {  	_ =	swait.ge @!p1 [sflag:s23], $0x500  }
0xd1: {  	s24 =	simm.s32 @!p2 $0x7620;
	[sflag:s23] =	ssyncset.done @!p1 $0x0  }
0xd2: {  	[sflag:s23] =	ssyncadd.s32 @!p1 $0xFFFFFB00;
	s23 =	simm.s32 @!p2 $0x50;
	p1 =	sgt.u32 @!p0 s22, $0x74  }
0xd3: {  	[tilespmem:s24], [sflag:$0x9] =	stream.indirect.gather @!p2 [hbm4b:s2+s23], $0x10, s21, s23, $0xb8;
	[tilespmem:$0xA820] =	vst v63  }
0xd4: {  	s23 =	simm.s32 @p0 $0x1;
	p2 =	por p1, p0  }
0xd5: {  	_ =	swait.ge @p0 [sflag:s23], $0x500;
	p3 =	slt.u32 @!p2 s22, $0x2  }
0xd6: {  	s24 =	simm.s32 @p0 $0x4E20;
	[sflag:s23] =	ssyncset.done @p0 $0x0;
	p1 =	por @!p0 p3, p1  }
0xd7: {  	[sflag:s23] =	ssyncadd.s32 @p0 $0xFFFFFB00;
	s23 =	simm.s32 @p0 $0x50;
	p1 =	por p1, p0  }
0xd8: {  	[spmem:s3] =	stream.indirect.scatter.add.f32 @p0 [tilespmem:s24], [sflag:$0xB], $0x10, s20, s23, $0xb8;
	[tilespmem:$0xA820] =	vst v63  }
0xd9: {  	s23 =	simm.s32 @!p1 $0x14  }
0xda: {  	_ =	swait.ge @!p1 [sflag:s23], $0x500  }
0xdb: {  	[sflag:s23] =	ssyncset.done @!p1 $0x0  }
0xdc: {  	s24 =	simm.s32 @!p2 $0x7B20;
	[sflag:s23] =	ssyncadd.s32 @!p1 $0xFFFFFB00;
	s23 =	simm.s32 @!p2 $0x50  }
0xdd: {  	[tilespmem:s24], [sflag:$0xA] =	stream.indirect.gather @!p2 [hbm4b:s2+s23], $0x10, s21, s23, $0xb8;
	[tilespmem:$0xA820] =	vst v63  }
.Ltmp9:
0xde: {  	s23 =	simm.s32 @!p0 $0x2;
	(pc) =	sbr.rel .LBB2_9-.Ltmp9, $4  }
0xdf: {  	_ =	swait.ge @!p0 [sflag:s23], $0x500  }
0xe0: {  	[sflag:s23] =	ssyncset.done @!p0 $0x0  }
0xe1: {  	s24 =	simm.s32 @!p0 $0x5320;
	[sflag:s23] =	ssyncadd.s32 @!p0 $0xFFFFFB00;
	s23 =	simm.s32 @!p0 $0x50  }
0xe2: {  	[spmem:s3] =	stream.indirect.scatter.add.f32 @!p0 [tilespmem:s24], [sflag:$0xC], $0x10, s20, s23, $0xb8;
	[tilespmem:$0xA820] =	vst v63  }
.LBB2_11:
0xe3: {  	_ =	sfence.sel $0x180000  }
0xe4: {  	[bflag:$0x0] =	sbarrier.arrive $0xFFFF  }
0xe5: {  	_ =	strace $0x9000004D  }
0xe6: {  	s0 =	stileid.u32;
	[bflag:$0x2] =	sbarrier.arrive $0xFFFF  }
0xe7: {  	p0 =	sne.s32 s0, $0x0;
	s0 =	rddreg [dreg:$0x3]  }
0xe8: {  	s0 =	sadd.s32 @!p0 $0x100000, s0  }
0xe9: {  	[sflag:s0] =	ssyncadd.tile.s32 @!p0 $0x1;
	_ =	shalt  }
.Lfunc_end2:
_tile_overlayer_lowered:
.L_overlay_start_2:
0xea: {  	(tag) =	ssettag $0x2  }
0xeb: {  	s0 =	rddreg [dreg:$0x0];
	s2 =	stileid.u32  }
0xec: {  	s1 =	rddreg [dreg:$0x1];
	p0 =	sne.s32 s2, $0x0  }
0xed: {  	s3 =	rddreg [dreg:$0x2];
	[bflag:$0x3] =	sbarrier.arrive $0xFFFF;
	s2 =	simm.s32 @!p0 $0x1C15  }
0xee: {  	[timem:s3], [sflag:s2] =	dma.local @!p0 [hbm:s0], s1  }
0xef: {  	s0 =	simm.s32 @!p0 $0x15  }
0xf0: {  	_ =	swait.ge @!p0 [sflag:s0], s1  }
0xf1: {  	s1 =	ssub.s32 @!p0 $0x0, s1;
	[sflag:s0] =	ssyncset.done @!p0 $0x0  }
0xf2: {  	[sflag:s0] =	ssyncadd.s32 @!p0 s1  }
0xf3: {  	[bflag:$0x3] =	sbarrier.arrive $0xFFFF  }
0xf4: {  	_ =	shalt  }

// kernel: kernel.8.cloned.1.call-start
scs
__scs_entry_jumppad:
0x0: {  	(pc) =	sbr.rel $0x88, $3  }
0x1: {  	(tag) =	ssettag $0x0;
	lr =	simm.s32 $0x1  }
0x2: {  	[smem:$0x3F9B] =	sst lr;
	_ =	strace $0xD0000000  }
0x3: {  	_ = 	snop  }
0x4: {  	_ = 	snop  }
0x5: {  	_ = 	snop  }
0x6: {  	_ = 	snop  }
0x7: {  	_ = 	snop  }
__scs_overlays_trampoline_lowered:
0x8: {  	[smem:$0x3FAA] =	sst s0  }
0x9: {  	[smem:$0x3FAB] =	sst s1  }
0xa: {  	[smem:$0x3FAC] =	sst s2  }
0xb: {  	[smem:$0x3FAD] =	sst s3  }
0xc: {  	[smem:$0x3FAE] =	sst s4  }
0xd: {  	[smem:$0x3FAF] =	sst s5  }
0xe: {  	[smem:$0x3FB0] =	sst s6  }
0xf: {  	[smem:$0x3FB1] =	sst s7  }
0x10: {  	[smem:$0x3FB2] =	sst s8  }
0x11: {  	[smem:$0x3FB3] =	sst s9;
	s0 =	simm.s32 @!p0 $0x0  }
0x12: {  	s1 =	sld [smem:$0x3F99];
	s0 =	simm.s32 @p0 $0x1  }
0x13: {  	[smem:$0x3FB4] =	sst s0;
	s0 =	simm.s32 @!p1 $0x0  }
0x14: {  	s2 =	sld [smem:$0x3F98];
	s0 =	simm.s32 @p1 $0x1  }
0x15: {  	[smem:$0x3FB5] =	sst s0;
	s0 =	simm.s32 @!p2 $0x0  }
0x16: {  	s3 =	sld [smem:$0x3FDB];
	s0 =	simm.s32 @p2 $0x1  }
0x17: {  	s4 =	simm.s32 $0x1BF5;
	[smem:$0x3FB7] =	sst s0  }
0x18: {  	s0 =	sld [smem:$0x3F9A];
	_ =	swait.ge [sflag:s4], $0x0  }
0x19: {  	s7 =	sld [smem:$0x3F9B]  }
0x1a: {  	s8 =	sadd.s32 $0xFFFFE003, lr  }
0x1b: {  	s9 =	sadd.s32 $0xFFFFFEF7, lr;
	s5 =	simm.s32 $0xFFFFFFFF;
	p2 =	slt.u32 s8, $0xFFFFF086  }
0x1c: {  	p1 =	slt.u32 s9, $0xF7A;
	s5 =	simm.s32 @!p2 $0x0  }
0x1d: {  	s5 =	simm.s32 @p1 $0x1;
	p0 =	seq.s32 s7, s2  }
0x1e: {  	s7 =	smul.u32 @!p0 $0xF7A, s2;
	p2 =	seq.s32 @!p0 s5, $0x0  }
0x1f: {  	s9 =	smul.u32 $0xF7A, s1;
	s8 =	simm.s32 @!p0 $0x1BF5;
	p2 =	por !p2, p0  }
0x20: {  	[sflag:s8] =	ssyncset.s32 @!p0 $0xFFFFF086;
	s6 =	sadd.s32 @!p0 s3, s7;
	s7 =	simm.s32 @!p0 $0x108  }
0x21: {  	s3 =	sadd.s32 s3, s9;
	s6 =	sadd.s32 @!p0 $0x88, s6;
	s7 =	simm.s32 @p2 $0x1082  }
0x22: {  	[simem:s7], [sflag:s8] =	dma.local @!p0 [hbm:s6], $0xF7A  }
0x23: {  	s9 =	sor.u32 $0xD0000000, s2;
	s6 =	simm.s32 $0x108;
	_ =	swait.ge @!p0 [sflag:s8], $0x0  }
0x24: {  	s3 =	sadd.s32 $0x88, s3;
	s6 =	simm.s32 @!p1 $0x1082;
	[sflag:s4] =	ssyncset.s32 $0xFFFFF086  }
0x25: {  	[simem:s6], [sflag:s4] =	dma.local [hbm:s3], $0xF7A  }
0x26: {  	[smem:$0x3F9B] =	sst s1;
	(tag) =	ssettag s2;
	_ =	strace s9  }
0x27: {  	s1 =	sld [smem:$0x3FAB]  }
0x28: {  	s2 =	sld [smem:$0x3FAC]  }
0x29: {  	s4 =	sld [smem:$0x3FAE]  }
0x2a: {  	p0 =	seq.s32 s5, $0x0;
	s5 =	sld [smem:$0x3FAF]  }
0x2b: {  	s6 =	sld [smem:$0x3FB0]  }
0x2c: {  	s7 =	sld [smem:$0x3FB1]  }
0x2d: {  	s3 =	simm.s32 $0x108;
	s8 =	sld [smem:$0x3FB2]  }
0x2e: {  	s3 =	simm.s32 @!p0 $0x1082;
	s9 =	sld [smem:$0x3FB3]  }
0x2f: {  	lr =	sadd.s32 s0, s3;
	s0 =	sld [smem:$0x3FAA]  }
0x30: {  	s3 =	sld [smem:$0x3FAD]  }
0x31: {  	[smem:$0x3FB6] =	sst s10  }
0x32: {  	s10 =	sld [smem:$0x3FB4];
	_ =	sdelay $0x3  }
0x33: {  	p0 =	seq.s32 s10, $0x1;
	s10 =	sld [smem:$0x3FB6];
	_ =	sdelay $0x3  }
0x34: {  	[smem:$0x3FB6] =	sst s10  }
0x35: {  	s10 =	sld [smem:$0x3FB5];
	_ =	sdelay $0x3  }
0x36: {  	p1 =	seq.s32 s10, $0x1;
	s10 =	sld [smem:$0x3FB6];
	_ =	sdelay $0x3  }
0x37: {  	[smem:$0x3FB6] =	sst s10  }
0x38: {  	s10 =	sld [smem:$0x3FB7]  }
0x39: {  	_ = 	snop;
	(pc) =	sbr.ind lr, $3  }
0x3a: {  	_ = 	snop  }
0x3b: {  	_ = 	snop  }
0x3c: {  	p2 =	seq.s32 s10, $0x1;
	s10 =	sld [smem:$0x3FB6]  }
0x3d: {  	_ =	shalt  }
0x3e: {  	_ =	shalt  }
0x3f: {  	_ =	shalt  }
0x40: {  	_ =	shalt  }
0x41: {  	_ =	shalt  }
0x42: {  	_ =	shalt  }
0x43: {  	_ =	shalt  }
0x44: {  	_ =	shalt  }
0x45: {  	_ =	shalt  }
0x46: {  	_ =	shalt  }
0x47: {  	_ =	shalt  }
0x48: {  	_ =	shalt  }
0x49: {  	_ =	shalt  }
0x4a: {  	_ =	shalt  }
0x4b: {  	_ =	shalt  }
0x4c: {  	_ =	shalt  }
0x4d: {  	_ =	shalt  }
0x4e: {  	_ =	shalt  }
0x4f: {  	_ =	shalt  }
0x50: {  	_ =	shalt  }
0x51: {  	_ =	shalt  }
0x52: {  	_ =	shalt  }
0x53: {  	_ =	shalt  }
0x54: {  	_ =	shalt  }
0x55: {  	_ =	shalt  }
0x56: {  	_ =	shalt  }
0x57: {  	_ =	shalt  }
0x58: {  	_ =	shalt  }
0x59: {  	_ =	shalt  }
0x5a: {  	_ =	shalt  }
0x5b: {  	_ =	shalt  }
0x5c: {  	_ =	shalt  }
0x5d: {  	_ =	shalt  }
0x5e: {  	_ =	shalt  }
0x5f: {  	_ =	shalt  }
0x60: {  	_ =	shalt  }
0x61: {  	_ =	shalt  }
0x62: {  	_ =	shalt  }
0x63: {  	_ =	shalt  }
0x64: {  	_ =	shalt  }
0x65: {  	_ =	shalt  }
0x66: {  	_ =	shalt  }
0x67: {  	_ =	shalt  }
0x68: {  	_ =	shalt  }
0x69: {  	_ =	shalt  }
0x6a: {  	_ =	shalt  }
0x6b: {  	_ =	shalt  }
0x6c: {  	_ =	shalt  }
0x6d: {  	_ =	shalt  }
0x6e: {  	_ =	shalt  }
0x6f: {  	_ =	shalt  }
0x70: {  	_ =	shalt  }
0x71: {  	_ =	shalt  }
0x72: {  	_ =	shalt  }
0x73: {  	_ =	shalt  }
0x74: {  	_ =	shalt  }
0x75: {  	_ =	shalt  }
0x76: {  	_ =	shalt  }
0x77: {  	_ =	shalt  }
0x78: {  	_ =	shalt  }
0x79: {  	_ =	shalt  }
0x7a: {  	_ =	shalt  }
0x7b: {  	_ =	shalt  }
0x7c: {  	_ =	shalt  }
0x7d: {  	_ =	shalt  }
0x7e: {  	_ =	shalt  }
0x7f: {  	_ =	shalt  }
0x80: {  	_ =	shalt  }
0x81: {  	_ =	shalt  }
0x82: {  	_ =	shalt  }
0x83: {  	_ =	shalt  }
0x84: {  	_ =	shalt  }
0x85: {  	_ =	shalt  }
0x86: {  	_ =	shalt  }
0x87: {  	_ =	shalt  }
.Lfunc_end0:
.L_simem_size_0:
called_computation_lowered:
.L_overlay_start_0:
0x88: {  	s2 =	sld [smem:$0x3FD9]  }
0x89: {  	s3 =	sld [smem:$0x3FFE];
	_ =	sdelay $0x1  }
0x8a: {  	s1 =	srdreg.scid  }
0x8b: {  	s0 =	sand.u32 $0x1, s1  }
0x8c: {  	s16 =	sshll.u32 s0, $0xA;
	s2 =	sadd.s32 s3, s2  }
0x8d: {  	s2 =	sadd.s32 s2, s16  }
0x8e: {  	[smem:$0x3FC2] =	sst s2  }
0x8f: {  	_ = 	snop  }
0x90: {  	(tm) =	ssettm $0x1  }
0x91: {  	s17 =	sld [smem:$0x3FFB];
	_ =	sdelay $0x3  }
0x92: {  	_ =	strace s17  }
0x93: {  	s2 =	sld [smem:$0x3FFC];
	_ =	sdelay $0x3  }
0x94: {  	_ =	strace s2  }
0x95: {  	s2 =	sld [smem:$0x3FFD];
	_ =	sdelay $0x3  }
0x96: {  	_ =	strace s2  }
0x97: {  	_ =	strace $0x8FFFFFFF  }
0x98: {  	s18 =	sld [smem:$0x3FDB];
	_ =	sdelay $0x1  }
0x99: {  	s19 =	simm.s32 $_scs_section_size  }
0x9a: {  	s4 =	simm.s32 $_size__tile_overlayer_lowered;
	s5 =	simm.s32 $_tile_overlayer_lowered  }
0x9b: {  	s22 =	simm.s32 $0x1BFF;
	s21 =	sshll.u32 s5, $0x1;
	s2 =	sadd.s32 s19, s18  }
0x9c: {  	s6 =	simm.s32 $0x0;
	s20 =	sshll.u32 s4, $0x1;
	s4 =	sadd.s32 s21, s2  }
0x9d: {  	[timem:s6], [sflag:s22] =	dma.local [hbm:s4], s20  }
0x9e: {  	_ =	swait.ge [sflag:s22], s20  }
0x9f: {  	s3 =	ssub.s32 $0x0, s20;
	[sflag:s22] =	ssyncset.done $0x0  }
0xa0: {  	[sflag:s22] =	ssyncadd.s32 s3;
	_ =	sdelay $0x1  }
0xa1: {  	s23 =	simm.s32 $0x1B8B  }
0xa2: {  	_ =	swait.ge [sflag:s23], $0x1  }
0xa3: {  	[sflag:s23] =	ssyncset.done $0x0  }
0xa4: {  	s25 =	simm.s32 $0x1B8E;
	s24 =	sld [smem:$0x3FFE];
	[sflag:s23] =	ssyncadd.s32 $0xFFFFFFFF  }
0xa5: {  	s26 =	simm.s32 $execute0_lowered;
	[smem:$0x3FD2] =	sst s25  }
0xa6: {  	s4 =	sshll.u32 s26, $0x1;
	_ =	strace $0x80000046;
	[dreg:$0x1] =	wrdreg $0xFFFFFFFF  }
0xa7: {  	s28 =	simm.s32 $_size_execute0_lowered;
	s2 =	sadd.s32 s2, s4;
	[dreg:$0x0] =	wrdreg $0x0  }
0xa8: {  	s4 =	sshll.u32 s28, $0x1;
	[dreg:$0x2] =	wrdreg s2  }
0xa9: {  	[dreg:$0x3] =	wrdreg s4  }
0xaa: {  	[dreg:$0x4] =	wrdreg $0xC0  }
0xab: {  	_ =	task [dreg:s6], $0x5FFFF  }
0xac: {  	[dreg:$0x1] =	wrdreg $0xFFFFFFFF  }
0xad: {  	[dreg:$0x0] =	wrdreg $0x60  }
0xae: {  	[dreg:$0x2] =	wrdreg s24  }
0xaf: {  	[dreg:$0x3] =	wrdreg $0x53200  }
0xb0: {  	[dreg:$0x4] =	wrdreg $0x7B200  }
0xb1: {  	[dreg:$0x5] =	wrdreg $0x9  }
0xb2: {  	_ =	task.clear_ibuf [dreg:s6], $0x6FFFF;
	_ =	strace $0x90000046  }
0xb3: {  	s29 =	simm.s32 $0x9;
	_ =	strace $0x80000048  }
0xb4: {  	_ =	swait.ge [sflag:s29], $0x1  }
0xb5: {  	[sflag:s29] =	ssyncadd.s32 $0xFFFFFFFF  }
0xb6: {  	_ =	strace $0x90000048  }
0xb7: {  	_ =	sfence  }
0xb8: {  	s30 =	sld [smem:$0x0];
	_ =	sdelay $0x2  }
0xb9: {  	s31 =	sshll.u32 s1, $0xD;
	s1 =	sshrl.u32 s1, $0x2  }
0xba: {  	s3 =	sand.u32 $0x4000, s31;
	s1 =	sadd.s32 s1, s30  }
0xbb: {  	s0 =	sor.u32 s3, s0;
	s1 =	sshll.u32 s1, $0x11  }
0xbc: {  	s0 =	sor.u32 s1, s0  }
0xbd: {  	s0 =	sadd.s32 $0x8F2B, s0  }
0xbe: {  	[sflag:s0] =	ssyncadd.remote.s32 $0x1  }
0xbf: {  	_ =	sfence.sel $0xFFFF  }
0xc0: {  	[dreg:$0x0] =	wrdreg $0xFFFFFFFF;
	(pc) =	sbr.abs _section_cstart, $3  }
0xc1: {  	[dreg:$0x1] =	wrdreg $0xFFFFFFFF  }
0xc2: {  	_ =	task.clear_ibuf [dreg:s6], $0x2FFFF;
	_ =	strace $0x9FFFFFFF  }
0xc3: {  	(tm) =	ssettm $0x7FFFFFFF  }
tec
execute0_lowered:
.L_overlay_start_1:
0x0: {  	(tag) =	ssettag $0x1  }
0x1: {  	s7 =	rddreg [dreg:$0x0]  }
0x2: {  	s2 =	rddreg [dreg:$0x1]  }
0x3: {  	s0 =	srdreg.scid;
	s3 =	rddreg [dreg:$0x2];
	s4 =	simm.s32 $0x0  }
0x4: {  	s13 =	simm.s32 $0x2710;
	s14 =	simm.s32 $0x4E20;
	s18 =	simm.s32 $0x50  }
0x5: {  	s19 =	simm.s32 $0x1;
	s6 =	sand.u32 $0x1, s0;
	s0 =	stileid.u32  }
0x6: {  	s20 =	simm.s32 $0x0;
	[smem:$0x7FF] =	sst s4;
	s9 =	smul.u32 $0x2800, s0  }
0x7: {  	s1 =	sshll.u32 s6, $0x4;
	s8 =	smul.u32 $0x50000, s6;
	s11 =	ssub.s32 $0x2, s6  }
0x8: {  	s6 =	sadd.s32 $0x15200, s7;
	s15 =	sshll.u32 s0, $0x6;
	s1 =	sor.u32 s0, s1  }
0x9: {  	s31 =	sshrl.u32 s11, $0x1;
	s15 =	sor.u32 $0x1C02, s15;
	s5 =	smul.u32 $0x4E2, s1  }
0xa: {  	s1 =	rddreg [dreg:$0x3];
	_ =	strace $0x80000047;
	s8 =	sadd.s32 s9, s8  }
0xb: {  	s11 =	ssub.s32 s11, s31;
	s16 =	sadd.s32 s9, s2;
	s17 =	sadd.s32 s9, s3  }
0xc: {  	s8 =	sshrl.u32 s8, $0x3;
	s11 =	smax.u32 s11, $0x1;
	s16 =	sshrl.u32 s16, $0x3  }
0xd: {  	s17 =	sshrl.u32 s17, $0x3;
	s10 =	sadd.s32 s5, s7;
	s5 =	sadd.s32 $0x15800, s7  }
0xe: {  	s12 =	sadd.s32 s8, s7;
	s7 =	sadd.s32 $0xB400, s10;
	s8 =	sadd.s32 $0x1600, s10  }
0xf: {  	s9 =	sadd.s32 $0x15A00, s12;
	s10 =	sadd.s32 $0x1AA00, s12;
	s12 =	simm.s32 $0x2  }
.LBB2_1:
0x10: {  	[tilespmem:s4], [sflag:$0x2] =	stream.linear.gather [hbm4b:s7+s4], $0x2710, $0x38;
	[tilespmem:$0xA320] =	vst v63  }
0x11: {  	_ =	swait.ge [sflag:s12], $0x2710  }
0x12: {  	[sflag:s12] =	ssyncset.done $0x0  }
0x13: {  	[sflag:s12] =	ssyncadd.s32 $0xFFFFD8F0  }
0x14: {  	[tilespmem:s13], [sflag:$0x2] =	stream.linear.gather [hbm4b:s8+s4], $0x2710, $0x38;
	[tilespmem:$0xA320] =	vst v63  }
0x15: {  	_ =	swait.ge [sflag:s12], $0x2710  }
0x16: {  	[sflag:s12] =	ssyncset.done $0x0  }
0x17: {  	[sflag:s12] =	ssyncadd.s32 $0xFFFFD8F0  }
0x18: {  	[tilespmem:s14], [sflag:$0x2] =	stream.linear.gather [hbm4b:s5+s4], $0x500, $0x38;
	[tilespmem:$0xA320] =	vst v63  }
0x19: {  	_ =	swait.ge [sflag:s12], $0x500  }
0x1a: {  	[sflag:s12] =	ssyncset.done $0x0  }
0x1b: {  	[sflag:s12] =	ssyncadd.s32 $0xFFFFFB00  }
0x1c: {  	[spmem:s16], [sflag:s15] =	dma.local [hbm:s6], $0x500  }
0x1d: {  	_ =	swait.ge [sflag:s12], $0x500  }
0x1e: {  	[sflag:s12] =	ssyncset.done $0x0  }
0x1f: {  	[sflag:s12] =	ssyncadd.s32 $0xFFFFFB00  }
0x20: {  	[spmem:s17], [sflag:s15] =	dma.local [hbm:s6], $0x500  }
0x21: {  	_ =	swait.ge [sflag:s12], $0x500  }
0x22: {  	[sflag:s12] =	ssyncset.done $0x0  }
0x23: {  	[sflag:s12] =	ssyncadd.s32 $0xFFFFFB00  }
0x24: {  	s21 =	simm.s32 $0x0;
	[bflag:$0x0] =	sbarrier.arrive $0xFFFF  }
0x25: {  	[spmem:s2] =	stream.indirect.scatter.add.f32 [tilespmem:s14], [sflag:$0x1], $0x10, s21, s18, $0xb8;
	[tilespmem:$0xA320] =	vst v63  }
0x26: {  	s22 =	simm.s32 $0x2710;
	s21 =	simm.s32 $0x140  }
.LBB2_2:
0x27: {  	[spmem:s3] =	stream.indirect.scatter.add.f32 [tilespmem:s14], [sflag:$0x1], $0x10, s22, s18, $0xb8;
	[tilespmem:$0xA320] =	vst v63  }
0x28: {  	s22 =	smov.u32 s21;
	p0 =	sne.s32 s21, $0x9B00  }
.Ltmp0:
0x29: {  	s21 =	sadd.s32 $0x140, s21;
	(pc) =	sbr.rel @p0 .LBB2_2-.Ltmp0, $4  }
0x2a: {  	_ = 	snop  }
0x2b: {  	s22 =	sshra.s32 s22, $0x2  }
0x2c: {  	[spmem:s2] =	stream.indirect.scatter.add.f32 [tilespmem:s14], [sflag:$0x1], $0x10, s22, s18, $0xb8;
	[tilespmem:$0xA320] =	vst v63  }
0x2d: {  	s22 =	sadd.s32 $0x2710, s22  }
0x2e: {  	[spmem:s3] =	stream.indirect.scatter.add.f32 [tilespmem:s14], [sflag:$0x1], $0x10, s22, s18, $0xb8;
	[tilespmem:$0xA320] =	vst v63  }
0x2f: {  	_ =	swait.ge [sflag:s19], $0x500  }
0x30: {  	[sflag:s19] =	ssyncset.done $0x0  }
0x31: {  	[sflag:s19] =	ssyncadd.s32 $0xFFFFFB00  }
0x32: {  	_ =	swait.ge [sflag:s19], $0x500  }
0x33: {  	s21 =	simm.s32 $0x7C;
	[sflag:s19] =	ssyncset.done $0x0  }
.LBB2_4:
0x34: {  	p0 =	sne.s32 s21, $0x1;
	s21 =	sadd.s32 $0xFFFFFFFF, s21;
	[sflag:s19] =	ssyncadd.s32 $0xFFFFFB00  }
.Ltmp1:
0x35: {  	_ =	swait.ge [sflag:s19], $0x500;
	(pc) =	sbr.rel @p0 .LBB2_4-.Ltmp1, $4  }
0x36: {  	[sflag:s19] =	ssyncset.done $0x0  }
0x37: {  	[sflag:s19] =	ssyncadd.s32 $0xFFFFFB00  }
0x38: {  	_ =	swait.ge [sflag:s19], $0x500  }
0x39: {  	[sflag:s19] =	ssyncset.done $0x0  }
0x3a: {  	[sflag:s19] =	ssyncadd.s32 $0xFFFFFB00  }
0x3b: {  	[bflag:$0x0] =	sbarrier.arrive $0xFFFF  }
0x3c: {  	[hbm:s9], [sflag:s15] =	dma.local [spmem:s16], $0x500  }
0x3d: {  	s20 =	sadd.s32 $0x1, s20;
	_ =	swait.ge [sflag:s12], $0x500  }
0x3e: {  	p0 =	sne.s32 s20, s11;
	[sflag:s12] =	ssyncset.done $0x0  }
.Ltmp2:
0x3f: {  	[sflag:s12] =	ssyncadd.s32 $0xFFFFFB00;
	(pc) =	sbr.rel @p0 .LBB2_1-.Ltmp2, $4  }
0x40: {  	[hbm:s10], [sflag:s15] =	dma.local [spmem:s17], $0x500  }
0x41: {  	_ =	swait.ge [sflag:s12], $0x500  }
0x42: {  	[sflag:s12] =	ssyncset.done $0x0  }
0x43: {  	[sflag:s12] =	ssyncadd.s32 $0xFFFFFB00  }
0x44: {  	_ =	sfence.sel $0x180000  }
0x45: {  	[bflag:$0x0] =	sbarrier.arrive $0xFFFF  }
0x46: {  	p0 =	sne.s32 s0, $0x0;
	_ =	strace $0x90000047  }
0x47: {  	s0 =	sadd.s32 @!p0 $0x100000, s1;
	[bflag:$0x2] =	sbarrier.arrive $0xFFFF  }
0x48: {  	[sflag:s0] =	ssyncadd.tile.s32 @!p0 $0x1;
	_ =	shalt  }
.Lfunc_end2:
_tile_overlayer_lowered:
.L_overlay_start_2:
0x49: {  	(tag) =	ssettag $0x2  }
0x4a: {  	s0 =	rddreg [dreg:$0x0];
	s2 =	stileid.u32  }
0x4b: {  	s1 =	rddreg [dreg:$0x1];
	p0 =	sne.s32 s2, $0x0  }
0x4c: {  	s3 =	rddreg [dreg:$0x2];
	[bflag:$0x3] =	sbarrier.arrive $0xFFFF;
	s2 =	simm.s32 @!p0 $0x1C02  }
0x4d: {  	[timem:s3], [sflag:s2] =	dma.local @!p0 [hbm:s0], s1  }
0x4e: {  	s0 =	simm.s32 @!p0 $0x2  }
0x4f: {  	_ =	swait.ge @!p0 [sflag:s0], s1  }
0x50: {  	s1 =	ssub.s32 @!p0 $0x0, s1;
	[sflag:s0] =	ssyncset.done @!p0 $0x0  }
0x51: {  	[sflag:s0] =	ssyncadd.s32 @!p0 s1  }
0x52: {  	[bflag:$0x3] =	sbarrier.arrive $0xFFFF  }
0x53: {  	_ =	shalt  }

</sc_bundles>
